<compile_context>
chip_gen: v7x
topology: tpu7x:2x2x1
jax: 0.10.2.dev20260603
libtpu: 0.0.44.dev20260713+nightly
codegen_flags: <defaults>
</compile_context>

<pallas_src>
import jax
import jax.numpy as jnp
from jax import lax
from jax.experimental import pallas as pl
from jax.experimental.pallas import tpu as pltpu
from jax.experimental.pallas import tpu_sc as plsc

B, K, H, W = 256, 21, 64, 64
HW = H * W
NC, NS = 2, 16
NW = NC * NS
BPW = B // NW
SL, LN = 32, 128


def _argmax_body(y_ref, out_ref):
    v = y_ref[0]
    m = jnp.max(jnp.max(v, axis=0), axis=0)
    pos = (lax.broadcasted_iota(jnp.int32, (H, W, B), 0) * W
           + lax.broadcasted_iota(jnp.int32, (H, W, B), 1))
    cand = jnp.where(v == m[None, None, :], pos, HW)
    idx = jnp.min(jnp.min(cand, axis=0), axis=0)
    row = jnp.where(m > 0.0, (idx % W) * H + idx // W, 0)
    out_ref[0, 0, :] = row.astype(jnp.int32)


def _argmax_rows(yt):
    return pl.pallas_call(
        _argmax_body,
        grid=(K,),
        in_specs=[pl.BlockSpec((1, H, W, B), lambda i: (i, 0, 0, 0))],
        out_specs=pl.BlockSpec((1, 1, B), lambda i: (i, 0, 0)),
        out_shape=jax.ShapeDtypeStruct((K, 1, B), jnp.int32),
    )(yt)


def _table_body(t_ref):
    px = pl.program_id(0)
    py = lax.broadcasted_iota(jnp.int32, (H, SL, LN), 0)
    s = lax.broadcasted_iota(jnp.int32, (H, SL, LN), 1)
    l = lax.broadcasted_iota(jnp.int32, (H, SL, LN), 2)
    yy = 2 * s + (l >> 6)
    xx = l & 63
    dx = (xx - px).astype(jnp.float32)
    dy = (yy - py).astype(jnp.float32)
    d2 = dx * dx + dy * dy
    g = jnp.exp(d2 * (-1.0 / 8.0))
    m = (jnp.abs(dx) <= 6.0) & (jnp.abs(dy) <= 6.0)
    t_ref[...] = jnp.where(m, g, 0.0)


def _make_table():
    return pl.pallas_call(
        _table_body,
        grid=(W,),
        out_specs=pl.BlockSpec((H, SL, LN), lambda i: (i, 0, 0)),
        out_shape=jax.ShapeDtypeStruct((HW, SL, LN), jnp.float32),
    )()


def _sc_body(table_hbm, rows_hbm, gt_hbm, s_hbm, idx_v, rows_v, s_v, gsem, wsem):
    wid = lax.axis_index("s") * NC + lax.axis_index("c")
    b0 = wid * BPW
    pltpu.sync_copy(rows_hbm.at[pl.ds(b0, BPW)], idx_v)
    for i in range(BPW):
        pltpu.async_copy(table_hbm.at[idx_v.at[i]], rows_v, gsem).wait()
        gt_cp = pltpu.async_copy(rows_v, gt_hbm.at[b0 + i], wsem)

        def body(j, carry):
            s_ix = j >> 3
            base = (j & 7) * 16
            vals = [rows_v[k, s_ix, pl.ds(base, 16)] for k in range(K)]
            while len(vals) > 1:
                nxt = [vals[p] + vals[p + 1] for p in range(0, len(vals) - 1, 2)]
                if len(vals) % 2:
                    nxt.append(vals[-1])
                vals = nxt
            s_v[s_ix, pl.ds(base, 16)] = vals[0]
            return carry

        lax.fori_loop(0, HW // 16, body, 0)
        s_cp = pltpu.async_copy(s_v, s_hbm.at[b0 + i], wsem)
        gt_cp.wait()
        s_cp.wait()


_sc_gather = pl.kernel(
    _sc_body,
    mesh=plsc.VectorSubcoreMesh(core_axis_name="c", subcore_axis_name="s"),
    out_type=[
        jax.ShapeDtypeStruct((B, K, SL, LN), jnp.float32),
        jax.ShapeDtypeStruct((B, SL, LN), jnp.float32),
    ],
    scratch_types=[
        pltpu.VMEM((BPW, K), jnp.int32),
        pltpu.VMEM((K, SL, LN), jnp.float32),
        pltpu.VMEM((SL, LN), jnp.float32),
        pltpu.SemaphoreType.DMA,
        pltpu.SemaphoreType.DMA,
    ],
)


def kernel(y, heatmaps, false_matrix):
    del false_matrix, heatmaps
    yt = jnp.transpose(y, (1, 2, 3, 0))
    rows = _argmax_rows(yt).reshape(K, B).T
    table = _make_table()
    gt_lin, s_lin = _sc_gather(table, rows)
    gt = gt_lin.reshape(B, K, H, W)
    s4 = s_lin.reshape(B, 1, H, W)
    gf = jnp.clip(s4 - gt, 0.0, 1.0)
    return gt, gf

# --- scband reference (transcript-rebuilt; emitter-appended) ---
"""Pipeline reference for scband-pseudo-label-generator2d-39934605918306 (READ-ONLY COPY).

The authoritative reference and input builder live on the scoring server;
editing this copy changes nothing except your own understanding.
"""

import jax, jax.numpy as jnp
import numpy as np


def _build_heatmaps(H, W, sigma):
    tmp_size = sigma * 3
    mu_x = np.arange(W, dtype=np.float32)[:, None, None, None]
    mu_y = np.arange(H, dtype=np.float32)[None, :, None, None]
    yy = np.arange(H, dtype=np.float32)[None, None, :, None]
    xx = np.arange(W, dtype=np.float32)[None, None, None, :]
    g = np.exp(-((xx - mu_x) ** 2 + (yy - mu_y) ** 2) / (2.0 * sigma ** 2))
    mask = (np.abs(xx - mu_x) <= tmp_size) & (np.abs(yy - mu_y) <= tmp_size)
    return (g * mask).astype(np.float32)


def setup_inputs(seed: int = 0) -> dict:
    key = jax.random.key(seed)
    B, K, H, W = 256, 21, 64, 64
    sigma = 2
    y = jax.random.normal(key, (B, K, H, W), dtype=jnp.float32)
    heatmaps = jnp.asarray(_build_heatmaps(H, W, sigma))
    false_matrix = jnp.asarray(1.0 - np.eye(K, dtype=np.float32))
    return {"y": y, "heatmaps": heatmaps, "false_matrix": false_matrix}


def reference(y, heatmaps, false_matrix):
    B, K, H, W = y.shape
    y = jax.lax.stop_gradient(y)  # mirrors y.detach()
    flat = y.reshape(B, K, H * W)
    # get_max_preds: argmax location per (B, K) heatmap
    idx = jnp.argmax(flat, axis=-1)
    maxvals = jnp.max(flat, axis=-1)
    px = idx % W  # preds[:, :, 0]
    py = idx // W  # preds[:, :, 1]
    valid = maxvals > 0.0  # pred_mask; preds *= mask -> 0 when invalid
    px = jnp.where(valid, px, 0)
    py = jnp.where(valid, py, 0)
    # gather precomputed gaussian heatmaps: heatmaps[mu_x][mu_y]
    gt = heatmaps[px.reshape(-1), py.reshape(-1)].reshape(B, K, H, W)
    # ground false: mix across keypoints via (1 - eye(K)), clip to [0, 1]
    gf = jnp.transpose(gt.reshape(B, K, H * W), (0, 2, 1))
    gf = jnp.clip(jnp.matmul(gf, false_matrix), 0.0, 1.0)
    gf = jnp.transpose(gf, (0, 2, 1)).reshape(B, K, H, W)
    return (gt, gf)

if __name__ == "__main__":
    import jax
    _d = setup_inputs()
    print(jax.jit(kernel)(*tuple(_d.values())))

</pallas_src>

<mosaic_0001>
#map = affine_map<(d0, d1) -> (0, 0, 0)>
#map1 = affine_map<(d0, d1) -> (0, 0)>
#map2 = affine_map<(d0, d1) -> (0, 0, 0, 0)>
module attributes {stable_mosaic.version = 14 : i64} {
  func.func @_sc_body(%arg0: i32, %arg1: i32, %arg2: memref<4096x32x128xf32, #tpu.memory_space<hbm>>, %arg3: memref<256x21xi32, #tpu.memory_space<hbm>>, %arg4: memref<256x21x32x128xf32, #tpu.memory_space<hbm>>, %arg5: memref<256x32x128xf32, #tpu.memory_space<hbm>>, %arg6: memref<8x21xi32, #tpu.memory_space<vmem>>, %arg7: memref<21x32x128xf32, #tpu.memory_space<vmem>>, %arg8: memref<32x128xf32, #tpu.memory_space<vmem>>, %arg9: memref<!tpu.dma_semaphore, #tpu.memory_space<semaphore_mem>>, %arg10: memref<!tpu.dma_semaphore, #tpu.memory_space<semaphore_mem>>) attributes {dimension_semantics = [#tpu.dimension_semantics<core_parallel>, #tpu.dimension_semantics<subcore_parallel>], iteration_bounds = array<i64: 2, 16>, scalar_prefetch = 0 : i64, scratch_operands = 5 : i64, tpu.core_type = #tpu.core_type<sc_vector_subcore>, window_params = [{transform_indices = #map}, {transform_indices = #map1}, {transform_indices = #map2}, {transform_indices = #map}]} {
    %mul3A = arith.constant 2 : i32
    %mul3A_0 = arith.muli %arg1, %mul3A : i32
    %add3A = arith.addi %mul3A_0, %arg0 : i32
    %mul3A_1 = arith.constant 8 : i32
    %mul3A_2 = arith.muli %add3A, %mul3A_1 : i32
    "tpu.region"() ({
      %run_scoped3A = tpu.sem_alloc : memref<!tpu.dma_semaphore, #tpu.memory_space<semaphore_mem>>
      %dma_start3A_496 = arith.constant 0 : i32
      %dma_start3A_497 = tpu.memref_slice %arg3[%mul3A_2, %dma_start3A_496] : memref<256x21xi32, #tpu.memory_space<hbm>> -> memref<8x21xi32, #tpu.memory_space<hbm>>
      %dma_start3A_498 = arith.constant 0 : i32
      %dma_start3A_499 = tpu.memref_slice %arg3[%mul3A_2, %dma_start3A_498] : memref<256x21xi32, #tpu.memory_space<hbm>> -> memref<8x21xi32, #tpu.memory_space<hbm>>
      tpu.enqueue_dma source(%dma_start3A_499 : memref<8x21xi32, #tpu.memory_space<hbm>>) target(%arg6 : memref<8x21xi32, #tpu.memory_space<vmem>>) target_semaphore(%run_scoped3A : memref<!tpu.dma_semaphore, #tpu.memory_space<semaphore_mem>>)
      %dma_wait3A_500 = arith.constant 0 : i32
      %dma_wait3A_501 = tpu.memref_slice %arg3[%mul3A_2, %dma_wait3A_500] : memref<256x21xi32, #tpu.memory_space<hbm>> -> memref<8x21xi32, #tpu.memory_space<hbm>>
      %dma_wait3A_502 = arith.constant 0 : i32
      %dma_wait3A_503 = tpu.memref_slice %arg3[%mul3A_2, %dma_wait3A_502] : memref<256x21xi32, #tpu.memory_space<hbm>> -> memref<8x21xi32, #tpu.memory_space<hbm>>
      tpu.wait_dma2 semaphore(%run_scoped3A : memref<!tpu.dma_semaphore, #tpu.memory_space<semaphore_mem>>) src(%dma_wait3A_503 : memref<8x21xi32, #tpu.memory_space<hbm>>) dst(%arg6 : memref<8x21xi32, #tpu.memory_space<vmem>>)
      tpu.yield
    }) : () -> ()
    %dma_start3A = arith.constant 0 : i32
    %dma_start3A_3 = arith.constant 0 : i32
    %dma_start3A_4 = tpu.memref_slice %arg6[%dma_start3A, %dma_start3A_3] : memref<8x21xi32, #tpu.memory_space<vmem>> -> memref<1x21xi32, #tpu.memory_space<vmem>>
    %dma_start3A_5 = tpu.memref_squeeze %dma_start3A_4 : memref<1x21xi32, #tpu.memory_space<vmem>> -> memref<21xi32, #tpu.memory_space<vmem>>
    %dma_start3A_6 = arith.constant 0 : i32
    %dma_start3A_7 = arith.constant 0 : i32
    %dma_start3A_8 = arith.constant 0 : i32
    %dma_start3A_9 = tpu.memref_slice %arg2[%dma_start3A_6, %dma_start3A_7, %dma_start3A_8] : memref<4096x32x128xf32, #tpu.memory_space<hbm>> -> memref<4096x32x128xf32, #tpu.memory_space<hbm>>
    tpu.enqueue_indirect_dma source(%dma_start3A_9 : memref<4096x32x128xf32, #tpu.memory_space<hbm>>) target(%arg7 : memref<21x32x128xf32, #tpu.memory_space<vmem>>) offsets(%dma_start3A_5 : memref<21xi32, #tpu.memory_space<vmem>>) semaphore(%arg9 : memref<!tpu.dma_semaphore, #tpu.memory_space<semaphore_mem>>)
    %dma_wait3A = arith.constant 0 : i32
    %dma_wait3A_10 = arith.constant 0 : i32
    %dma_wait3A_11 = tpu.memref_slice %arg6[%dma_wait3A, %dma_wait3A_10] : memref<8x21xi32, #tpu.memory_space<vmem>> -> memref<1x21xi32, #tpu.memory_space<vmem>>
    %dma_wait3A_12 = tpu.memref_squeeze %dma_wait3A_11 : memref<1x21xi32, #tpu.memory_space<vmem>> -> memref<21xi32, #tpu.memory_space<vmem>>
    %dma_wait3A_13 = arith.constant 0 : i32
    %dma_wait3A_14 = arith.constant 0 : i32
    %dma_wait3A_15 = arith.constant 0 : i32
    %dma_wait3A_16 = tpu.memref_slice %arg2[%dma_wait3A_13, %dma_wait3A_14, %dma_wait3A_15] : memref<4096x32x128xf32, #tpu.memory_space<hbm>> -> memref<4096x32x128xf32, #tpu.memory_space<hbm>>
    tpu.wait_indirect_dma semaphore(%arg9 : memref<!tpu.dma_semaphore, #tpu.memory_space<semaphore_mem>>) src(%dma_wait3A_16 : memref<4096x32x128xf32, #tpu.memory_space<hbm>>) dst(%arg7 : memref<21x32x128xf32, #tpu.memory_space<vmem>>)
    %add3A_17 = arith.constant 0 : i32
    %add3A_18 = arith.addi %mul3A_2, %add3A_17 : i32
    %dma_start3A_19 = arith.constant 0 : i32
    %dma_start3A_20 = arith.constant 0 : i32
    %dma_start3A_21 = arith.constant 0 : i32
    %dma_start3A_22 = tpu.memref_slice %arg4[%add3A_18, %dma_start3A_19, %dma_start3A_20, %dma_start3A_21] : memref<256x21x32x128xf32, #tpu.memory_space<hbm>> -> memref<1x21x32x128xf32, #tpu.memory_space<hbm>>
    %dma_start3A_23 = tpu.memref_squeeze %dma_start3A_22 : memref<1x21x32x128xf32, #tpu.memory_space<hbm>> -> memref<21x32x128xf32, #tpu.memory_space<hbm>>
    %dma_start3A_24 = arith.constant 0 : i32
    %dma_start3A_25 = arith.constant 0 : i32
    %dma_start3A_26 = arith.constant 0 : i32
    %dma_start3A_27 = tpu.memref_slice %arg4[%add3A_18, %dma_start3A_24, %dma_start3A_25, %dma_start3A_26] : memref<256x21x32x128xf32, #tpu.memory_space<hbm>> -> memref<1x21x32x128xf32, #tpu.memory_space<hbm>>
    %dma_start3A_28 = tpu.memref_squeeze %dma_start3A_27 : memref<1x21x32x128xf32, #tpu.memory_space<hbm>> -> memref<21x32x128xf32, #tpu.memory_space<hbm>>
    tpu.enqueue_dma source(%arg7 : memref<21x32x128xf32, #tpu.memory_space<vmem>>) target(%dma_start3A_28 : memref<21x32x128xf32, #tpu.memory_space<hbm>>) target_semaphore(%arg10 : memref<!tpu.dma_semaphore, #tpu.memory_space<semaphore_mem>>)
    %scan3A = arith.constant 0 : i32
    %scan3A_29 = arith.constant 0 : i32
    %scan3A_30 = arith.constant 256 : i32
    %scan3A_31 = arith.addi %scan3A_29, %scan3A_30 : i32
    %scan3A_32 = arith.constant 1 : i32
    scf.for %scan3A_496 = %scan3A_29 to %scan3A_31 step %scan3A_32  : i32 {
      %shift_right_arithmetic3A = arith.constant 3 : i32
      %shift_right_arithmetic3A_497 = arith.shrsi %scan3A_496, %shift_right_arithmetic3A : i32
      %and3A = arith.constant 7 : i32
      %and3A_498 = arith.andi %scan3A_496, %and3A : i32
      %mul3A_499 = arith.constant 16 : i32
      %mul3A_500 = arith.muli %and3A_498, %mul3A_499 : i32
      %get3A = arith.constant 0 : i32
      %get3A_501 = arith.index_cast %get3A : i32 to index
      %get3A_502 = arith.index_cast %shift_right_arithmetic3A_497 : i32 to index
      %get3A_503 = arith.index_cast %mul3A_500 : i32 to index
      %get3A_504 = tpu.vector_load %arg7[%get3A_501, %get3A_502, %get3A_503] {strides = array<i32>} : memref<21x32x128xf32, #tpu.memory_space<vmem>>, vector<1x1x16xf32>,
      %get3A_505 = vector.shape_cast %get3A_504 : vector<1x1x16xf32> to vector<16xf32>
      %get3A_506 = arith.constant 1 : i32
      %get3A_507 = arith.index_cast %get3A_506 : i32 to index
      %get3A_508 = arith.index_cast %shift_right_arithmetic3A_497 : i32 to index
      %get3A_509 = arith.index_cast %mul3A_500 : i32 to index
      %get3A_510 = tpu.vector_load %arg7[%get3A_507, %get3A_508, %get3A_509] {strides = array<i32>} : memref<21x32x128xf32, #tpu.memory_space<vmem>>, vector<1x1x16xf32>,
      %get3A_511 = vector.shape_cast %get3A_510 : vector<1x1x16xf32> to vector<16xf32>
      %get3A_512 = arith.constant 2 : i32
      %get3A_513 = arith.index_cast %get3A_512 : i32 to index
      %get3A_514 = arith.index_cast %shift_right_arithmetic3A_497 : i32 to index
      %get3A_515 = arith.index_cast %mul3A_500 : i32 to index
      %get3A_516 = tpu.vector_load %arg7[%get3A_513, %get3A_514, %get3A_515] {strides = array<i32>} : memref<21x32x128xf32, #tpu.memory_space<vmem>>, vector<1x1x16xf32>,
      %get3A_517 = vector.shape_cast %get3A_516 : vector<1x1x16xf32> to vector<16xf32>
      %get3A_518 = arith.constant 3 : i32
      %get3A_519 = arith.index_cast %get3A_518 : i32 to index
      %get3A_520 = arith.index_cast %shift_right_arithmetic3A_497 : i32 to index
      %get3A_521 = arith.index_cast %mul3A_500 : i32 to index
      %get3A_522 = tpu.vector_load %arg7[%get3A_519, %get3A_520, %get3A_521] {strides = array<i32>} : memref<21x32x128xf32, #tpu.memory_space<vmem>>, vector<1x1x16xf32>,
      %get3A_523 = vector.shape_cast %get3A_522 : vector<1x1x16xf32> to vector<16xf32>
      %get3A_524 = arith.constant 4 : i32
      %get3A_525 = arith.index_cast %get3A_524 : i32 to index
      %get3A_526 = arith.index_cast %shift_right_arithmetic3A_497 : i32 to index
      %get3A_527 = arith.index_cast %mul3A_500 : i32 to index
      %get3A_528 = tpu.vector_load %arg7[%get3A_525, %get3A_526, %get3A_527] {strides = array<i32>} : memref<21x32x128xf32, #tpu.memory_space<vmem>>, vector<1x1x16xf32>,
      %get3A_529 = vector.shape_cast %get3A_528 : vector<1x1x16xf32> to vector<16xf32>
      %get3A_530 = arith.constant 5 : i32
      %get3A_531 = arith.index_cast %get3A_530 : i32 to index
      %get3A_532 = arith.index_cast %shift_right_arithmetic3A_497 : i32 to index
      %get3A_533 = arith.index_cast %mul3A_500 : i32 to index
      %get3A_534 = tpu.vector_load %arg7[%get3A_531, %get3A_532, %get3A_533] {strides = array<i32>} : memref<21x32x128xf32, #tpu.memory_space<vmem>>, vector<1x1x16xf32>,
      %get3A_535 = vector.shape_cast %get3A_534 : vector<1x1x16xf32> to vector<16xf32>
      %get3A_536 = arith.constant 6 : i32
      %get3A_537 = arith.index_cast %get3A_536 : i32 to index
      %get3A_538 = arith.index_cast %shift_right_arithmetic3A_497 : i32 to index
      %get3A_539 = arith.index_cast %mul3A_500 : i32 to index
      %get3A_540 = tpu.vector_load %arg7[%get3A_537, %get3A_538, %get3A_539] {strides = array<i32>} : memref<21x32x128xf32, #tpu.memory_space<vmem>>, vector<1x1x16xf32>,
      %get3A_541 = vector.shape_cast %get3A_540 : vector<1x1x16xf32> to vector<16xf32>
      %get3A_542 = arith.constant 7 : i32
      %get3A_543 = arith.index_cast %get3A_542 : i32 to index
      %get3A_544 = arith.index_cast %shift_right_arithmetic3A_497 : i32 to index
      %get3A_545 = arith.index_cast %mul3A_500 : i32 to index
      %get3A_546 = tpu.vector_load %arg7[%get3A_543, %get3A_544, %get3A_545] {strides = array<i32>} : memref<21x32x128xf32, #tpu.memory_space<vmem>>, vector<1x1x16xf32>,
      %get3A_547 = vector.shape_cast %get3A_546 : vector<1x1x16xf32> to vector<16xf32>
      %get3A_548 = arith.constant 8 : i32
      %get3A_549 = arith.index_cast %get3A_548 : i32 to index
      %get3A_550 = arith.index_cast %shift_right_arithmetic3A_497 : i32 to index
      %get3A_551 = arith.index_cast %mul3A_500 : i32 to index
      %get3A_552 = tpu.vector_load %arg7[%get3A_549, %get3A_550, %get3A_551] {strides = array<i32>} : memref<21x32x128xf32, #tpu.memory_space<vmem>>, vector<1x1x16xf32>,
      %get3A_553 = vector.shape_cast %get3A_552 : vector<1x1x16xf32> to vector<16xf32>
      %get3A_554 = arith.constant 9 : i32
      %get3A_555 = arith.index_cast %get3A_554 : i32 to index
      %get3A_556 = arith.index_cast %shift_right_arithmetic3A_497 : i32 to index
      %get3A_557 = arith.index_cast %mul3A_500 : i32 to index
      %get3A_558 = tpu.vector_load %arg7[%get3A_555, %get3A_556, %get3A_557] {strides = array<i32>} : memref<21x32x128xf32, #tpu.memory_space<vmem>>, vector<1x1x16xf32>,
      %get3A_559 = vector.shape_cast %get3A_558 : vector<1x1x16xf32> to vector<16xf32>
      %get3A_560 = arith.constant 10 : i32
      %get3A_561 = arith.index_cast %get3A_560 : i32 to index
      %get3A_562 = arith.index_cast %shift_right_arithmetic3A_497 : i32 to index
      %get3A_563 = arith.index_cast %mul3A_500 : i32 to index
      %get3A_564 = tpu.vector_load %arg7[%get3A_561, %get3A_562, %get3A_563] {strides = array<i32>} : memref<21x32x128xf32, #tpu.memory_space<vmem>>, vector<1x1x16xf32>,
      %get3A_565 = vector.shape_cast %get3A_564 : vector<1x1x16xf32> to vector<16xf32>
      %get3A_566 = arith.constant 11 : i32
      %get3A_567 = arith.index_cast %get3A_566 : i32 to index
      %get3A_568 = arith.index_cast %shift_right_arithmetic3A_497 : i32 to index
      %get3A_569 = arith.index_cast %mul3A_500 : i32 to index
      %get3A_570 = tpu.vector_load %arg7[%get3A_567, %get3A_568, %get3A_569] {strides = array<i32>} : memref<21x32x128xf32, #tpu.memory_space<vmem>>, vector<1x1x16xf32>,
      %get3A_571 = vector.shape_cast %get3A_570 : vector<1x1x16xf32> to vector<16xf32>
      %get3A_572 = arith.constant 12 : i32
      %get3A_573 = arith.index_cast %get3A_572 : i32 to index
      %get3A_574 = arith.index_cast %shift_right_arithmetic3A_497 : i32 to index
      %get3A_575 = arith.index_cast %mul3A_500 : i32 to index
      %get3A_576 = tpu.vector_load %arg7[%get3A_573, %get3A_574, %get3A_575] {strides = array<i32>} : memref<21x32x128xf32, #tpu.memory_space<vmem>>, vector<1x1x16xf32>,
      %get3A_577 = vector.shape_cast %get3A_576 : vector<1x1x16xf32> to vector<16xf32>
      %get3A_578 = arith.constant 13 : i32
      %get3A_579 = arith.index_cast %get3A_578 : i32 to index
      %get3A_580 = arith.index_cast %shift_right_arithmetic3A_497 : i32 to index
      %get3A_581 = arith.index_cast %mul3A_500 : i32 to index
      %get3A_582 = tpu.vector_load %arg7[%get3A_579, %get3A_580, %get3A_581] {strides = array<i32>} : memref<21x32x128xf32, #tpu.memory_space<vmem>>, vector<1x1x16xf32>,
      %get3A_583 = vector.shape_cast %get3A_582 : vector<1x1x16xf32> to vector<16xf32>
      %get3A_584 = arith.constant 14 : i32
      %get3A_585 = arith.index_cast %get3A_584 : i32 to index
      %get3A_586 = arith.index_cast %shift_right_arithmetic3A_497 : i32 to index
      %get3A_587 = arith.index_cast %mul3A_500 : i32 to index
      %get3A_588 = tpu.vector_load %arg7[%get3A_585, %get3A_586, %get3A_587] {strides = array<i32>} : memref<21x32x128xf32, #tpu.memory_space<vmem>>, vector<1x1x16xf32>,
      %get3A_589 = vector.shape_cast %get3A_588 : vector<1x1x16xf32> to vector<16xf32>
      %get3A_590 = arith.constant 15 : i32
      %get3A_591 = arith.index_cast %get3A_590 : i32 to index
      %get3A_592 = arith.index_cast %shift_right_arithmetic3A_497 : i32 to index
      %get3A_593 = arith.index_cast %mul3A_500 : i32 to index
      %get3A_594 = tpu.vector_load %arg7[%get3A_591, %get3A_592, %get3A_593] {strides = array<i32>} : memref<21x32x128xf32, #tpu.memory_space<vmem>>, vector<1x1x16xf32>,
      %get3A_595 = vector.shape_cast %get3A_594 : vector<1x1x16xf32> to vector<16xf32>
      %get3A_596 = arith.constant 16 : i32
      %get3A_597 = arith.index_cast %get3A_596 : i32 to index
      %get3A_598 = arith.index_cast %shift_right_arithmetic3A_497 : i32 to index
      %get3A_599 = arith.index_cast %mul3A_500 : i32 to index
      %get3A_600 = tpu.vector_load %arg7[%get3A_597, %get3A_598, %get3A_599] {strides = array<i32>} : memref<21x32x128xf32, #tpu.memory_space<vmem>>, vector<1x1x16xf32>,
      %get3A_601 = vector.shape_cast %get3A_600 : vector<1x1x16xf32> to vector<16xf32>
      %get3A_602 = arith.constant 17 : i32
      %get3A_603 = arith.index_cast %get3A_602 : i32 to index
      %get3A_604 = arith.index_cast %shift_right_arithmetic3A_497 : i32 to index
      %get3A_605 = arith.index_cast %mul3A_500 : i32 to index
      %get3A_606 = tpu.vector_load %arg7[%get3A_603, %get3A_604, %get3A_605] {strides = array<i32>} : memref<21x32x128xf32, #tpu.memory_space<vmem>>, vector<1x1x16xf32>,
      %get3A_607 = vector.shape_cast %get3A_606 : vector<1x1x16xf32> to vector<16xf32>
      %get3A_608 = arith.constant 18 : i32
      %get3A_609 = arith.index_cast %get3A_608 : i32 to index
      %get3A_610 = arith.index_cast %shift_right_arithmetic3A_497 : i32 to index
      %get3A_611 = arith.index_cast %mul3A_500 : i32 to index
      %get3A_612 = tpu.vector_load %arg7[%get3A_609, %get3A_610, %get3A_611] {strides = array<i32>} : memref<21x32x128xf32, #tpu.memory_space<vmem>>, vector<1x1x16xf32>,
      %get3A_613 = vector.shape_cast %get3A_612 : vector<1x1x16xf32> to vector<16xf32>
      %get3A_614 = arith.constant 19 : i32
      %get3A_615 = arith.index_cast %get3A_614 : i32 to index
      %get3A_616 = arith.index_cast %shift_right_arithmetic3A_497 : i32 to index
      %get3A_617 = arith.index_cast %mul3A_500 : i32 to index
      %get3A_618 = tpu.vector_load %arg7[%get3A_615, %get3A_616, %get3A_617] {strides = array<i32>} : memref<21x32x128xf32, #tpu.memory_space<vmem>>, vector<1x1x16xf32>,
      %get3A_619 = vector.shape_cast %get3A_618 : vector<1x1x16xf32> to vector<16xf32>
      %get3A_620 = arith.constant 20 : i32
      %get3A_621 = arith.index_cast %get3A_620 : i32 to index
      %get3A_622 = arith.index_cast %shift_right_arithmetic3A_497 : i32 to index
      %get3A_623 = arith.index_cast %mul3A_500 : i32 to index
      %get3A_624 = tpu.vector_load %arg7[%get3A_621, %get3A_622, %get3A_623] {strides = array<i32>} : memref<21x32x128xf32, #tpu.memory_space<vmem>>, vector<1x1x16xf32>,
      %get3A_625 = vector.shape_cast %get3A_624 : vector<1x1x16xf32> to vector<16xf32>
      %add3A_626 = arith.addf %get3A_505, %get3A_511 : vector<16xf32>
      %add3A_627 = arith.addf %get3A_517, %get3A_523 : vector<16xf32>
      %add3A_628 = arith.addf %get3A_529, %get3A_535 : vector<16xf32>
      %add3A_629 = arith.addf %get3A_541, %get3A_547 : vector<16xf32>
      %add3A_630 = arith.addf %get3A_553, %get3A_559 : vector<16xf32>
      %add3A_631 = arith.addf %get3A_565, %get3A_571 : vector<16xf32>
      %add3A_632 = arith.addf %get3A_577, %get3A_583 : vector<16xf32>
      %add3A_633 = arith.addf %get3A_589, %get3A_595 : vector<16xf32>
      %add3A_634 = arith.addf %get3A_601, %get3A_607 : vector<16xf32>
      %add3A_635 = arith.addf %get3A_613, %get3A_619 : vector<16xf32>
      %add3A_636 = arith.addf %add3A_626, %add3A_627 : vector<16xf32>
      %add3A_637 = arith.addf %add3A_628, %add3A_629 : vector<16xf32>
      %add3A_638 = arith.addf %add3A_630, %add3A_631 : vector<16xf32>
      %add3A_639 = arith.addf %add3A_632, %add3A_633 : vector<16xf32>
      %add3A_640 = arith.addf %add3A_634, %add3A_635 : vector<16xf32>
      %add3A_641 = arith.addf %add3A_636, %add3A_637 : vector<16xf32>
      %add3A_642 = arith.addf %add3A_638, %add3A_639 : vector<16xf32>
      %add3A_643 = arith.addf %add3A_640, %get3A_625 : vector<16xf32>
      %add3A_644 = arith.addf %add3A_641, %add3A_642 : vector<16xf32>
      %add3A_645 = arith.addf %add3A_644, %add3A_643 : vector<16xf32>
      %swap3A = arith.index_cast %shift_right_arithmetic3A_497 : i32 to index
      %swap3A_646 = arith.index_cast %mul3A_500 : i32 to index
      %swap3A_647 = tpu.vector_load %arg8[%swap3A, %swap3A_646] {strides = array<i32>} : memref<32x128xf32, #tpu.memory_space<vmem>>, vector<1x16xf32>,
      %swap3A_648 = vector.shape_cast %swap3A_647 : vector<1x16xf32> to vector<16xf32>
      %swap3A_649 = vector.shape_cast %add3A_645 : vector<16xf32> to vector<1x16xf32>
      tpu.vector_store %arg8[%swap3A, %swap3A_646], %swap3A_649 {strides = array<i32>} : memref<32x128xf32, #tpu.memory_space<vmem>>, vector<1x16xf32>,
    }
    %scan3A_33 = arith.constant 256 : i32
    %add3A_34 = arith.constant 0 : i32
    %add3A_35 = arith.addi %mul3A_2, %add3A_34 : i32
    %dma_start3A_36 = arith.constant 0 : i32
    %dma_start3A_37 = arith.constant 0 : i32
    %dma_start3A_38 = tpu.memref_slice %arg5[%add3A_35, %dma_start3A_36, %dma_start3A_37] : memref<256x32x128xf32, #tpu.memory_space<hbm>> -> memref<1x32x128xf32, #tpu.memory_space<hbm>>
    %dma_start3A_39 = tpu.memref_squeeze %dma_start3A_38 : memref<1x32x128xf32, #tpu.memory_space<hbm>> -> memref<32x128xf32, #tpu.memory_space<hbm>>
    %dma_start3A_40 = arith.constant 0 : i32
    %dma_start3A_41 = arith.constant 0 : i32
    %dma_start3A_42 = tpu.memref_slice %arg5[%add3A_35, %dma_start3A_40, %dma_start3A_41] : memref<256x32x128xf32, #tpu.memory_space<hbm>> -> memref<1x32x128xf32, #tpu.memory_space<hbm>>
    %dma_start3A_43 = tpu.memref_squeeze %dma_start3A_42 : memref<1x32x128xf32, #tpu.memory_space<hbm>> -> memref<32x128xf32, #tpu.memory_space<hbm>>
    tpu.enqueue_dma source(%arg8 : memref<32x128xf32, #tpu.memory_space<vmem>>) target(%dma_start3A_43 : memref<32x128xf32, #tpu.memory_space<hbm>>) target_semaphore(%arg10 : memref<!tpu.dma_semaphore, #tpu.memory_space<semaphore_mem>>)
    %dma_wait3A_44 = arith.constant 0 : i32
    %dma_wait3A_45 = arith.constant 0 : i32
    %dma_wait3A_46 = arith.constant 0 : i32
    %dma_wait3A_47 = tpu.memref_slice %arg4[%add3A_18, %dma_wait3A_44, %dma_wait3A_45, %dma_wait3A_46] : memref<256x21x32x128xf32, #tpu.memory_space<hbm>> -> memref<1x21x32x128xf32, #tpu.memory_space<hbm>>
    %dma_wait3A_48 = tpu.memref_squeeze %dma_wait3A_47 : memref<1x21x32x128xf32, #tpu.memory_space<hbm>> -> memref<21x32x128xf32, #tpu.memory_space<hbm>>
    %dma_wait3A_49 = arith.constant 0 : i32
    %dma_wait3A_50 = arith.constant 0 : i32
    %dma_wait3A_51 = arith.constant 0 : i32
    %dma_wait3A_52 = tpu.memref_slice %arg4[%add3A_18, %dma_wait3A_49, %dma_wait3A_50, %dma_wait3A_51] : memref<256x21x32x128xf32, #tpu.memory_space<hbm>> -> memref<1x21x32x128xf32, #tpu.memory_space<hbm>>
    %dma_wait3A_53 = tpu.memref_squeeze %dma_wait3A_52 : memref<1x21x32x128xf32, #tpu.memory_space<hbm>> -> memref<21x32x128xf32, #tpu.memory_space<hbm>>
    tpu.wait_dma2 semaphore(%arg10 : memref<!tpu.dma_semaphore, #tpu.memory_space<semaphore_mem>>) src(%arg7 : memref<21x32x128xf32, #tpu.memory_space<vmem>>) dst(%dma_wait3A_53 : memref<21x32x128xf32, #tpu.memory_space<hbm>>)
    %dma_wait3A_54 = arith.constant 0 : i32
    %dma_wait3A_55 = arith.constant 0 : i32
    %dma_wait3A_56 = tpu.memref_slice %arg5[%add3A_35, %dma_wait3A_54, %dma_wait3A_55] : memref<256x32x128xf32, #tpu.memory_space<hbm>> -> memref<1x32x128xf32, #tpu.memory_space<hbm>>
    %dma_wait3A_57 = tpu.memref_squeeze %dma_wait3A_56 : memref<1x32x128xf32, #tpu.memory_space<hbm>> -> memref<32x128xf32, #tpu.memory_space<hbm>>
    %dma_wait3A_58 = arith.constant 0 : i32
    %dma_wait3A_59 = arith.constant 0 : i32
    %dma_wait3A_60 = tpu.memref_slice %arg5[%add3A_35, %dma_wait3A_58, %dma_wait3A_59] : memref<256x32x128xf32, #tpu.memory_space<hbm>> -> memref<1x32x128xf32, #tpu.memory_space<hbm>>
    %dma_wait3A_61 = tpu.memref_squeeze %dma_wait3A_60 : memref<1x32x128xf32, #tpu.memory_space<hbm>> -> memref<32x128xf32, #tpu.memory_space<hbm>>
    tpu.wait_dma2 semaphore(%arg10 : memref<!tpu.dma_semaphore, #tpu.memory_space<semaphore_mem>>) src(%arg8 : memref<32x128xf32, #tpu.memory_space<vmem>>) dst(%dma_wait3A_61 : memref<32x128xf32, #tpu.memory_space<hbm>>)
    %dma_start3A_62 = arith.constant 1 : i32
    %dma_start3A_63 = arith.constant 0 : i32
    %dma_start3A_64 = tpu.memref_slice %arg6[%dma_start3A_62, %dma_start3A_63] : memref<8x21xi32, #tpu.memory_space<vmem>> -> memref<1x21xi32, #tpu.memory_space<vmem>>
    %dma_start3A_65 = tpu.memref_squeeze %dma_start3A_64 : memref<1x21xi32, #tpu.memory_space<vmem>> -> memref<21xi32, #tpu.memory_space<vmem>>
    %dma_start3A_66 = arith.constant 0 : i32
    %dma_start3A_67 = arith.constant 0 : i32
    %dma_start3A_68 = arith.constant 0 : i32
    %dma_start3A_69 = tpu.memref_slice %arg2[%dma_start3A_66, %dma_start3A_67, %dma_start3A_68] : memref<4096x32x128xf32, #tpu.memory_space<hbm>> -> memref<4096x32x128xf32, #tpu.memory_space<hbm>>
    tpu.enqueue_indirect_dma source(%dma_start3A_69 : memref<4096x32x128xf32, #tpu.memory_space<hbm>>) target(%arg7 : memref<21x32x128xf32, #tpu.memory_space<vmem>>) offsets(%dma_start3A_65 : memref<21xi32, #tpu.memory_space<vmem>>) semaphore(%arg9 : memref<!tpu.dma_semaphore, #tpu.memory_space<semaphore_mem>>)
    %dma_wait3A_70 = arith.constant 1 : i32
    %dma_wait3A_71 = arith.constant 0 : i32
    %dma_wait3A_72 = tpu.memref_slice %arg6[%dma_wait3A_70, %dma_wait3A_71] : memref<8x21xi32, #tpu.memory_space<vmem>> -> memref<1x21xi32, #tpu.memory_space<vmem>>
    %dma_wait3A_73 = tpu.memref_squeeze %dma_wait3A_72 : memref<1x21xi32, #tpu.memory_space<vmem>> -> memref<21xi32, #tpu.memory_space<vmem>>
    %dma_wait3A_74 = arith.constant 0 : i32
    %dma_wait3A_75 = arith.constant 0 : i32
    %dma_wait3A_76 = arith.constant 0 : i32
    %dma_wait3A_77 = tpu.memref_slice %arg2[%dma_wait3A_74, %dma_wait3A_75, %dma_wait3A_76] : memref<4096x32x128xf32, #tpu.memory_space<hbm>> -> memref<4096x32x128xf32, #tpu.memory_space<hbm>>
    tpu.wait_indirect_dma semaphore(%arg9 : memref<!tpu.dma_semaphore, #tpu.memory_space<semaphore_mem>>) src(%dma_wait3A_77 : memref<4096x32x128xf32, #tpu.memory_space<hbm>>) dst(%arg7 : memref<21x32x128xf32, #tpu.memory_space<vmem>>)
    %add3A_78 = arith.constant 1 : i32
    %add3A_79 = arith.addi %mul3A_2, %add3A_78 : i32
    %dma_start3A_80 = arith.constant 0 : i32
    %dma_start3A_81 = arith.constant 0 : i32
    %dma_start3A_82 = arith.constant 0 : i32
    %dma_start3A_83 = tpu.memref_slice %arg4[%add3A_79, %dma_start3A_80, %dma_start3A_81, %dma_start3A_82] : memref<256x21x32x128xf32, #tpu.memory_space<hbm>> -> memref<1x21x32x128xf32, #tpu.memory_space<hbm>>
    %dma_start3A_84 = tpu.memref_squeeze %dma_start3A_83 : memref<1x21x32x128xf32, #tpu.memory_space<hbm>> -> memref<21x32x128xf32, #tpu.memory_space<hbm>>
    %dma_start3A_85 = arith.constant 0 : i32
    %dma_start3A_86 = arith.constant 0 : i32
    %dma_start3A_87 = arith.constant 0 : i32
    %dma_start3A_88 = tpu.memref_slice %arg4[%add3A_79, %dma_start3A_85, %dma_start3A_86, %dma_start3A_87] : memref<256x21x32x128xf32, #tpu.memory_space<hbm>> -> memref<1x21x32x128xf32, #tpu.memory_space<hbm>>
    %dma_start3A_89 = tpu.memref_squeeze %dma_start3A_88 : memref<1x21x32x128xf32, #tpu.memory_space<hbm>> -> memref<21x32x128xf32, #tpu.memory_space<hbm>>
    tpu.enqueue_dma source(%arg7 : memref<21x32x128xf32, #tpu.memory_space<vmem>>) target(%dma_start3A_89 : memref<21x32x128xf32, #tpu.memory_space<hbm>>) target_semaphore(%arg10 : memref<!tpu.dma_semaphore, #tpu.memory_space<semaphore_mem>>)
    %scan3A_90 = arith.constant 0 : i32
    %scan3A_91 = arith.constant 0 : i32
    %scan3A_92 = arith.constant 256 : i32
    %scan3A_93 = arith.addi %scan3A_91, %scan3A_92 : i32
    %scan3A_94 = arith.constant 1 : i32
    scf.for %scan3A_496 = %scan3A_91 to %scan3A_93 step %scan3A_94  : i32 {
      %shift_right_arithmetic3A = arith.constant 3 : i32
      %shift_right_arithmetic3A_497 = arith.shrsi %scan3A_496, %shift_right_arithmetic3A : i32
      %and3A = arith.constant 7 : i32
      %and3A_498 = arith.andi %scan3A_496, %and3A : i32
      %mul3A_499 = arith.constant 16 : i32
      %mul3A_500 = arith.muli %and3A_498, %mul3A_499 : i32
      %get3A = arith.constant 0 : i32
      %get3A_501 = arith.index_cast %get3A : i32 to index
      %get3A_502 = arith.index_cast %shift_right_arithmetic3A_497 : i32 to index
      %get3A_503 = arith.index_cast %mul3A_500 : i32 to index
      %get3A_504 = tpu.vector_load %arg7[%get3A_501, %get3A_502, %get3A_503] {strides = array<i32>} : memref<21x32x128xf32, #tpu.memory_space<vmem>>, vector<1x1x16xf32>,
      %get3A_505 = vector.shape_cast %get3A_504 : vector<1x1x16xf32> to vector<16xf32>
      %get3A_506 = arith.constant 1 : i32
      %get3A_507 = arith.index_cast %get3A_506 : i32 to index
      %get3A_508 = arith.index_cast %shift_right_arithmetic3A_497 : i32 to index
      %get3A_509 = arith.index_cast %mul3A_500 : i32 to index
      %get3A_510 = tpu.vector_load %arg7[%get3A_507, %get3A_508, %get3A_509] {strides = array<i32>} : memref<21x32x128xf32, #tpu.memory_space<vmem>>, vector<1x1x16xf32>,
      %get3A_511 = vector.shape_cast %get3A_510 : vector<1x1x16xf32> to vector<16xf32>
      %get3A_512 = arith.constant 2 : i32
      %get3A_513 = arith.index_cast %get3A_512 : i32 to index
      %get3A_514 = arith.index_cast %shift_right_arithmetic3A_497 : i32 to index
      %get3A_515 = arith.index_cast %mul3A_500 : i32 to index
      %get3A_516 = tpu.vector_load %arg7[%get3A_513, %get3A_514, %get3A_515] {strides = array<i32>} : memref<21x32x128xf32, #tpu.memory_space<vmem>>, vector<1x1x16xf32>,
      %get3A_517 = vector.shape_cast %get3A_516 : vector<1x1x16xf32> to vector<16xf32>
      %get3A_518 = arith.constant 3 : i32
      %get3A_519 = arith.index_cast %get3A_518 : i32 to index
      %get3A_520 = arith.index_cast %shift_right_arithmetic3A_497 : i32 to index
      %get3A_521 = arith.index_cast %mul3A_500 : i32 to index
      %get3A_522 = tpu.vector_load %arg7[%get3A_519, %get3A_520, %get3A_521] {strides = array<i32>} : memref<21x32x128xf32, #tpu.memory_space<vmem>>, vector<1x1x16xf32>,
      %get3A_523 = vector.shape_cast %get3A_522 : vector<1x1x16xf32> to vector<16xf32>
      %get3A_524 = arith.constant 4 : i32
      %get3A_525 = arith.index_cast %get3A_524 : i32 to index
      %get3A_526 = arith.index_cast %shift_right_arithmetic3A_497 : i32 to index
      %get3A_527 = arith.index_cast %mul3A_500 : i32 to index
      %get3A_528 = tpu.vector_load %arg7[%get3A_525, %get3A_526, %get3A_527] {strides = array<i32>} : memref<21x32x128xf32, #tpu.memory_space<vmem>>, vector<1x1x16xf32>,
      %get3A_529 = vector.shape_cast %get3A_528 : vector<1x1x16xf32> to vector<16xf32>
      %get3A_530 = arith.constant 5 : i32
      %get3A_531 = arith.index_cast %get3A_530 : i32 to index
      %get3A_532 = arith.index_cast %shift_right_arithmetic3A_497 : i32 to index
      %get3A_533 = arith.index_cast %mul3A_500 : i32 to index
      %get3A_534 = tpu.vector_load %arg7[%get3A_531, %get3A_532, %get3A_533] {strides = array<i32>} : memref<21x32x128xf32, #tpu.memory_space<vmem>>, vector<1x1x16xf32>,
      %get3A_535 = vector.shape_cast %get3A_534 : vector<1x1x16xf32> to vector<16xf32>
      %get3A_536 = arith.constant 6 : i32
      %get3A_537 = arith.index_cast %get3A_536 : i32 to index
      %get3A_538 = arith.index_cast %shift_right_arithmetic3A_497 : i32 to index
      %get3A_539 = arith.index_cast %mul3A_500 : i32 to index
      %get3A_540 = tpu.vector_load %arg7[%get3A_537, %get3A_538, %get3A_539] {strides = array<i32>} : memref<21x32x128xf32, #tpu.memory_space<vmem>>, vector<1x1x16xf32>,
      %get3A_541 = vector.shape_cast %get3A_540 : vector<1x1x16xf32> to vector<16xf32>
      %get3A_542 = arith.constant 7 : i32
      %get3A_543 = arith.index_cast %get3A_542 : i32 to index
      %get3A_544 = arith.index_cast %shift_right_arithmetic3A_497 : i32 to index
      %get3A_545 = arith.index_cast %mul3A_500 : i32 to index
      %get3A_546 = tpu.vector_load %arg7[%get3A_543, %get3A_544, %get3A_545] {strides = array<i32>} : memref<21x32x128xf32, #tpu.memory_space<vmem>>, vector<1x1x16xf32>,
      %get3A_547 = vector.shape_cast %get3A_546 : vector<1x1x16xf32> to vector<16xf32>
      %get3A_548 = arith.constant 8 : i32
      %get3A_549 = arith.index_cast %get3A_548 : i32 to index
      %get3A_550 = arith.index_cast %shift_right_arithmetic3A_497 : i32 to index
      %get3A_551 = arith.index_cast %mul3A_500 : i32 to index
      %get3A_552 = tpu.vector_load %arg7[%get3A_549, %get3A_550, %get3A_551] {strides = array<i32>} : memref<21x32x128xf32, #tpu.memory_space<vmem>>, vector<1x1x16xf32>,
      %get3A_553 = vector.shape_cast %get3A_552 : vector<1x1x16xf32> to vector<16xf32>
      %get3A_554 = arith.constant 9 : i32
      %get3A_555 = arith.index_cast %get3A_554 : i32 to index
      %get3A_556 = arith.index_cast %shift_right_arithmetic3A_497 : i32 to index
      %get3A_557 = arith.index_cast %mul3A_500 : i32 to index
      %get3A_558 = tpu.vector_load %arg7[%get3A_555, %get3A_556, %get3A_557] {strides = array<i32>} : memref<21x32x128xf32, #tpu.memory_space<vmem>>, vector<1x1x16xf32>,
      %get3A_559 = vector.shape_cast %get3A_558 : vector<1x1x16xf32> to vector<16xf32>
      %get3A_560 = arith.constant 10 : i32
      %get3A_561 = arith.index_cast %get3A_560 : i32 to index
      %get3A_562 = arith.index_cast %shift_right_arithmetic3A_497 : i32 to index
      %get3A_563 = arith.index_cast %mul3A_500 : i32 to index
      %get3A_564 = tpu.vector_load %arg7[%get3A_561, %get3A_562, %get3A_563] {strides = array<i32>} : memref<21x32x128xf32, #tpu.memory_space<vmem>>, vector<1x1x16xf32>,
      %get3A_565 = vector.shape_cast %get3A_564 : vector<1x1x16xf32> to vector<16xf32>
      %get3A_566 = arith.constant 11 : i32
      %get3A_567 = arith.index_cast %get3A_566 : i32 to index
      %get3A_568 = arith.index_cast %shift_right_arithmetic3A_497 : i32 to index
      %get3A_569 = arith.index_cast %mul3A_500 : i32 to index
      %get3A_570 = tpu.vector_load %arg7[%get3A_567, %get3A_568, %get3A_569] {strides = array<i32>} : memref<21x32x128xf32, #tpu.memory_space<vmem>>, vector<1x1x16xf32>,
      %get3A_571 = vector.shape_cast %get3A_570 : vector<1x1x16xf32> to vector<16xf32>
      %get3A_572 = arith.constant 12 : i32
      %get3A_573 = arith.index_cast %get3A_572 : i32 to index
      %get3A_574 = arith.index_cast %shift_right_arithmetic3A_497 : i32 to index
      %get3A_575 = arith.index_cast %mul3A_500 : i32 to index
      %get3A_576 = tpu.vector_load %arg7[%get3A_573, %get3A_574, %get3A_575] {strides = array<i32>} : memref<21x32x128xf32, #tpu.memory_space<vmem>>, vector<1x1x16xf32>,
      %get3A_577 = vector.shape_cast %get3A_576 : vector<1x1x16xf32> to vector<16xf32>
      %get3A_578 = arith.constant 13 : i32
      %get3A_579 = arith.index_cast %get3A_578 : i32 to index
      %get3A_580 = arith.index_cast %shift_right_arithmetic3A_497 : i32 to index
      %get3A_581 = arith.index_cast %mul3A_500 : i32 to index
      %get3A_582 = tpu.vector_load %arg7[%get3A_579, %get3A_580, %get3A_581] {strides = array<i32>} : memref<21x32x128xf32, #tpu.memory_space<vmem>>, vector<1x1x16xf32>,
      %get3A_583 = vector.shape_cast %get3A_582 : vector<1x1x16xf32> to vector<16xf32>
      %get3A_584 = arith.constant 14 : i32
      %get3A_585 = arith.index_cast %get3A_584 : i32 to index
      %get3A_586 = arith.index_cast %shift_right_arithmetic3A_497 : i32 to index
      %get3A_587 = arith.index_cast %mul3A_500 : i32 to index
      %get3A_588 = tpu.vector_load %arg7[%get3A_585, %get3A_586, %get3A_587] {strides = array<i32>} : memref<21x32x128xf32, #tpu.memory_space<vmem>>, vector<1x1x16xf32>,
      %get3A_589 = vector.shape_cast %get3A_588 : vector<1x1x16xf32> to vector<16xf32>
      %get3A_590 = arith.constant 15 : i32
      %get3A_591 = arith.index_cast %get3A_590 : i32 to index
      %get3A_592 = arith.index_cast %shift_right_arithmetic3A_497 : i32 to index
      %get3A_593 = arith.index_cast %mul3A_500 : i32 to index
      %get3A_594 = tpu.vector_load %arg7[%get3A_591, %get3A_592, %get3A_593] {strides = array<i32>} : memref<21x32x128xf32, #tpu.memory_space<vmem>>, vector<1x1x16xf32>,
      %get3A_595 = vector.shape_cast %get3A_594 : vector<1x1x16xf32> to vector<16xf32>
      %get3A_596 = arith.constant 16 : i32
      %get3A_597 = arith.index_cast %get3A_596 : i32 to index
      %get3A_598 = arith.index_cast %shift_right_arithmetic3A_497 : i32 to index
      %get3A_599 = arith.index_cast %mul3A_500 : i32 to index
      %get3A_600 = tpu.vector_load %arg7[%get3A_597, %get3A_598, %get3A_599] {strides = array<i32>} : memref<21x32x128xf32, #tpu.memory_space<vmem>>, vector<1x1x16xf32>,
      %get3A_601 = vector.shape_cast %get3A_600 : vector<1x1x16xf32> to vector<16xf32>
      %get3A_602 = arith.constant 17 : i32
      %get3A_603 = arith.index_cast %get3A_602 : i32 to index
      %get3A_604 = arith.index_cast %shift_right_arithmetic3A_497 : i32 to index
      %get3A_605 = arith.index_cast %mul3A_500 : i32 to index
      %get3A_606 = tpu.vector_load %arg7[%get3A_603, %get3A_604, %get3A_605] {strides = array<i32>} : memref<21x32x128xf32, #tpu.memory_space<vmem>>, vector<1x1x16xf32>,
      %get3A_607 = vector.shape_cast %get3A_606 : vector<1x1x16xf32> to vector<16xf32>
      %get3A_608 = arith.constant 18 : i32
      %get3A_609 = arith.index_cast %get3A_608 : i32 to index
      %get3A_610 = arith.index_cast %shift_right_arithmetic3A_497 : i32 to index
      %get3A_611 = arith.index_cast %mul3A_500 : i32 to index
      %get3A_612 = tpu.vector_load %arg7[%get3A_609, %get3A_610, %get3A_611] {strides = array<i32>} : memref<21x32x128xf32, #tpu.memory_space<vmem>>, vector<1x1x16xf32>,
      %get3A_613 = vector.shape_cast %get3A_612 : vector<1x1x16xf32> to vector<16xf32>
      %get3A_614 = arith.constant 19 : i32
      %get3A_615 = arith.index_cast %get3A_614 : i32 to index
      %get3A_616 = arith.index_cast %shift_right_arithmetic3A_497 : i32 to index
      %get3A_617 = arith.index_cast %mul3A_500 : i32 to index
      %get3A_618 = tpu.vector_load %arg7[%get3A_615, %get3A_616, %get3A_617] {strides = array<i32>} : memref<21x32x128xf32, #tpu.memory_space<vmem>>, vector<1x1x16xf32>,
      %get3A_619 = vector.shape_cast %get3A_618 : vector<1x1x16xf32> to vector<16xf32>
      %get3A_620 = arith.constant 20 : i32
      %get3A_621 = arith.index_cast %get3A_620 : i32 to index
      %get3A_622 = arith.index_cast %shift_right_arithmetic3A_497 : i32 to index
      %get3A_623 = arith.index_cast %mul3A_500 : i32 to index
      %get3A_624 = tpu.vector_load %arg7[%get3A_621, %get3A_622, %get3A_623] {strides = array<i32>} : memref<21x32x128xf32, #tpu.memory_space<vmem>>, vector<1x1x16xf32>,
      %get3A_625 = vector.shape_cast %get3A_624 : vector<1x1x16xf32> to vector<16xf32>
      %add3A_626 = arith.addf %get3A_505, %get3A_511 : vector<16xf32>
      %add3A_627 = arith.addf %get3A_517, %get3A_523 : vector<16xf32>
      %add3A_628 = arith.addf %get3A_529, %get3A_535 : vector<16xf32>
      %add3A_629 = arith.addf %get3A_541, %get3A_547 : vector<16xf32>
      %add3A_630 = arith.addf %get3A_553, %get3A_559 : vector<16xf32>
      %add3A_631 = arith.addf %get3A_565, %get3A_571 : vector<16xf32>
      %add3A_632 = arith.addf %get3A_577, %get3A_583 : vector<16xf32>
      %add3A_633 = arith.addf %get3A_589, %get3A_595 : vector<16xf32>
      %add3A_634 = arith.addf %get3A_601, %get3A_607 : vector<16xf32>
      %add3A_635 = arith.addf %get3A_613, %get3A_619 : vector<16xf32>
      %add3A_636 = arith.addf %add3A_626, %add3A_627 : vector<16xf32>
      %add3A_637 = arith.addf %add3A_628, %add3A_629 : vector<16xf32>
      %add3A_638 = arith.addf %add3A_630, %add3A_631 : vector<16xf32>
      %add3A_639 = arith.addf %add3A_632, %add3A_633 : vector<16xf32>
      %add3A_640 = arith.addf %add3A_634, %add3A_635 : vector<16xf32>
      %add3A_641 = arith.addf %add3A_636, %add3A_637 : vector<16xf32>
      %add3A_642 = arith.addf %add3A_638, %add3A_639 : vector<16xf32>
      %add3A_643 = arith.addf %add3A_640, %get3A_625 : vector<16xf32>
      %add3A_644 = arith.addf %add3A_641, %add3A_642 : vector<16xf32>
      %add3A_645 = arith.addf %add3A_644, %add3A_643 : vector<16xf32>
      %swap3A = arith.index_cast %shift_right_arithmetic3A_497 : i32 to index
      %swap3A_646 = arith.index_cast %mul3A_500 : i32 to index
      %swap3A_647 = tpu.vector_load %arg8[%swap3A, %swap3A_646] {strides = array<i32>} : memref<32x128xf32, #tpu.memory_space<vmem>>, vector<1x16xf32>,
      %swap3A_648 = vector.shape_cast %swap3A_647 : vector<1x16xf32> to vector<16xf32>
      %swap3A_649 = vector.shape_cast %add3A_645 : vector<16xf32> to vector<1x16xf32>
      tpu.vector_store %arg8[%swap3A, %swap3A_646], %swap3A_649 {strides = array<i32>} : memref<32x128xf32, #tpu.memory_space<vmem>>, vector<1x16xf32>,
    }
    %scan3A_95 = arith.constant 256 : i32
    %add3A_96 = arith.constant 1 : i32
    %add3A_97 = arith.addi %mul3A_2, %add3A_96 : i32
    %dma_start3A_98 = arith.constant 0 : i32
    %dma_start3A_99 = arith.constant 0 : i32
    %dma_start3A_100 = tpu.memref_slice %arg5[%add3A_97, %dma_start3A_98, %dma_start3A_99] : memref<256x32x128xf32, #tpu.memory_space<hbm>> -> memref<1x32x128xf32, #tpu.memory_space<hbm>>
    %dma_start3A_101 = tpu.memref_squeeze %dma_start3A_100 : memref<1x32x128xf32, #tpu.memory_space<hbm>> -> memref<32x128xf32, #tpu.memory_space<hbm>>
    %dma_start3A_102 = arith.constant 0 : i32
    %dma_start3A_103 = arith.constant 0 : i32
    %dma_start3A_104 = tpu.memref_slice %arg5[%add3A_97, %dma_start3A_102, %dma_start3A_103] : memref<256x32x128xf32, #tpu.memory_space<hbm>> -> memref<1x32x128xf32, #tpu.memory_space<hbm>>
    %dma_start3A_105 = tpu.memref_squeeze %dma_start3A_104 : memref<1x32x128xf32, #tpu.memory_space<hbm>> -> memref<32x128xf32, #tpu.memory_space<hbm>>
    tpu.enqueue_dma source(%arg8 : memref<32x128xf32, #tpu.memory_space<vmem>>) target(%dma_start3A_105 : memref<32x128xf32, #tpu.memory_space<hbm>>) target_semaphore(%arg10 : memref<!tpu.dma_semaphore, #tpu.memory_space<semaphore_mem>>)
    %dma_wait3A_106 = arith.constant 0 : i32
    %dma_wait3A_107 = arith.constant 0 : i32
    %dma_wait3A_108 = arith.constant 0 : i32
    %dma_wait3A_109 = tpu.memref_slice %arg4[%add3A_79, %dma_wait3A_106, %dma_wait3A_107, %dma_wait3A_108] : memref<256x21x32x128xf32, #tpu.memory_space<hbm>> -> memref<1x21x32x128xf32, #tpu.memory_space<hbm>>
    %dma_wait3A_110 = tpu.memref_squeeze %dma_wait3A_109 : memref<1x21x32x128xf32, #tpu.memory_space<hbm>> -> memref<21x32x128xf32, #tpu.memory_space<hbm>>
    %dma_wait3A_111 = arith.constant 0 : i32
    %dma_wait3A_112 = arith.constant 0 : i32
    %dma_wait3A_113 = arith.constant 0 : i32
    %dma_wait3A_114 = tpu.memref_slice %arg4[%add3A_79, %dma_wait3A_111, %dma_wait3A_112, %dma_wait3A_113] : memref<256x21x32x128xf32, #tpu.memory_space<hbm>> -> memref<1x21x32x128xf32, #tpu.memory_space<hbm>>
    %dma_wait3A_115 = tpu.memref_squeeze %dma_wait3A_114 : memref<1x21x32x128xf32, #tpu.memory_space<hbm>> -> memref<21x32x128xf32, #tpu.memory_space<hbm>>
    tpu.wait_dma2 semaphore(%arg10 : memref<!tpu.dma_semaphore, #tpu.memory_space<semaphore_mem>>) src(%arg7 : memref<21x32x128xf32, #tpu.memory_space<vmem>>) dst(%dma_wait3A_115 : memref<21x32x128xf32, #tpu.memory_space<hbm>>)
    %dma_wait3A_116 = arith.constant 0 : i32
    %dma_wait3A_117 = arith.constant 0 : i32
    %dma_wait3A_118 = tpu.memref_slice %arg5[%add3A_97, %dma_wait3A_116, %dma_wait3A_117] : memref<256x32x128xf32, #tpu.memory_space<hbm>> -> memref<1x32x128xf32, #tpu.memory_space<hbm>>
    %dma_wait3A_119 = tpu.memref_squeeze %dma_wait3A_118 : memref<1x32x128xf32, #tpu.memory_space<hbm>> -> memref<32x128xf32, #tpu.memory_space<hbm>>
    %dma_wait3A_120 = arith.constant 0 : i32
    %dma_wait3A_121 = arith.constant 0 : i32
    %dma_wait3A_122 = tpu.memref_slice %arg5[%add3A_97, %dma_wait3A_120, %dma_wait3A_121] : memref<256x32x128xf32, #tpu.memory_space<hbm>> -> memref<1x32x128xf32, #tpu.memory_space<hbm>>
    %dma_wait3A_123 = tpu.memref_squeeze %dma_wait3A_122 : memref<1x32x128xf32, #tpu.memory_space<hbm>> -> memref<32x128xf32, #tpu.memory_space<hbm>>
    tpu.wait_dma2 semaphore(%arg10 : memref<!tpu.dma_semaphore, #tpu.memory_space<semaphore_mem>>) src(%arg8 : memref<32x128xf32, #tpu.memory_space<vmem>>) dst(%dma_wait3A_123 : memref<32x128xf32, #tpu.memory_space<hbm>>)
    %dma_start3A_124 = arith.constant 2 : i32
    %dma_start3A_125 = arith.constant 0 : i32
    %dma_start3A_126 = tpu.memref_slice %arg6[%dma_start3A_124, %dma_start3A_125] : memref<8x21xi32, #tpu.memory_space<vmem>> -> memref<1x21xi32, #tpu.memory_space<vmem>>
    %dma_start3A_127 = tpu.memref_squeeze %dma_start3A_126 : memref<1x21xi32, #tpu.memory_space<vmem>> -> memref<21xi32, #tpu.memory_space<vmem>>
    %dma_start3A_128 = arith.constant 0 : i32
    %dma_start3A_129 = arith.constant 0 : i32
    %dma_start3A_130 = arith.constant 0 : i32
    %dma_start3A_131 = tpu.memref_slice %arg2[%dma_start3A_128, %dma_start3A_129, %dma_start3A_130] : memref<4096x32x128xf32, #tpu.memory_space<hbm>> -> memref<4096x32x128xf32, #tpu.memory_space<hbm>>
    tpu.enqueue_indirect_dma source(%dma_start3A_131 : memref<4096x32x128xf32, #tpu.memory_space<hbm>>) target(%arg7 : memref<21x32x128xf32, #tpu.memory_space<vmem>>) offsets(%dma_start3A_127 : memref<21xi32, #tpu.memory_space<vmem>>) semaphore(%arg9 : memref<!tpu.dma_semaphore, #tpu.memory_space<semaphore_mem>>)
    %dma_wait3A_132 = arith.constant 2 : i32
    %dma_wait3A_133 = arith.constant 0 : i32
    %dma_wait3A_134 = tpu.memref_slice %arg6[%dma_wait3A_132, %dma_wait3A_133] : memref<8x21xi32, #tpu.memory_space<vmem>> -> memref<1x21xi32, #tpu.memory_space<vmem>>
    %dma_wait3A_135 = tpu.memref_squeeze %dma_wait3A_134 : memref<1x21xi32, #tpu.memory_space<vmem>> -> memref<21xi32, #tpu.memory_space<vmem>>
    %dma_wait3A_136 = arith.constant 0 : i32
    %dma_wait3A_137 = arith.constant 0 : i32
    %dma_wait3A_138 = arith.constant 0 : i32
    %dma_wait3A_139 = tpu.memref_slice %arg2[%dma_wait3A_136, %dma_wait3A_137, %dma_wait3A_138] : memref<4096x32x128xf32, #tpu.memory_space<hbm>> -> memref<4096x32x128xf32, #tpu.memory_space<hbm>>
    tpu.wait_indirect_dma semaphore(%arg9 : memref<!tpu.dma_semaphore, #tpu.memory_space<semaphore_mem>>) src(%dma_wait3A_139 : memref<4096x32x128xf32, #tpu.memory_space<hbm>>) dst(%arg7 : memref<21x32x128xf32, #tpu.memory_space<vmem>>)
    %add3A_140 = arith.constant 2 : i32
    %add3A_141 = arith.addi %mul3A_2, %add3A_140 : i32
    %dma_start3A_142 = arith.constant 0 : i32
    %dma_start3A_143 = arith.constant 0 : i32
    %dma_start3A_144 = arith.constant 0 : i32
    %dma_start3A_145 = tpu.memref_slice %arg4[%add3A_141, %dma_start3A_142, %dma_start3A_143, %dma_start3A_144] : memref<256x21x32x128xf32, #tpu.memory_space<hbm>> -> memref<1x21x32x128xf32, #tpu.memory_space<hbm>>
    %dma_start3A_146 = tpu.memref_squeeze %dma_start3A_145 : memref<1x21x32x128xf32, #tpu.memory_space<hbm>> -> memref<21x32x128xf32, #tpu.memory_space<hbm>>
    %dma_start3A_147 = arith.constant 0 : i32
    %dma_start3A_148 = arith.constant 0 : i32
    %dma_start3A_149 = arith.constant 0 : i32
    %dma_start3A_150 = tpu.memref_slice %arg4[%add3A_141, %dma_start3A_147, %dma_start3A_148, %dma_start3A_149] : memref<256x21x32x128xf32, #tpu.memory_space<hbm>> -> memref<1x21x32x128xf32, #tpu.memory_space<hbm>>
    %dma_start3A_151 = tpu.memref_squeeze %dma_start3A_150 : memref<1x21x32x128xf32, #tpu.memory_space<hbm>> -> memref<21x32x128xf32, #tpu.memory_space<hbm>>
    tpu.enqueue_dma source(%arg7 : memref<21x32x128xf32, #tpu.memory_space<vmem>>) target(%dma_start3A_151 : memref<21x32x128xf32, #tpu.memory_space<hbm>>) target_semaphore(%arg10 : memref<!tpu.dma_semaphore, #tpu.memory_space<semaphore_mem>>)
    %scan3A_152 = arith.constant 0 : i32
    %scan3A_153 = arith.constant 0 : i32
    %scan3A_154 = arith.constant 256 : i32
    %scan3A_155 = arith.addi %scan3A_153, %scan3A_154 : i32
    %scan3A_156 = arith.constant 1 : i32
    scf.for %scan3A_496 = %scan3A_153 to %scan3A_155 step %scan3A_156  : i32 {
      %shift_right_arithmetic3A = arith.constant 3 : i32
      %shift_right_arithmetic3A_497 = arith.shrsi %scan3A_496, %shift_right_arithmetic3A : i32
      %and3A = arith.constant 7 : i32
      %and3A_498 = arith.andi %scan3A_496, %and3A : i32
      %mul3A_499 = arith.constant 16 : i32
      %mul3A_500 = arith.muli %and3A_498, %mul3A_499 : i32
      %get3A = arith.constant 0 : i32
      %get3A_501 = arith.index_cast %get3A : i32 to index
      %get3A_502 = arith.index_cast %shift_right_arithmetic3A_497 : i32 to index
      %get3A_503 = arith.index_cast %mul3A_500 : i32 to index
      %get3A_504 = tpu.vector_load %arg7[%get3A_501, %get3A_502, %get3A_503] {strides = array<i32>} : memref<21x32x128xf32, #tpu.memory_space<vmem>>, vector<1x1x16xf32>,
      %get3A_505 = vector.shape_cast %get3A_504 : vector<1x1x16xf32> to vector<16xf32>
      %get3A_506 = arith.constant 1 : i32
      %get3A_507 = arith.index_cast %get3A_506 : i32 to index
      %get3A_508 = arith.index_cast %shift_right_arithmetic3A_497 : i32 to index
      %get3A_509 = arith.index_cast %mul3A_500 : i32 to index
      %get3A_510 = tpu.vector_load %arg7[%get3A_507, %get3A_508, %get3A_509] {strides = array<i32>} : memref<21x32x128xf32, #tpu.memory_space<vmem>>, vector<1x1x16xf32>,
      %get3A_511 = vector.shape_cast %get3A_510 : vector<1x1x16xf32> to vector<16xf32>
      %get3A_512 = arith.constant 2 : i32
      %get3A_513 = arith.index_cast %get3A_512 : i32 to index
      %get3A_514 = arith.index_cast %shift_right_arithmetic3A_497 : i32 to index
      %get3A_515 = arith.index_cast %mul3A_500 : i32 to index
      %get3A_516 = tpu.vector_load %arg7[%get3A_513, %get3A_514, %get3A_515] {strides = array<i32>} : memref<21x32x128xf32, #tpu.memory_space<vmem>>, vector<1x1x16xf32>,
      %get3A_517 = vector.shape_cast %get3A_516 : vector<1x1x16xf32> to vector<16xf32>
      %get3A_518 = arith.constant 3 : i32
      %get3A_519 = arith.index_cast %get3A_518 : i32 to index
      %get3A_520 = arith.index_cast %shift_right_arithmetic3A_497 : i32 to index
      %get3A_521 = arith.index_cast %mul3A_500 : i32 to index
      %get3A_522 = tpu.vector_load %arg7[%get3A_519, %get3A_520, %get3A_521] {strides = array<i32>} : memref<21x32x128xf32, #tpu.memory_space<vmem>>, vector<1x1x16xf32>,
      %get3A_523 = vector.shape_cast %get3A_522 : vector<1x1x16xf32> to vector<16xf32>
      %get3A_524 = arith.constant 4 : i32
      %get3A_525 = arith.index_cast %get3A_524 : i32 to index
      %get3A_526 = arith.index_cast %shift_right_arithmetic3A_497 : i32 to index
      %get3A_527 = arith.index_cast %mul3A_500 : i32 to index
      %get3A_528 = tpu.vector_load %arg7[%get3A_525, %get3A_526, %get3A_527] {strides = array<i32>} : memref<21x32x128xf32, #tpu.memory_space<vmem>>, vector<1x1x16xf32>,
      %get3A_529 = vector.shape_cast %get3A_528 : vector<1x1x16xf32> to vector<16xf32>
      %get3A_530 = arith.constant 5 : i32
      %get3A_531 = arith.index_cast %get3A_530 : i32 to index
      %get3A_532 = arith.index_cast %shift_right_arithmetic3A_497 : i32 to index
      %get3A_533 = arith.index_cast %mul3A_500 : i32 to index
      %get3A_534 = tpu.vector_load %arg7[%get3A_531, %get3A_532, %get3A_533] {strides = array<i32>} : memref<21x32x128xf32, #tpu.memory_space<vmem>>, vector<1x1x16xf32>,
      %get3A_535 = vector.shape_cast %get3A_534 : vector<1x1x16xf32> to vector<16xf32>
      %get3A_536 = arith.constant 6 : i32
      %get3A_537 = arith.index_cast %get3A_536 : i32 to index
      %get3A_538 = arith.index_cast %shift_right_arithmetic3A_497 : i32 to index
      %get3A_539 = arith.index_cast %mul3A_500 : i32 to index
      %get3A_540 = tpu.vector_load %arg7[%get3A_537, %get3A_538, %get3A_539] {strides = array<i32>} : memref<21x32x128xf32, #tpu.memory_space<vmem>>, vector<1x1x16xf32>,
      %get3A_541 = vector.shape_cast %get3A_540 : vector<1x1x16xf32> to vector<16xf32>
      %get3A_542 = arith.constant 7 : i32
      %get3A_543 = arith.index_cast %get3A_542 : i32 to index
      %get3A_544 = arith.index_cast %shift_right_arithmetic3A_497 : i32 to index
      %get3A_545 = arith.index_cast %mul3A_500 : i32 to index
      %get3A_546 = tpu.vector_load %arg7[%get3A_543, %get3A_544, %get3A_545] {strides = array<i32>} : memref<21x32x128xf32, #tpu.memory_space<vmem>>, vector<1x1x16xf32>,
      %get3A_547 = vector.shape_cast %get3A_546 : vector<1x1x16xf32> to vector<16xf32>
      %get3A_548 = arith.constant 8 : i32
      %get3A_549 = arith.index_cast %get3A_548 : i32 to index
      %get3A_550 = arith.index_cast %shift_right_arithmetic3A_497 : i32 to index
      %get3A_551 = arith.index_cast %mul3A_500 : i32 to index
      %get3A_552 = tpu.vector_load %arg7[%get3A_549, %get3A_550, %get3A_551] {strides = array<i32>} : memref<21x32x128xf32, #tpu.memory_space<vmem>>, vector<1x1x16xf32>,
      %get3A_553 = vector.shape_cast %get3A_552 : vector<1x1x16xf32> to vector<16xf32>
      %get3A_554 = arith.constant 9 : i32
      %get3A_555 = arith.index_cast %get3A_554 : i32 to index
      %get3A_556 = arith.index_cast %shift_right_arithmetic3A_497 : i32 to index
      %get3A_557 = arith.index_cast %mul3A_500 : i32 to index
      %get3A_558 = tpu.vector_load %arg7[%get3A_555, %get3A_556, %get3A_557] {strides = array<i32>} : memref<21x32x128xf32, #tpu.memory_space<vmem>>, vector<1x1x16xf32>,
      %get3A_559 = vector.shape_cast %get3A_558 : vector<1x1x16xf32> to vector<16xf32>
      %get3A_560 = arith.constant 10 : i32
      %get3A_561 = arith.index_cast %get3A_560 : i32 to index
      %get3A_562 = arith.index_cast %shift_right_arithmetic3A_497 : i32 to index
      %get3A_563 = arith.index_cast %mul3A_500 : i32 to index
      %get3A_564 = tpu.vector_load %arg7[%get3A_561, %get3A_562, %get3A_563] {strides = array<i32>} : memref<21x32x128xf32, #tpu.memory_space<vmem>>, vector<1x1x16xf32>,
      %get3A_565 = vector.shape_cast %get3A_564 : vector<1x1x16xf32> to vector<16xf32>
      %get3A_566 = arith.constant 11 : i32
      %get3A_567 = arith.index_cast %get3A_566 : i32 to index
      %get3A_568 = arith.index_cast %shift_right_arithmetic3A_497 : i32 to index
      %get3A_569 = arith.index_cast %mul3A_500 : i32 to index
      %get3A_570 = tpu.vector_load %arg7[%get3A_567, %get3A_568, %get3A_569] {strides = array<i32>} : memref<21x32x128xf32, #tpu.memory_space<vmem>>, vector<1x1x16xf32>,
      %get3A_571 = vector.shape_cast %get3A_570 : vector<1x1x16xf32> to vector<16xf32>
      %get3A_572 = arith.constant 12 : i32
      %get3A_573 = arith.index_cast %get3A_572 : i32 to index
      %get3A_574 = arith.index_cast %shift_right_arithmetic3A_497 : i32 to index
      %get3A_575 = arith.index_cast %mul3A_500 : i32 to index
      %get3A_576 = tpu.vector_load %arg7[%get3A_573, %get3A_574, %get3A_575] {strides = array<i32>} : memref<21x32x128xf32, #tpu.memory_space<vmem>>, vector<1x1x16xf32>,
      %get3A_577 = vector.shape_cast %get3A_576 : vector<1x1x16xf32> to vector<16xf32>
      %get3A_578 = arith.constant 13 : i32
      %get3A_579 = arith.index_cast %get3A_578 : i32 to index
      %get3A_580 = arith.index_cast %shift_right_arithmetic3A_497 : i32 to index
      %get3A_581 = arith.index_cast %mul3A_500 : i32 to index
      %get3A_582 = tpu.vector_load %arg7[%get3A_579, %get3A_580, %get3A_581] {strides = array<i32>} : memref<21x32x128xf32, #tpu.memory_space<vmem>>, vector<1x1x16xf32>,
      %get3A_583 = vector.shape_cast %get3A_582 : vector<1x1x16xf32> to vector<16xf32>
      %get3A_584 = arith.constant 14 : i32
      %get3A_585 = arith.index_cast %get3A_584 : i32 to index
      %get3A_586 = arith.index_cast %shift_right_arithmetic3A_497 : i32 to index
      %get3A_587 = arith.index_cast %mul3A_500 : i32 to index
      %get3A_588 = tpu.vector_load %arg7[%get3A_585, %get3A_586, %get3A_587] {strides = array<i32>} : memref<21x32x128xf32, #tpu.memory_space<vmem>>, vector<1x1x16xf32>,
      %get3A_589 = vector.shape_cast %get3A_588 : vector<1x1x16xf32> to vector<16xf32>
      %get3A_590 = arith.constant 15 : i32
      %get3A_591 = arith.index_cast %get3A_590 : i32 to index
      %get3A_592 = arith.index_cast %shift_right_arithmetic3A_497 : i32 to index
      %get3A_593 = arith.index_cast %mul3A_500 : i32 to index
      %get3A_594 = tpu.vector_load %arg7[%get3A_591, %get3A_592, %get3A_593] {strides = array<i32>} : memref<21x32x128xf32, #tpu.memory_space<vmem>>, vector<1x1x16xf32>,
      %get3A_595 = vector.shape_cast %get3A_594 : vector<1x1x16xf32> to vector<16xf32>
      %get3A_596 = arith.constant 16 : i32
      %get3A_597 = arith.index_cast %get3A_596 : i32 to index
      %get3A_598 = arith.index_cast %shift_right_arithmetic3A_497 : i32 to index
      %get3A_599 = arith.index_cast %mul3A_500 : i32 to index
      %get3A_600 = tpu.vector_load %arg7[%get3A_597, %get3A_598, %get3A_599] {strides = array<i32>} : memref<21x32x128xf32, #tpu.memory_space<vmem>>, vector<1x1x16xf32>,
      %get3A_601 = vector.shape_cast %get3A_600 : vector<1x1x16xf32> to vector<16xf32>
      %get3A_602 = arith.constant 17 : i32
      %get3A_603 = arith.index_cast %get3A_602 : i32 to index
      %get3A_604 = arith.index_cast %shift_right_arithmetic3A_497 : i32 to index
      %get3A_605 = arith.index_cast %mul3A_500 : i32 to index
      %get3A_606 = tpu.vector_load %arg7[%get3A_603, %get3A_604, %get3A_605] {strides = array<i32>} : memref<21x32x128xf32, #tpu.memory_space<vmem>>, vector<1x1x16xf32>,
      %get3A_607 = vector.shape_cast %get3A_606 : vector<1x1x16xf32> to vector<16xf32>
      %get3A_608 = arith.constant 18 : i32
      %get3A_609 = arith.index_cast %get3A_608 : i32 to index
      %get3A_610 = arith.index_cast %shift_right_arithmetic3A_497 : i32 to index
      %get3A_611 = arith.index_cast %mul3A_500 : i32 to index
      %get3A_612 = tpu.vector_load %arg7[%get3A_609, %get3A_610, %get3A_611] {strides = array<i32>} : memref<21x32x128xf32, #tpu.memory_space<vmem>>, vector<1x1x16xf32>,
      %get3A_613 = vector.shape_cast %get3A_612 : vector<1x1x16xf32> to vector<16xf32>
      %get3A_614 = arith.constant 19 : i32
      %get3A_615 = arith.index_cast %get3A_614 : i32 to index
      %get3A_616 = arith.index_cast %shift_right_arithmetic3A_497 : i32 to index
      %get3A_617 = arith.index_cast %mul3A_500 : i32 to index
      %get3A_618 = tpu.vector_load %arg7[%get3A_615, %get3A_616, %get3A_617] {strides = array<i32>} : memref<21x32x128xf32, #tpu.memory_space<vmem>>, vector<1x1x16xf32>,
      %get3A_619 = vector.shape_cast %get3A_618 : vector<1x1x16xf32> to vector<16xf32>
      %get3A_620 = arith.constant 20 : i32
      %get3A_621 = arith.index_cast %get3A_620 : i32 to index
      %get3A_622 = arith.index_cast %shift_right_arithmetic3A_497 : i32 to index
      %get3A_623 = arith.index_cast %mul3A_500 : i32 to index
      %get3A_624 = tpu.vector_load %arg7[%get3A_621, %get3A_622, %get3A_623] {strides = array<i32>} : memref<21x32x128xf32, #tpu.memory_space<vmem>>, vector<1x1x16xf32>,
      %get3A_625 = vector.shape_cast %get3A_624 : vector<1x1x16xf32> to vector<16xf32>
      %add3A_626 = arith.addf %get3A_505, %get3A_511 : vector<16xf32>
      %add3A_627 = arith.addf %get3A_517, %get3A_523 : vector<16xf32>
      %add3A_628 = arith.addf %get3A_529, %get3A_535 : vector<16xf32>
      %add3A_629 = arith.addf %get3A_541, %get3A_547 : vector<16xf32>
      %add3A_630 = arith.addf %get3A_553, %get3A_559 : vector<16xf32>
      %add3A_631 = arith.addf %get3A_565, %get3A_571 : vector<16xf32>
      %add3A_632 = arith.addf %get3A_577, %get3A_583 : vector<16xf32>
      %add3A_633 = arith.addf %get3A_589, %get3A_595 : vector<16xf32>
      %add3A_634 = arith.addf %get3A_601, %get3A_607 : vector<16xf32>
      %add3A_635 = arith.addf %get3A_613, %get3A_619 : vector<16xf32>
      %add3A_636 = arith.addf %add3A_626, %add3A_627 : vector<16xf32>
      %add3A_637 = arith.addf %add3A_628, %add3A_629 : vector<16xf32>
      %add3A_638 = arith.addf %add3A_630, %add3A_631 : vector<16xf32>
      %add3A_639 = arith.addf %add3A_632, %add3A_633 : vector<16xf32>
      %add3A_640 = arith.addf %add3A_634, %add3A_635 : vector<16xf32>
      %add3A_641 = arith.addf %add3A_636, %add3A_637 : vector<16xf32>
      %add3A_642 = arith.addf %add3A_638, %add3A_639 : vector<16xf32>
      %add3A_643 = arith.addf %add3A_640, %get3A_625 : vector<16xf32>
      %add3A_644 = arith.addf %add3A_641, %add3A_642 : vector<16xf32>
      %add3A_645 = arith.addf %add3A_644, %add3A_643 : vector<16xf32>
      %swap3A = arith.index_cast %shift_right_arithmetic3A_497 : i32 to index
      %swap3A_646 = arith.index_cast %mul3A_500 : i32 to index
      %swap3A_647 = tpu.vector_load %arg8[%swap3A, %swap3A_646] {strides = array<i32>} : memref<32x128xf32, #tpu.memory_space<vmem>>, vector<1x16xf32>,
      %swap3A_648 = vector.shape_cast %swap3A_647 : vector<1x16xf32> to vector<16xf32>
      %swap3A_649 = vector.shape_cast %add3A_645 : vector<16xf32> to vector<1x16xf32>
      tpu.vector_store %arg8[%swap3A, %swap3A_646], %swap3A_649 {strides = array<i32>} : memref<32x128xf32, #tpu.memory_space<vmem>>, vector<1x16xf32>,
    }
    %scan3A_157 = arith.constant 256 : i32
    %add3A_158 = arith.constant 2 : i32
    %add3A_159 = arith.addi %mul3A_2, %add3A_158 : i32
    %dma_start3A_160 = arith.constant 0 : i32
    %dma_start3A_161 = arith.constant 0 : i32
    %dma_start3A_162 = tpu.memref_slice %arg5[%add3A_159, %dma_start3A_160, %dma_start3A_161] : memref<256x32x128xf32, #tpu.memory_space<hbm>> -> memref<1x32x128xf32, #tpu.memory_space<hbm>>
    %dma_start3A_163 = tpu.memref_squeeze %dma_start3A_162 : memref<1x32x128xf32, #tpu.memory_space<hbm>> -> memref<32x128xf32, #tpu.memory_space<hbm>>
    %dma_start3A_164 = arith.constant 0 : i32
    %dma_start3A_165 = arith.constant 0 : i32
    %dma_start3A_166 = tpu.memref_slice %arg5[%add3A_159, %dma_start3A_164, %dma_start3A_165] : memref<256x32x128xf32, #tpu.memory_space<hbm>> -> memref<1x32x128xf32, #tpu.memory_space<hbm>>
    %dma_start3A_167 = tpu.memref_squeeze %dma_start3A_166 : memref<1x32x128xf32, #tpu.memory_space<hbm>> -> memref<32x128xf32, #tpu.memory_space<hbm>>
    tpu.enqueue_dma source(%arg8 : memref<32x128xf32, #tpu.memory_space<vmem>>) target(%dma_start3A_167 : memref<32x128xf32, #tpu.memory_space<hbm>>) target_semaphore(%arg10 : memref<!tpu.dma_semaphore, #tpu.memory_space<semaphore_mem>>)
    %dma_wait3A_168 = arith.constant 0 : i32
    %dma_wait3A_169 = arith.constant 0 : i32
    %dma_wait3A_170 = arith.constant 0 : i32
    %dma_wait3A_171 = tpu.memref_slice %arg4[%add3A_141, %dma_wait3A_168, %dma_wait3A_169, %dma_wait3A_170] : memref<256x21x32x128xf32, #tpu.memory_space<hbm>> -> memref<1x21x32x128xf32, #tpu.memory_space<hbm>>
    %dma_wait3A_172 = tpu.memref_squeeze %dma_wait3A_171 : memref<1x21x32x128xf32, #tpu.memory_space<hbm>> -> memref<21x32x128xf32, #tpu.memory_space<hbm>>
    %dma_wait3A_173 = arith.constant 0 : i32
    %dma_wait3A_174 = arith.constant 0 : i32
    %dma_wait3A_175 = arith.constant 0 : i32
    %dma_wait3A_176 = tpu.memref_slice %arg4[%add3A_141, %dma_wait3A_173, %dma_wait3A_174, %dma_wait3A_175] : memref<256x21x32x128xf32, #tpu.memory_space<hbm>> -> memref<1x21x32x128xf32, #tpu.memory_space<hbm>>
    %dma_wait3A_177 = tpu.memref_squeeze %dma_wait3A_176 : memref<1x21x32x128xf32, #tpu.memory_space<hbm>> -> memref<21x32x128xf32, #tpu.memory_space<hbm>>
    tpu.wait_dma2 semaphore(%arg10 : memref<!tpu.dma_semaphore, #tpu.memory_space<semaphore_mem>>) src(%arg7 : memref<21x32x128xf32, #tpu.memory_space<vmem>>) dst(%dma_wait3A_177 : memref<21x32x128xf32, #tpu.memory_space<hbm>>)
    %dma_wait3A_178 = arith.constant 0 : i32
    %dma_wait3A_179 = arith.constant 0 : i32
    %dma_wait3A_180 = tpu.memref_slice %arg5[%add3A_159, %dma_wait3A_178, %dma_wait3A_179] : memref<256x32x128xf32, #tpu.memory_space<hbm>> -> memref<1x32x128xf32, #tpu.memory_space<hbm>>
    %dma_wait3A_181 = tpu.memref_squeeze %dma_wait3A_180 : memref<1x32x128xf32, #tpu.memory_space<hbm>> -> memref<32x128xf32, #tpu.memory_space<hbm>>
    %dma_wait3A_182 = arith.constant 0 : i32
    %dma_wait3A_183 = arith.constant 0 : i32
    %dma_wait3A_184 = tpu.memref_slice %arg5[%add3A_159, %dma_wait3A_182, %dma_wait3A_183] : memref<256x32x128xf32, #tpu.memory_space<hbm>> -> memref<1x32x128xf32, #tpu.memory_space<hbm>>
    %dma_wait3A_185 = tpu.memref_squeeze %dma_wait3A_184 : memref<1x32x128xf32, #tpu.memory_space<hbm>> -> memref<32x128xf32, #tpu.memory_space<hbm>>
    tpu.wait_dma2 semaphore(%arg10 : memref<!tpu.dma_semaphore, #tpu.memory_space<semaphore_mem>>) src(%arg8 : memref<32x128xf32, #tpu.memory_space<vmem>>) dst(%dma_wait3A_185 : memref<32x128xf32, #tpu.memory_space<hbm>>)
    %dma_start3A_186 = arith.constant 3 : i32
    %dma_start3A_187 = arith.constant 0 : i32
    %dma_start3A_188 = tpu.memref_slice %arg6[%dma_start3A_186, %dma_start3A_187] : memref<8x21xi32, #tpu.memory_space<vmem>> -> memref<1x21xi32, #tpu.memory_space<vmem>>
    %dma_start3A_189 = tpu.memref_squeeze %dma_start3A_188 : memref<1x21xi32, #tpu.memory_space<vmem>> -> memref<21xi32, #tpu.memory_space<vmem>>
    %dma_start3A_190 = arith.constant 0 : i32
    %dma_start3A_191 = arith.constant 0 : i32
    %dma_start3A_192 = arith.constant 0 : i32
    %dma_start3A_193 = tpu.memref_slice %arg2[%dma_start3A_190, %dma_start3A_191, %dma_start3A_192] : memref<4096x32x128xf32, #tpu.memory_space<hbm>> -> memref<4096x32x128xf32, #tpu.memory_space<hbm>>
    tpu.enqueue_indirect_dma source(%dma_start3A_193 : memref<4096x32x128xf32, #tpu.memory_space<hbm>>) target(%arg7 : memref<21x32x128xf32, #tpu.memory_space<vmem>>) offsets(%dma_start3A_189 : memref<21xi32, #tpu.memory_space<vmem>>) semaphore(%arg9 : memref<!tpu.dma_semaphore, #tpu.memory_space<semaphore_mem>>)
    %dma_wait3A_194 = arith.constant 3 : i32
    %dma_wait3A_195 = arith.constant 0 : i32
    %dma_wait3A_196 = tpu.memref_slice %arg6[%dma_wait3A_194, %dma_wait3A_195] : memref<8x21xi32, #tpu.memory_space<vmem>> -> memref<1x21xi32, #tpu.memory_space<vmem>>
    %dma_wait3A_197 = tpu.memref_squeeze %dma_wait3A_196 : memref<1x21xi32, #tpu.memory_space<vmem>> -> memref<21xi32, #tpu.memory_space<vmem>>
    %dma_wait3A_198 = arith.constant 0 : i32
    %dma_wait3A_199 = arith.constant 0 : i32
    %dma_wait3A_200 = arith.constant 0 : i32
    %dma_wait3A_201 = tpu.memref_slice %arg2[%dma_wait3A_198, %dma_wait3A_199, %dma_wait3A_200] : memref<4096x32x128xf32, #tpu.memory_space<hbm>> -> memref<4096x32x128xf32, #tpu.memory_space<hbm>>
    tpu.wait_indirect_dma semaphore(%arg9 : memref<!tpu.dma_semaphore, #tpu.memory_space<semaphore_mem>>) src(%dma_wait3A_201 : memref<4096x32x128xf32, #tpu.memory_space<hbm>>) dst(%arg7 : memref<21x32x128xf32, #tpu.memory_space<vmem>>)
    %add3A_202 = arith.constant 3 : i32
    %add3A_203 = arith.addi %mul3A_2, %add3A_202 : i32
    %dma_start3A_204 = arith.constant 0 : i32
    %dma_start3A_205 = arith.constant 0 : i32
    %dma_start3A_206 = arith.constant 0 : i32
    %dma_start3A_207 = tpu.memref_slice %arg4[%add3A_203, %dma_start3A_204, %dma_start3A_205, %dma_start3A_206] : memref<256x21x32x128xf32, #tpu.memory_space<hbm>> -> memref<1x21x32x128xf32, #tpu.memory_space<hbm>>
    %dma_start3A_208 = tpu.memref_squeeze %dma_start3A_207 : memref<1x21x32x128xf32, #tpu.memory_space<hbm>> -> memref<21x32x128xf32, #tpu.memory_space<hbm>>
    %dma_start3A_209 = arith.constant 0 : i32
    %dma_start3A_210 = arith.constant 0 : i32
    %dma_start3A_211 = arith.constant 0 : i32
    %dma_start3A_212 = tpu.memref_slice %arg4[%add3A_203, %dma_start3A_209, %dma_start3A_210, %dma_start3A_211] : memref<256x21x32x128xf32, #tpu.memory_space<hbm>> -> memref<1x21x32x128xf32, #tpu.memory_space<hbm>>
    %dma_start3A_213 = tpu.memref_squeeze %dma_start3A_212 : memref<1x21x32x128xf32, #tpu.memory_space<hbm>> -> memref<21x32x128xf32, #tpu.memory_space<hbm>>
    tpu.enqueue_dma source(%arg7 : memref<21x32x128xf32, #tpu.memory_space<vmem>>) target(%dma_start3A_213 : memref<21x32x128xf32, #tpu.memory_space<hbm>>) target_semaphore(%arg10 : memref<!tpu.dma_semaphore, #tpu.memory_space<semaphore_mem>>)
    %scan3A_214 = arith.constant 0 : i32
    %scan3A_215 = arith.constant 0 : i32
    %scan3A_216 = arith.constant 256 : i32
    %scan3A_217 = arith.addi %scan3A_215, %scan3A_216 : i32
    %scan3A_218 = arith.constant 1 : i32
    scf.for %scan3A_496 = %scan3A_215 to %scan3A_217 step %scan3A_218  : i32 {
      %shift_right_arithmetic3A = arith.constant 3 : i32
      %shift_right_arithmetic3A_497 = arith.shrsi %scan3A_496, %shift_right_arithmetic3A : i32
      %and3A = arith.constant 7 : i32
      %and3A_498 = arith.andi %scan3A_496, %and3A : i32
      %mul3A_499 = arith.constant 16 : i32
      %mul3A_500 = arith.muli %and3A_498, %mul3A_499 : i32
      %get3A = arith.constant 0 : i32
      %get3A_501 = arith.index_cast %get3A : i32 to index
      %get3A_502 = arith.index_cast %shift_right_arithmetic3A_497 : i32 to index
      %get3A_503 = arith.index_cast %mul3A_500 : i32 to index
      %get3A_504 = tpu.vector_load %arg7[%get3A_501, %get3A_502, %get3A_503] {strides = array<i32>} : memref<21x32x128xf32, #tpu.memory_space<vmem>>, vector<1x1x16xf32>,
      %get3A_505 = vector.shape_cast %get3A_504 : vector<1x1x16xf32> to vector<16xf32>
      %get3A_506 = arith.constant 1 : i32
      %get3A_507 = arith.index_cast %get3A_506 : i32 to index
      %get3A_508 = arith.index_cast %shift_right_arithmetic3A_497 : i32 to index
      %get3A_509 = arith.index_cast %mul3A_500 : i32 to index
      %get3A_510 = tpu.vector_load %arg7[%get3A_507, %get3A_508, %get3A_509] {strides = array<i32>} : memref<21x32x128xf32, #tpu.memory_space<vmem>>, vector<1x1x16xf32>,
      %get3A_511 = vector.shape_cast %get3A_510 : vector<1x1x16xf32> to vector<16xf32>
      %get3A_512 = arith.constant 2 : i32
      %get3A_513 = arith.index_cast %get3A_512 : i32 to index
      %get3A_514 = arith.index_cast %shift_right_arithmetic3A_497 : i32 to index
      %get3A_515 = arith.index_cast %mul3A_500 : i32 to index
      %get3A_516 = tpu.vector_load %arg7[%get3A_513, %get3A_514, %get3A_515] {strides = array<i32>} : memref<21x32x128xf32, #tpu.memory_space<vmem>>, vector<1x1x16xf32>,
      %get3A_517 = vector.shape_cast %get3A_516 : vector<1x1x16xf32> to vector<16xf32>
      %get3A_518 = arith.constant 3 : i32
      %get3A_519 = arith.index_cast %get3A_518 : i32 to index
      %get3A_520 = arith.index_cast %shift_right_arithmetic3A_497 : i32 to index
      %get3A_521 = arith.index_cast %mul3A_500 : i32 to index
      %get3A_522 = tpu.vector_load %arg7[%get3A_519, %get3A_520, %get3A_521] {strides = array<i32>} : memref<21x32x128xf32, #tpu.memory_space<vmem>>, vector<1x1x16xf32>,
      %get3A_523 = vector.shape_cast %get3A_522 : vector<1x1x16xf32> to vector<16xf32>
      %get3A_524 = arith.constant 4 : i32
      %get3A_525 = arith.index_cast %get3A_524 : i32 to index
      %get3A_526 = arith.index_cast %shift_right_arithmetic3A_497 : i32 to index
      %get3A_527 = arith.index_cast %mul3A_500 : i32 to index
      %get3A_528 = tpu.vector_load %arg7[%get3A_525, %get3A_526, %get3A_527] {strides = array<i32>} : memref<21x32x128xf32, #tpu.memory_space<vmem>>, vector<1x1x16xf32>,
      %get3A_529 = vector.shape_cast %get3A_528 : vector<1x1x16xf32> to vector<16xf32>
      %get3A_530 = arith.constant 5 : i32
      %get3A_531 = arith.index_cast %get3A_530 : i32 to index
      %get3A_532 = arith.index_cast %shift_right_arithmetic3A_497 : i32 to index
      %get3A_533 = arith.index_cast %mul3A_500 : i32 to index
      %get3A_534 = tpu.vector_load %arg7[%get3A_531, %get3A_532, %get3A_533] {strides = array<i32>} : memref<21x32x128xf32, #tpu.memory_space<vmem>>, vector<1x1x16xf32>,
      %get3A_535 = vector.shape_cast %get3A_534 : vector<1x1x16xf32> to vector<16xf32>
      %get3A_536 = arith.constant 6 : i32
      %get3A_537 = arith.index_cast %get3A_536 : i32 to index
      %get3A_538 = arith.index_cast %shift_right_arithmetic3A_497 : i32 to index
      %get3A_539 = arith.index_cast %mul3A_500 : i32 to index
      %get3A_540 = tpu.vector_load %arg7[%get3A_537, %get3A_538, %get3A_539] {strides = array<i32>} : memref<21x32x128xf32, #tpu.memory_space<vmem>>, vector<1x1x16xf32>,
      %get3A_541 = vector.shape_cast %get3A_540 : vector<1x1x16xf32> to vector<16xf32>
      %get3A_542 = arith.constant 7 : i32
      %get3A_543 = arith.index_cast %get3A_542 : i32 to index
      %get3A_544 = arith.index_cast %shift_right_arithmetic3A_497 : i32 to index
      %get3A_545 = arith.index_cast %mul3A_500 : i32 to index
      %get3A_546 = tpu.vector_load %arg7[%get3A_543, %get3A_544, %get3A_545] {strides = array<i32>} : memref<21x32x128xf32, #tpu.memory_space<vmem>>, vector<1x1x16xf32>,
      %get3A_547 = vector.shape_cast %get3A_546 : vector<1x1x16xf32> to vector<16xf32>
      %get3A_548 = arith.constant 8 : i32
      %get3A_549 = arith.index_cast %get3A_548 : i32 to index
      %get3A_550 = arith.index_cast %shift_right_arithmetic3A_497 : i32 to index
      %get3A_551 = arith.index_cast %mul3A_500 : i32 to index
      %get3A_552 = tpu.vector_load %arg7[%get3A_549, %get3A_550, %get3A_551] {strides = array<i32>} : memref<21x32x128xf32, #tpu.memory_space<vmem>>, vector<1x1x16xf32>,
      %get3A_553 = vector.shape_cast %get3A_552 : vector<1x1x16xf32> to vector<16xf32>
      %get3A_554 = arith.constant 9 : i32
      %get3A_555 = arith.index_cast %get3A_554 : i32 to index
      %get3A_556 = arith.index_cast %shift_right_arithmetic3A_497 : i32 to index
      %get3A_557 = arith.index_cast %mul3A_500 : i32 to index
      %get3A_558 = tpu.vector_load %arg7[%get3A_555, %get3A_556, %get3A_557] {strides = array<i32>} : memref<21x32x128xf32, #tpu.memory_space<vmem>>, vector<1x1x16xf32>,
      %get3A_559 = vector.shape_cast %get3A_558 : vector<1x1x16xf32> to vector<16xf32>
      %get3A_560 = arith.constant 10 : i32
      %get3A_561 = arith.index_cast %get3A_560 : i32 to index
      %get3A_562 = arith.index_cast %shift_right_arithmetic3A_497 : i32 to index
      %get3A_563 = arith.index_cast %mul3A_500 : i32 to index
      %get3A_564 = tpu.vector_load %arg7[%get3A_561, %get3A_562, %get3A_563] {strides = array<i32>} : memref<21x32x128xf32, #tpu.memory_space<vmem>>, vector<1x1x16xf32>,
      %get3A_565 = vector.shape_cast %get3A_564 : vector<1x1x16xf32> to vector<16xf32>
      %get3A_566 = arith.constant 11 : i32
      %get3A_567 = arith.index_cast %get3A_566 : i32 to index
      %get3A_568 = arith.index_cast %shift_right_arithmetic3A_497 : i32 to index
      %get3A_569 = arith.index_cast %mul3A_500 : i32 to index
      %get3A_570 = tpu.vector_load %arg7[%get3A_567, %get3A_568, %get3A_569] {strides = array<i32>} : memref<21x32x128xf32, #tpu.memory_space<vmem>>, vector<1x1x16xf32>,
      %get3A_571 = vector.shape_cast %get3A_570 : vector<1x1x16xf32> to vector<16xf32>
      %get3A_572 = arith.constant 12 : i32
      %get3A_573 = arith.index_cast %get3A_572 : i32 to index
      %get3A_574 = arith.index_cast %shift_right_arithmetic3A_497 : i32 to index
      %get3A_575 = arith.index_cast %mul3A_500 : i32 to index
      %get3A_576 = tpu.vector_load %arg7[%get3A_573, %get3A_574, %get3A_575] {strides = array<i32>} : memref<21x32x128xf32, #tpu.memory_space<vmem>>, vector<1x1x16xf32>,
      %get3A_577 = vector.shape_cast %get3A_576 : vector<1x1x16xf32> to vector<16xf32>
      %get3A_578 = arith.constant 13 : i32
      %get3A_579 = arith.index_cast %get3A_578 : i32 to index
      %get3A_580 = arith.index_cast %shift_right_arithmetic3A_497 : i32 to index
      %get3A_581 = arith.index_cast %mul3A_500 : i32 to index
      %get3A_582 = tpu.vector_load %arg7[%get3A_579, %get3A_580, %get3A_581] {strides = array<i32>} : memref<21x32x128xf32, #tpu.memory_space<vmem>>, vector<1x1x16xf32>,
      %get3A_583 = vector.shape_cast %get3A_582 : vector<1x1x16xf32> to vector<16xf32>
      %get3A_584 = arith.constant 14 : i32
      %get3A_585 = arith.index_cast %get3A_584 : i32 to index
      %get3A_586 = arith.index_cast %shift_right_arithmetic3A_497 : i32 to index
      %get3A_587 = arith.index_cast %mul3A_500 : i32 to index
      %get3A_588 = tpu.vector_load %arg7[%get3A_585, %get3A_586, %get3A_587] {strides = array<i32>} : memref<21x32x128xf32, #tpu.memory_space<vmem>>, vector<1x1x16xf32>,
      %get3A_589 = vector.shape_cast %get3A_588 : vector<1x1x16xf32> to vector<16xf32>
      %get3A_590 = arith.constant 15 : i32
      %get3A_591 = arith.index_cast %get3A_590 : i32 to index
      %get3A_592 = arith.index_cast %shift_right_arithmetic3A_497 : i32 to index
      %get3A_593 = arith.index_cast %mul3A_500 : i32 to index
      %get3A_594 = tpu.vector_load %arg7[%get3A_591, %get3A_592, %get3A_593] {strides = array<i32>} : memref<21x32x128xf32, #tpu.memory_space<vmem>>, vector<1x1x16xf32>,
      %get3A_595 = vector.shape_cast %get3A_594 : vector<1x1x16xf32> to vector<16xf32>
      %get3A_596 = arith.constant 16 : i32
      %get3A_597 = arith.index_cast %get3A_596 : i32 to index
      %get3A_598 = arith.index_cast %shift_right_arithmetic3A_497 : i32 to index
      %get3A_599 = arith.index_cast %mul3A_500 : i32 to index
      %get3A_600 = tpu.vector_load %arg7[%get3A_597, %get3A_598, %get3A_599] {strides = array<i32>} : memref<21x32x128xf32, #tpu.memory_space<vmem>>, vector<1x1x16xf32>,
      %get3A_601 = vector.shape_cast %get3A_600 : vector<1x1x16xf32> to vector<16xf32>
      %get3A_602 = arith.constant 17 : i32
      %get3A_603 = arith.index_cast %get3A_602 : i32 to index
      %get3A_604 = arith.index_cast %shift_right_arithmetic3A_497 : i32 to index
      %get3A_605 = arith.index_cast %mul3A_500 : i32 to index
      %get3A_606 = tpu.vector_load %arg7[%get3A_603, %get3A_604, %get3A_605] {strides = array<i32>} : memref<21x32x128xf32, #tpu.memory_space<vmem>>, vector<1x1x16xf32>,
      %get3A_607 = vector.shape_cast %get3A_606 : vector<1x1x16xf32> to vector<16xf32>
      %get3A_608 = arith.constant 18 : i32
      %get3A_609 = arith.index_cast %get3A_608 : i32 to index
      %get3A_610 = arith.index_cast %shift_right_arithmetic3A_497 : i32 to index
      %get3A_611 = arith.index_cast %mul3A_500 : i32 to index
      %get3A_612 = tpu.vector_load %arg7[%get3A_609, %get3A_610, %get3A_611] {strides = array<i32>} : memref<21x32x128xf32, #tpu.memory_space<vmem>>, vector<1x1x16xf32>,
      %get3A_613 = vector.shape_cast %get3A_612 : vector<1x1x16xf32> to vector<16xf32>
      %get3A_614 = arith.constant 19 : i32
      %get3A_615 = arith.index_cast %get3A_614 : i32 to index
      %get3A_616 = arith.index_cast %shift_right_arithmetic3A_497 : i32 to index
      %get3A_617 = arith.index_cast %mul3A_500 : i32 to index
      %get3A_618 = tpu.vector_load %arg7[%get3A_615, %get3A_616, %get3A_617] {strides = array<i32>} : memref<21x32x128xf32, #tpu.memory_space<vmem>>, vector<1x1x16xf32>,
      %get3A_619 = vector.shape_cast %get3A_618 : vector<1x1x16xf32> to vector<16xf32>
      %get3A_620 = arith.constant 20 : i32
      %get3A_621 = arith.index_cast %get3A_620 : i32 to index
      %get3A_622 = arith.index_cast %shift_right_arithmetic3A_497 : i32 to index
      %get3A_623 = arith.index_cast %mul3A_500 : i32 to index
      %get3A_624 = tpu.vector_load %arg7[%get3A_621, %get3A_622, %get3A_623] {strides = array<i32>} : memref<21x32x128xf32, #tpu.memory_space<vmem>>, vector<1x1x16xf32>,
      %get3A_625 = vector.shape_cast %get3A_624 : vector<1x1x16xf32> to vector<16xf32>
      %add3A_626 = arith.addf %get3A_505, %get3A_511 : vector<16xf32>
      %add3A_627 = arith.addf %get3A_517, %get3A_523 : vector<16xf32>
      %add3A_628 = arith.addf %get3A_529, %get3A_535 : vector<16xf32>
      %add3A_629 = arith.addf %get3A_541, %get3A_547 : vector<16xf32>
      %add3A_630 = arith.addf %get3A_553, %get3A_559 : vector<16xf32>
      %add3A_631 = arith.addf %get3A_565, %get3A_571 : vector<16xf32>
      %add3A_632 = arith.addf %get3A_577, %get3A_583 : vector<16xf32>
      %add3A_633 = arith.addf %get3A_589, %get3A_595 : vector<16xf32>
      %add3A_634 = arith.addf %get3A_601, %get3A_607 : vector<16xf32>
      %add3A_635 = arith.addf %get3A_613, %get3A_619 : vector<16xf32>
      %add3A_636 = arith.addf %add3A_626, %add3A_627 : vector<16xf32>
      %add3A_637 = arith.addf %add3A_628, %add3A_629 : vector<16xf32>
      %add3A_638 = arith.addf %add3A_630, %add3A_631 : vector<16xf32>
      %add3A_639 = arith.addf %add3A_632, %add3A_633 : vector<16xf32>
      %add3A_640 = arith.addf %add3A_634, %add3A_635 : vector<16xf32>
      %add3A_641 = arith.addf %add3A_636, %add3A_637 : vector<16xf32>
      %add3A_642 = arith.addf %add3A_638, %add3A_639 : vector<16xf32>
      %add3A_643 = arith.addf %add3A_640, %get3A_625 : vector<16xf32>
      %add3A_644 = arith.addf %add3A_641, %add3A_642 : vector<16xf32>
      %add3A_645 = arith.addf %add3A_644, %add3A_643 : vector<16xf32>
      %swap3A = arith.index_cast %shift_right_arithmetic3A_497 : i32 to index
      %swap3A_646 = arith.index_cast %mul3A_500 : i32 to index
      %swap3A_647 = tpu.vector_load %arg8[%swap3A, %swap3A_646] {strides = array<i32>} : memref<32x128xf32, #tpu.memory_space<vmem>>, vector<1x16xf32>,
      %swap3A_648 = vector.shape_cast %swap3A_647 : vector<1x16xf32> to vector<16xf32>
      %swap3A_649 = vector.shape_cast %add3A_645 : vector<16xf32> to vector<1x16xf32>
      tpu.vector_store %arg8[%swap3A, %swap3A_646], %swap3A_649 {strides = array<i32>} : memref<32x128xf32, #tpu.memory_space<vmem>>, vector<1x16xf32>,
    }
    %scan3A_219 = arith.constant 256 : i32
    %add3A_220 = arith.constant 3 : i32
    %add3A_221 = arith.addi %mul3A_2, %add3A_220 : i32
    %dma_start3A_222 = arith.constant 0 : i32
    %dma_start3A_223 = arith.constant 0 : i32
    %dma_start3A_224 = tpu.memref_slice %arg5[%add3A_221, %dma_start3A_222, %dma_start3A_223] : memref<256x32x128xf32, #tpu.memory_space<hbm>> -> memref<1x32x128xf32, #tpu.memory_space<hbm>>
    %dma_start3A_225 = tpu.memref_squeeze %dma_start3A_224 : memref<1x32x128xf32, #tpu.memory_space<hbm>> -> memref<32x128xf32, #tpu.memory_space<hbm>>
    %dma_start3A_226 = arith.constant 0 : i32
    %dma_start3A_227 = arith.constant 0 : i32
    %dma_start3A_228 = tpu.memref_slice %arg5[%add3A_221, %dma_start3A_226, %dma_start3A_227] : memref<256x32x128xf32, #tpu.memory_space<hbm>> -> memref<1x32x128xf32, #tpu.memory_space<hbm>>
    %dma_start3A_229 = tpu.memref_squeeze %dma_start3A_228 : memref<1x32x128xf32, #tpu.memory_space<hbm>> -> memref<32x128xf32, #tpu.memory_space<hbm>>
    tpu.enqueue_dma source(%arg8 : memref<32x128xf32, #tpu.memory_space<vmem>>) target(%dma_start3A_229 : memref<32x128xf32, #tpu.memory_space<hbm>>) target_semaphore(%arg10 : memref<!tpu.dma_semaphore, #tpu.memory_space<semaphore_mem>>)
    %dma_wait3A_230 = arith.constant 0 : i32
    %dma_wait3A_231 = arith.constant 0 : i32
    %dma_wait3A_232 = arith.constant 0 : i32
    %dma_wait3A_233 = tpu.memref_slice %arg4[%add3A_203, %dma_wait3A_230, %dma_wait3A_231, %dma_wait3A_232] : memref<256x21x32x128xf32, #tpu.memory_space<hbm>> -> memref<1x21x32x128xf32, #tpu.memory_space<hbm>>
    %dma_wait3A_234 = tpu.memref_squeeze %dma_wait3A_233 : memref<1x21x32x128xf32, #tpu.memory_space<hbm>> -> memref<21x32x128xf32, #tpu.memory_space<hbm>>
    %dma_wait3A_235 = arith.constant 0 : i32
    %dma_wait3A_236 = arith.constant 0 : i32
    %dma_wait3A_237 = arith.constant 0 : i32
    %dma_wait3A_238 = tpu.memref_slice %arg4[%add3A_203, %dma_wait3A_235, %dma_wait3A_236, %dma_wait3A_237] : memref<256x21x32x128xf32, #tpu.memory_space<hbm>> -> memref<1x21x32x128xf32, #tpu.memory_space<hbm>>
    %dma_wait3A_239 = tpu.memref_squeeze %dma_wait3A_238 : memref<1x21x32x128xf32, #tpu.memory_space<hbm>> -> memref<21x32x128xf32, #tpu.memory_space<hbm>>
    tpu.wait_dma2 semaphore(%arg10 : memref<!tpu.dma_semaphore, #tpu.memory_space<semaphore_mem>>) src(%arg7 : memref<21x32x128xf32, #tpu.memory_space<vmem>>) dst(%dma_wait3A_239 : memref<21x32x128xf32, #tpu.memory_space<hbm>>)
    %dma_wait3A_240 = arith.constant 0 : i32
    %dma_wait3A_241 = arith.constant 0 : i32
    %dma_wait3A_242 = tpu.memref_slice %arg5[%add3A_221, %dma_wait3A_240, %dma_wait3A_241] : memref<256x32x128xf32, #tpu.memory_space<hbm>> -> memref<1x32x128xf32, #tpu.memory_space<hbm>>
    %dma_wait3A_243 = tpu.memref_squeeze %dma_wait3A_242 : memref<1x32x128xf32, #tpu.memory_space<hbm>> -> memref<32x128xf32, #tpu.memory_space<hbm>>
    %dma_wait3A_244 = arith.constant 0 : i32
    %dma_wait3A_245 = arith.constant 0 : i32
    %dma_wait3A_246 = tpu.memref_slice %arg5[%add3A_221, %dma_wait3A_244, %dma_wait3A_245] : memref<256x32x128xf32, #tpu.memory_space<hbm>> -> memref<1x32x128xf32, #tpu.memory_space<hbm>>
    %dma_wait3A_247 = tpu.memref_squeeze %dma_wait3A_246 : memref<1x32x128xf32, #tpu.memory_space<hbm>> -> memref<32x128xf32, #tpu.memory_space<hbm>>
    tpu.wait_dma2 semaphore(%arg10 : memref<!tpu.dma_semaphore, #tpu.memory_space<semaphore_mem>>) src(%arg8 : memref<32x128xf32, #tpu.memory_space<vmem>>) dst(%dma_wait3A_247 : memref<32x128xf32, #tpu.memory_space<hbm>>)
    %dma_start3A_248 = arith.constant 4 : i32
    %dma_start3A_249 = arith.constant 0 : i32
    %dma_start3A_250 = tpu.memref_slice %arg6[%dma_start3A_248, %dma_start3A_249] : memref<8x21xi32, #tpu.memory_space<vmem>> -> memref<1x21xi32, #tpu.memory_space<vmem>>
    %dma_start3A_251 = tpu.memref_squeeze %dma_start3A_250 : memref<1x21xi32, #tpu.memory_space<vmem>> -> memref<21xi32, #tpu.memory_space<vmem>>
    %dma_start3A_252 = arith.constant 0 : i32
    %dma_start3A_253 = arith.constant 0 : i32
    %dma_start3A_254 = arith.constant 0 : i32
    %dma_start3A_255 = tpu.memref_slice %arg2[%dma_start3A_252, %dma_start3A_253, %dma_start3A_254] : memref<4096x32x128xf32, #tpu.memory_space<hbm>> -> memref<4096x32x128xf32, #tpu.memory_space<hbm>>
    tpu.enqueue_indirect_dma source(%dma_start3A_255 : memref<4096x32x128xf32, #tpu.memory_space<hbm>>) target(%arg7 : memref<21x32x128xf32, #tpu.memory_space<vmem>>) offsets(%dma_start3A_251 : memref<21xi32, #tpu.memory_space<vmem>>) semaphore(%arg9 : memref<!tpu.dma_semaphore, #tpu.memory_space<semaphore_mem>>)
    %dma_wait3A_256 = arith.constant 4 : i32
    %dma_wait3A_257 = arith.constant 0 : i32
    %dma_wait3A_258 = tpu.memref_slice %arg6[%dma_wait3A_256, %dma_wait3A_257] : memref<8x21xi32, #tpu.memory_space<vmem>> -> memref<1x21xi32, #tpu.memory_space<vmem>>
    %dma_wait3A_259 = tpu.memref_squeeze %dma_wait3A_258 : memref<1x21xi32, #tpu.memory_space<vmem>> -> memref<21xi32, #tpu.memory_space<vmem>>
    %dma_wait3A_260 = arith.constant 0 : i32
    %dma_wait3A_261 = arith.constant 0 : i32
    %dma_wait3A_262 = arith.constant 0 : i32
    %dma_wait3A_263 = tpu.memref_slice %arg2[%dma_wait3A_260, %dma_wait3A_261, %dma_wait3A_262] : memref<4096x32x128xf32, #tpu.memory_space<hbm>> -> memref<4096x32x128xf32, #tpu.memory_space<hbm>>
    tpu.wait_indirect_dma semaphore(%arg9 : memref<!tpu.dma_semaphore, #tpu.memory_space<semaphore_mem>>) src(%dma_wait3A_263 : memref<4096x32x128xf32, #tpu.memory_space<hbm>>) dst(%arg7 : memref<21x32x128xf32, #tpu.memory_space<vmem>>)
    %add3A_264 = arith.constant 4 : i32
    %add3A_265 = arith.addi %mul3A_2, %add3A_264 : i32
    %dma_start3A_266 = arith.constant 0 : i32
    %dma_start3A_267 = arith.constant 0 : i32
    %dma_start3A_268 = arith.constant 0 : i32
    %dma_start3A_269 = tpu.memref_slice %arg4[%add3A_265, %dma_start3A_266, %dma_start3A_267, %dma_start3A_268] : memref<256x21x32x128xf32, #tpu.memory_space<hbm>> -> memref<1x21x32x128xf32, #tpu.memory_space<hbm>>
    %dma_start3A_270 = tpu.memref_squeeze %dma_start3A_269 : memref<1x21x32x128xf32, #tpu.memory_space<hbm>> -> memref<21x32x128xf32, #tpu.memory_space<hbm>>
    %dma_start3A_271 = arith.constant 0 : i32
    %dma_start3A_272 = arith.constant 0 : i32
    %dma_start3A_273 = arith.constant 0 : i32
    %dma_start3A_274 = tpu.memref_slice %arg4[%add3A_265, %dma_start3A_271, %dma_start3A_272, %dma_start3A_273] : memref<256x21x32x128xf32, #tpu.memory_space<hbm>> -> memref<1x21x32x128xf32, #tpu.memory_space<hbm>>
    %dma_start3A_275 = tpu.memref_squeeze %dma_start3A_274 : memref<1x21x32x128xf32, #tpu.memory_space<hbm>> -> memref<21x32x128xf32, #tpu.memory_space<hbm>>
    tpu.enqueue_dma source(%arg7 : memref<21x32x128xf32, #tpu.memory_space<vmem>>) target(%dma_start3A_275 : memref<21x32x128xf32, #tpu.memory_space<hbm>>) target_semaphore(%arg10 : memref<!tpu.dma_semaphore, #tpu.memory_space<semaphore_mem>>)
    %scan3A_276 = arith.constant 0 : i32
    %scan3A_277 = arith.constant 0 : i32
    %scan3A_278 = arith.constant 256 : i32
    %scan3A_279 = arith.addi %scan3A_277, %scan3A_278 : i32
    %scan3A_280 = arith.constant 1 : i32
    scf.for %scan3A_496 = %scan3A_277 to %scan3A_279 step %scan3A_280  : i32 {
      %shift_right_arithmetic3A = arith.constant 3 : i32
      %shift_right_arithmetic3A_497 = arith.shrsi %scan3A_496, %shift_right_arithmetic3A : i32
      %and3A = arith.constant 7 : i32
      %and3A_498 = arith.andi %scan3A_496, %and3A : i32
      %mul3A_499 = arith.constant 16 : i32
      %mul3A_500 = arith.muli %and3A_498, %mul3A_499 : i32
      %get3A = arith.constant 0 : i32
      %get3A_501 = arith.index_cast %get3A : i32 to index
      %get3A_502 = arith.index_cast %shift_right_arithmetic3A_497 : i32 to index
      %get3A_503 = arith.index_cast %mul3A_500 : i32 to index
      %get3A_504 = tpu.vector_load %arg7[%get3A_501, %get3A_502, %get3A_503] {strides = array<i32>} : memref<21x32x128xf32, #tpu.memory_space<vmem>>, vector<1x1x16xf32>,
      %get3A_505 = vector.shape_cast %get3A_504 : vector<1x1x16xf32> to vector<16xf32>
      %get3A_506 = arith.constant 1 : i32
      %get3A_507 = arith.index_cast %get3A_506 : i32 to index
      %get3A_508 = arith.index_cast %shift_right_arithmetic3A_497 : i32 to index
      %get3A_509 = arith.index_cast %mul3A_500 : i32 to index
      %get3A_510 = tpu.vector_load %arg7[%get3A_507, %get3A_508, %get3A_509] {strides = array<i32>} : memref<21x32x128xf32, #tpu.memory_space<vmem>>, vector<1x1x16xf32>,
      %get3A_511 = vector.shape_cast %get3A_510 : vector<1x1x16xf32> to vector<16xf32>
      %get3A_512 = arith.constant 2 : i32
      %get3A_513 = arith.index_cast %get3A_512 : i32 to index
      %get3A_514 = arith.index_cast %shift_right_arithmetic3A_497 : i32 to index
      %get3A_515 = arith.index_cast %mul3A_500 : i32 to index
      %get3A_516 = tpu.vector_load %arg7[%get3A_513, %get3A_514, %get3A_515] {strides = array<i32>} : memref<21x32x128xf32, #tpu.memory_space<vmem>>, vector<1x1x16xf32>,
      %get3A_517 = vector.shape_cast %get3A_516 : vector<1x1x16xf32> to vector<16xf32>
      %get3A_518 = arith.constant 3 : i32
      %get3A_519 = arith.index_cast %get3A_518 : i32 to index
      %get3A_520 = arith.index_cast %shift_right_arithmetic3A_497 : i32 to index
      %get3A_521 = arith.index_cast %mul3A_500 : i32 to index
      %get3A_522 = tpu.vector_load %arg7[%get3A_519, %get3A_520, %get3A_521] {strides = array<i32>} : memref<21x32x128xf32, #tpu.memory_space<vmem>>, vector<1x1x16xf32>,
      %get3A_523 = vector.shape_cast %get3A_522 : vector<1x1x16xf32> to vector<16xf32>
      %get3A_524 = arith.constant 4 : i32
      %get3A_525 = arith.index_cast %get3A_524 : i32 to index
      %get3A_526 = arith.index_cast %shift_right_arithmetic3A_497 : i32 to index
      %get3A_527 = arith.index_cast %mul3A_500 : i32 to index
      %get3A_528 = tpu.vector_load %arg7[%get3A_525, %get3A_526, %get3A_527] {strides = array<i32>} : memref<21x32x128xf32, #tpu.memory_space<vmem>>, vector<1x1x16xf32>,
      %get3A_529 = vector.shape_cast %get3A_528 : vector<1x1x16xf32> to vector<16xf32>
      %get3A_530 = arith.constant 5 : i32
      %get3A_531 = arith.index_cast %get3A_530 : i32 to index
      %get3A_532 = arith.index_cast %shift_right_arithmetic3A_497 : i32 to index
      %get3A_533 = arith.index_cast %mul3A_500 : i32 to index
      %get3A_534 = tpu.vector_load %arg7[%get3A_531, %get3A_532, %get3A_533] {strides = array<i32>} : memref<21x32x128xf32, #tpu.memory_space<vmem>>, vector<1x1x16xf32>,
      %get3A_535 = vector.shape_cast %get3A_534 : vector<1x1x16xf32> to vector<16xf32>
      %get3A_536 = arith.constant 6 : i32
      %get3A_537 = arith.index_cast %get3A_536 : i32 to index
      %get3A_538 = arith.index_cast %shift_right_arithmetic3A_497 : i32 to index
      %get3A_539 = arith.index_cast %mul3A_500 : i32 to index
      %get3A_540 = tpu.vector_load %arg7[%get3A_537, %get3A_538, %get3A_539] {strides = array<i32>} : memref<21x32x128xf32, #tpu.memory_space<vmem>>, vector<1x1x16xf32>,
      %get3A_541 = vector.shape_cast %get3A_540 : vector<1x1x16xf32> to vector<16xf32>
      %get3A_542 = arith.constant 7 : i32
      %get3A_543 = arith.index_cast %get3A_542 : i32 to index
      %get3A_544 = arith.index_cast %shift_right_arithmetic3A_497 : i32 to index
      %get3A_545 = arith.index_cast %mul3A_500 : i32 to index
      %get3A_546 = tpu.vector_load %arg7[%get3A_543, %get3A_544, %get3A_545] {strides = array<i32>} : memref<21x32x128xf32, #tpu.memory_space<vmem>>, vector<1x1x16xf32>,
      %get3A_547 = vector.shape_cast %get3A_546 : vector<1x1x16xf32> to vector<16xf32>
      %get3A_548 = arith.constant 8 : i32
      %get3A_549 = arith.index_cast %get3A_548 : i32 to index
      %get3A_550 = arith.index_cast %shift_right_arithmetic3A_497 : i32 to index
      %get3A_551 = arith.index_cast %mul3A_500 : i32 to index
      %get3A_552 = tpu.vector_load %arg7[%get3A_549, %get3A_550, %get3A_551] {strides = array<i32>} : memref<21x32x128xf32, #tpu.memory_space<vmem>>, vector<1x1x16xf32>,
      %get3A_553 = vector.shape_cast %get3A_552 : vector<1x1x16xf32> to vector<16xf32>
      %get3A_554 = arith.constant 9 : i32
      %get3A_555 = arith.index_cast %get3A_554 : i32 to index
      %get3A_556 = arith.index_cast %shift_right_arithmetic3A_497 : i32 to index
      %get3A_557 = arith.index_cast %mul3A_500 : i32 to index
      %get3A_558 = tpu.vector_load %arg7[%get3A_555, %get3A_556, %get3A_557] {strides = array<i32>} : memref<21x32x128xf32, #tpu.memory_space<vmem>>, vector<1x1x16xf32>,
      %get3A_559 = vector.shape_cast %get3A_558 : vector<1x1x16xf32> to vector<16xf32>
      %get3A_560 = arith.constant 10 : i32
      %get3A_561 = arith.index_cast %get3A_560 : i32 to index
      %get3A_562 = arith.index_cast %shift_right_arithmetic3A_497 : i32 to index
      %get3A_563 = arith.index_cast %mul3A_500 : i32 to index
      %get3A_564 = tpu.vector_load %arg7[%get3A_561, %get3A_562, %get3A_563] {strides = array<i32>} : memref<21x32x128xf32, #tpu.memory_space<vmem>>, vector<1x1x16xf32>,
      %get3A_565 = vector.shape_cast %get3A_564 : vector<1x1x16xf32> to vector<16xf32>
      %get3A_566 = arith.constant 11 : i32
      %get3A_567 = arith.index_cast %get3A_566 : i32 to index
      %get3A_568 = arith.index_cast %shift_right_arithmetic3A_497 : i32 to index
      %get3A_569 = arith.index_cast %mul3A_500 : i32 to index
      %get3A_570 = tpu.vector_load %arg7[%get3A_567, %get3A_568, %get3A_569] {strides = array<i32>} : memref<21x32x128xf32, #tpu.memory_space<vmem>>, vector<1x1x16xf32>,
      %get3A_571 = vector.shape_cast %get3A_570 : vector<1x1x16xf32> to vector<16xf32>
      %get3A_572 = arith.constant 12 : i32
      %get3A_573 = arith.index_cast %get3A_572 : i32 to index
      %get3A_574 = arith.index_cast %shift_right_arithmetic3A_497 : i32 to index
      %get3A_575 = arith.index_cast %mul3A_500 : i32 to index
      %get3A_576 = tpu.vector_load %arg7[%get3A_573, %get3A_574, %get3A_575] {strides = array<i32>} : memref<21x32x128xf32, #tpu.memory_space<vmem>>, vector<1x1x16xf32>,
      %get3A_577 = vector.shape_cast %get3A_576 : vector<1x1x16xf32> to vector<16xf32>
      %get3A_578 = arith.constant 13 : i32
      %get3A_579 = arith.index_cast %get3A_578 : i32 to index
      %get3A_580 = arith.index_cast %shift_right_arithmetic3A_497 : i32 to index
      %get3A_581 = arith.index_cast %mul3A_500 : i32 to index
      %get3A_582 = tpu.vector_load %arg7[%get3A_579, %get3A_580, %get3A_581] {strides = array<i32>} : memref<21x32x128xf32, #tpu.memory_space<vmem>>, vector<1x1x16xf32>,
      %get3A_583 = vector.shape_cast %get3A_582 : vector<1x1x16xf32> to vector<16xf32>
      %get3A_584 = arith.constant 14 : i32
      %get3A_585 = arith.index_cast %get3A_584 : i32 to index
      %get3A_586 = arith.index_cast %shift_right_arithmetic3A_497 : i32 to index
      %get3A_587 = arith.index_cast %mul3A_500 : i32 to index
      %get3A_588 = tpu.vector_load %arg7[%get3A_585, %get3A_586, %get3A_587] {strides = array<i32>} : memref<21x32x128xf32, #tpu.memory_space<vmem>>, vector<1x1x16xf32>,
      %get3A_589 = vector.shape_cast %get3A_588 : vector<1x1x16xf32> to vector<16xf32>
      %get3A_590 = arith.constant 15 : i32
      %get3A_591 = arith.index_cast %get3A_590 : i32 to index
      %get3A_592 = arith.index_cast %shift_right_arithmetic3A_497 : i32 to index
      %get3A_593 = arith.index_cast %mul3A_500 : i32 to index
      %get3A_594 = tpu.vector_load %arg7[%get3A_591, %get3A_592, %get3A_593] {strides = array<i32>} : memref<21x32x128xf32, #tpu.memory_space<vmem>>, vector<1x1x16xf32>,
      %get3A_595 = vector.shape_cast %get3A_594 : vector<1x1x16xf32> to vector<16xf32>
      %get3A_596 = arith.constant 16 : i32
      %get3A_597 = arith.index_cast %get3A_596 : i32 to index
      %get3A_598 = arith.index_cast %shift_right_arithmetic3A_497 : i32 to index
      %get3A_599 = arith.index_cast %mul3A_500 : i32 to index
      %get3A_600 = tpu.vector_load %arg7[%get3A_597, %get3A_598, %get3A_599] {strides = array<i32>} : memref<21x32x128xf32, #tpu.memory_space<vmem>>, vector<1x1x16xf32>,
      %get3A_601 = vector.shape_cast %get3A_600 : vector<1x1x16xf32> to vector<16xf32>
      %get3A_602 = arith.constant 17 : i32
      %get3A_603 = arith.index_cast %get3A_602 : i32 to index
      %get3A_604 = arith.index_cast %shift_right_arithmetic3A_497 : i32 to index
      %get3A_605 = arith.index_cast %mul3A_500 : i32 to index
      %get3A_606 = tpu.vector_load %arg7[%get3A_603, %get3A_604, %get3A_605] {strides = array<i32>} : memref<21x32x128xf32, #tpu.memory_space<vmem>>, vector<1x1x16xf32>,
      %get3A_607 = vector.shape_cast %get3A_606 : vector<1x1x16xf32> to vector<16xf32>
      %get3A_608 = arith.constant 18 : i32
      %get3A_609 = arith.index_cast %get3A_608 : i32 to index
      %get3A_610 = arith.index_cast %shift_right_arithmetic3A_497 : i32 to index
      %get3A_611 = arith.index_cast %mul3A_500 : i32 to index
      %get3A_612 = tpu.vector_load %arg7[%get3A_609, %get3A_610, %get3A_611] {strides = array<i32>} : memref<21x32x128xf32, #tpu.memory_space<vmem>>, vector<1x1x16xf32>,
      %get3A_613 = vector.shape_cast %get3A_612 : vector<1x1x16xf32> to vector<16xf32>
      %get3A_614 = arith.constant 19 : i32
      %get3A_615 = arith.index_cast %get3A_614 : i32 to index
      %get3A_616 = arith.index_cast %shift_right_arithmetic3A_497 : i32 to index
      %get3A_617 = arith.index_cast %mul3A_500 : i32 to index
      %get3A_618 = tpu.vector_load %arg7[%get3A_615, %get3A_616, %get3A_617] {strides = array<i32>} : memref<21x32x128xf32, #tpu.memory_space<vmem>>, vector<1x1x16xf32>,
      %get3A_619 = vector.shape_cast %get3A_618 : vector<1x1x16xf32> to vector<16xf32>
      %get3A_620 = arith.constant 20 : i32
      %get3A_621 = arith.index_cast %get3A_620 : i32 to index
      %get3A_622 = arith.index_cast %shift_right_arithmetic3A_497 : i32 to index
      %get3A_623 = arith.index_cast %mul3A_500 : i32 to index
      %get3A_624 = tpu.vector_load %arg7[%get3A_621, %get3A_622, %get3A_623] {strides = array<i32>} : memref<21x32x128xf32, #tpu.memory_space<vmem>>, vector<1x1x16xf32>,
      %get3A_625 = vector.shape_cast %get3A_624 : vector<1x1x16xf32> to vector<16xf32>
      %add3A_626 = arith.addf %get3A_505, %get3A_511 : vector<16xf32>
      %add3A_627 = arith.addf %get3A_517, %get3A_523 : vector<16xf32>
      %add3A_628 = arith.addf %get3A_529, %get3A_535 : vector<16xf32>
      %add3A_629 = arith.addf %get3A_541, %get3A_547 : vector<16xf32>
      %add3A_630 = arith.addf %get3A_553, %get3A_559 : vector<16xf32>
      %add3A_631 = arith.addf %get3A_565, %get3A_571 : vector<16xf32>
      %add3A_632 = arith.addf %get3A_577, %get3A_583 : vector<16xf32>
      %add3A_633 = arith.addf %get3A_589, %get3A_595 : vector<16xf32>
      %add3A_634 = arith.addf %get3A_601, %get3A_607 : vector<16xf32>
      %add3A_635 = arith.addf %get3A_613, %get3A_619 : vector<16xf32>
      %add3A_636 = arith.addf %add3A_626, %add3A_627 : vector<16xf32>
      %add3A_637 = arith.addf %add3A_628, %add3A_629 : vector<16xf32>
      %add3A_638 = arith.addf %add3A_630, %add3A_631 : vector<16xf32>
      %add3A_639 = arith.addf %add3A_632, %add3A_633 : vector<16xf32>
      %add3A_640 = arith.addf %add3A_634, %add3A_635 : vector<16xf32>
      %add3A_641 = arith.addf %add3A_636, %add3A_637 : vector<16xf32>
      %add3A_642 = arith.addf %add3A_638, %add3A_639 : vector<16xf32>
      %add3A_643 = arith.addf %add3A_640, %get3A_625 : vector<16xf32>
      %add3A_644 = arith.addf %add3A_641, %add3A_642 : vector<16xf32>
      %add3A_645 = arith.addf %add3A_644, %add3A_643 : vector<16xf32>
      %swap3A = arith.index_cast %shift_right_arithmetic3A_497 : i32 to index
      %swap3A_646 = arith.index_cast %mul3A_500 : i32 to index
      %swap3A_647 = tpu.vector_load %arg8[%swap3A, %swap3A_646] {strides = array<i32>} : memref<32x128xf32, #tpu.memory_space<vmem>>, vector<1x16xf32>,
      %swap3A_648 = vector.shape_cast %swap3A_647 : vector<1x16xf32> to vector<16xf32>
      %swap3A_649 = vector.shape_cast %add3A_645 : vector<16xf32> to vector<1x16xf32>
      tpu.vector_store %arg8[%swap3A, %swap3A_646], %swap3A_649 {strides = array<i32>} : memref<32x128xf32, #tpu.memory_space<vmem>>, vector<1x16xf32>,
    }
    %scan3A_281 = arith.constant 256 : i32
    %add3A_282 = arith.constant 4 : i32
    %add3A_283 = arith.addi %mul3A_2, %add3A_282 : i32
    %dma_start3A_284 = arith.constant 0 : i32
    %dma_start3A_285 = arith.constant 0 : i32
    %dma_start3A_286 = tpu.memref_slice %arg5[%add3A_283, %dma_start3A_284, %dma_start3A_285] : memref<256x32x128xf32, #tpu.memory_space<hbm>> -> memref<1x32x128xf32, #tpu.memory_space<hbm>>
    %dma_start3A_287 = tpu.memref_squeeze %dma_start3A_286 : memref<1x32x128xf32, #tpu.memory_space<hbm>> -> memref<32x128xf32, #tpu.memory_space<hbm>>
    %dma_start3A_288 = arith.constant 0 : i32
    %dma_start3A_289 = arith.constant 0 : i32
    %dma_start3A_290 = tpu.memref_slice %arg5[%add3A_283, %dma_start3A_288, %dma_start3A_289] : memref<256x32x128xf32, #tpu.memory_space<hbm>> -> memref<1x32x128xf32, #tpu.memory_space<hbm>>
    %dma_start3A_291 = tpu.memref_squeeze %dma_start3A_290 : memref<1x32x128xf32, #tpu.memory_space<hbm>> -> memref<32x128xf32, #tpu.memory_space<hbm>>
    tpu.enqueue_dma source(%arg8 : memref<32x128xf32, #tpu.memory_space<vmem>>) target(%dma_start3A_291 : memref<32x128xf32, #tpu.memory_space<hbm>>) target_semaphore(%arg10 : memref<!tpu.dma_semaphore, #tpu.memory_space<semaphore_mem>>)
    %dma_wait3A_292 = arith.constant 0 : i32
    %dma_wait3A_293 = arith.constant 0 : i32
    %dma_wait3A_294 = arith.constant 0 : i32
    %dma_wait3A_295 = tpu.memref_slice %arg4[%add3A_265, %dma_wait3A_292, %dma_wait3A_293, %dma_wait3A_294] : memref<256x21x32x128xf32, #tpu.memory_space<hbm>> -> memref<1x21x32x128xf32, #tpu.memory_space<hbm>>
    %dma_wait3A_296 = tpu.memref_squeeze %dma_wait3A_295 : memref<1x21x32x128xf32, #tpu.memory_space<hbm>> -> memref<21x32x128xf32, #tpu.memory_space<hbm>>
    %dma_wait3A_297 = arith.constant 0 : i32
    %dma_wait3A_298 = arith.constant 0 : i32
    %dma_wait3A_299 = arith.constant 0 : i32
    %dma_wait3A_300 = tpu.memref_slice %arg4[%add3A_265, %dma_wait3A_297, %dma_wait3A_298, %dma_wait3A_299] : memref<256x21x32x128xf32, #tpu.memory_space<hbm>> -> memref<1x21x32x128xf32, #tpu.memory_space<hbm>>
    %dma_wait3A_301 = tpu.memref_squeeze %dma_wait3A_300 : memref<1x21x32x128xf32, #tpu.memory_space<hbm>> -> memref<21x32x128xf32, #tpu.memory_space<hbm>>
    tpu.wait_dma2 semaphore(%arg10 : memref<!tpu.dma_semaphore, #tpu.memory_space<semaphore_mem>>) src(%arg7 : memref<21x32x128xf32, #tpu.memory_space<vmem>>) dst(%dma_wait3A_301 : memref<21x32x128xf32, #tpu.memory_space<hbm>>)
    %dma_wait3A_302 = arith.constant 0 : i32
    %dma_wait3A_303 = arith.constant 0 : i32
    %dma_wait3A_304 = tpu.memref_slice %arg5[%add3A_283, %dma_wait3A_302, %dma_wait3A_303] : memref<256x32x128xf32, #tpu.memory_space<hbm>> -> memref<1x32x128xf32, #tpu.memory_space<hbm>>
    %dma_wait3A_305 = tpu.memref_squeeze %dma_wait3A_304 : memref<1x32x128xf32, #tpu.memory_space<hbm>> -> memref<32x128xf32, #tpu.memory_space<hbm>>
    %dma_wait3A_306 = arith.constant 0 : i32
    %dma_wait3A_307 = arith.constant 0 : i32
    %dma_wait3A_308 = tpu.memref_slice %arg5[%add3A_283, %dma_wait3A_306, %dma_wait3A_307] : memref<256x32x128xf32, #tpu.memory_space<hbm>> -> memref<1x32x128xf32, #tpu.memory_space<hbm>>
    %dma_wait3A_309 = tpu.memref_squeeze %dma_wait3A_308 : memref<1x32x128xf32, #tpu.memory_space<hbm>> -> memref<32x128xf32, #tpu.memory_space<hbm>>
    tpu.wait_dma2 semaphore(%arg10 : memref<!tpu.dma_semaphore, #tpu.memory_space<semaphore_mem>>) src(%arg8 : memref<32x128xf32, #tpu.memory_space<vmem>>) dst(%dma_wait3A_309 : memref<32x128xf32, #tpu.memory_space<hbm>>)
    %dma_start3A_310 = arith.constant 5 : i32
    %dma_start3A_311 = arith.constant 0 : i32
    %dma_start3A_312 = tpu.memref_slice %arg6[%dma_start3A_310, %dma_start3A_311] : memref<8x21xi32, #tpu.memory_space<vmem>> -> memref<1x21xi32, #tpu.memory_space<vmem>>
    %dma_start3A_313 = tpu.memref_squeeze %dma_start3A_312 : memref<1x21xi32, #tpu.memory_space<vmem>> -> memref<21xi32, #tpu.memory_space<vmem>>
    %dma_start3A_314 = arith.constant 0 : i32
    %dma_start3A_315 = arith.constant 0 : i32
    %dma_start3A_316 = arith.constant 0 : i32
    %dma_start3A_317 = tpu.memref_slice %arg2[%dma_start3A_314, %dma_start3A_315, %dma_start3A_316] : memref<4096x32x128xf32, #tpu.memory_space<hbm>> -> memref<4096x32x128xf32, #tpu.memory_space<hbm>>
    tpu.enqueue_indirect_dma source(%dma_start3A_317 : memref<4096x32x128xf32, #tpu.memory_space<hbm>>) target(%arg7 : memref<21x32x128xf32, #tpu.memory_space<vmem>>) offsets(%dma_start3A_313 : memref<21xi32, #tpu.memory_space<vmem>>) semaphore(%arg9 : memref<!tpu.dma_semaphore, #tpu.memory_space<semaphore_mem>>)
    %dma_wait3A_318 = arith.constant 5 : i32
    %dma_wait3A_319 = arith.constant 0 : i32
    %dma_wait3A_320 = tpu.memref_slice %arg6[%dma_wait3A_318, %dma_wait3A_319] : memref<8x21xi32, #tpu.memory_space<vmem>> -> memref<1x21xi32, #tpu.memory_space<vmem>>
    %dma_wait3A_321 = tpu.memref_squeeze %dma_wait3A_320 : memref<1x21xi32, #tpu.memory_space<vmem>> -> memref<21xi32, #tpu.memory_space<vmem>>
    %dma_wait3A_322 = arith.constant 0 : i32
    %dma_wait3A_323 = arith.constant 0 : i32
    %dma_wait3A_324 = arith.constant 0 : i32
    %dma_wait3A_325 = tpu.memref_slice %arg2[%dma_wait3A_322, %dma_wait3A_323, %dma_wait3A_324] : memref<4096x32x128xf32, #tpu.memory_space<hbm>> -> memref<4096x32x128xf32, #tpu.memory_space<hbm>>
    tpu.wait_indirect_dma semaphore(%arg9 : memref<!tpu.dma_semaphore, #tpu.memory_space<semaphore_mem>>) src(%dma_wait3A_325 : memref<4096x32x128xf32, #tpu.memory_space<hbm>>) dst(%arg7 : memref<21x32x128xf32, #tpu.memory_space<vmem>>)
    %add3A_326 = arith.constant 5 : i32
    %add3A_327 = arith.addi %mul3A_2, %add3A_326 : i32
    %dma_start3A_328 = arith.constant 0 : i32
    %dma_start3A_329 = arith.constant 0 : i32
    %dma_start3A_330 = arith.constant 0 : i32
    %dma_start3A_331 = tpu.memref_slice %arg4[%add3A_327, %dma_start3A_328, %dma_start3A_329, %dma_start3A_330] : memref<256x21x32x128xf32, #tpu.memory_space<hbm>> -> memref<1x21x32x128xf32, #tpu.memory_space<hbm>>
    %dma_start3A_332 = tpu.memref_squeeze %dma_start3A_331 : memref<1x21x32x128xf32, #tpu.memory_space<hbm>> -> memref<21x32x128xf32, #tpu.memory_space<hbm>>
    %dma_start3A_333 = arith.constant 0 : i32
    %dma_start3A_334 = arith.constant 0 : i32
    %dma_start3A_335 = arith.constant 0 : i32
    %dma_start3A_336 = tpu.memref_slice %arg4[%add3A_327, %dma_start3A_333, %dma_start3A_334, %dma_start3A_335] : memref<256x21x32x128xf32, #tpu.memory_space<hbm>> -> memref<1x21x32x128xf32, #tpu.memory_space<hbm>>
    %dma_start3A_337 = tpu.memref_squeeze %dma_start3A_336 : memref<1x21x32x128xf32, #tpu.memory_space<hbm>> -> memref<21x32x128xf32, #tpu.memory_space<hbm>>
    tpu.enqueue_dma source(%arg7 : memref<21x32x128xf32, #tpu.memory_space<vmem>>) target(%dma_start3A_337 : memref<21x32x128xf32, #tpu.memory_space<hbm>>) target_semaphore(%arg10 : memref<!tpu.dma_semaphore, #tpu.memory_space<semaphore_mem>>)
    %scan3A_338 = arith.constant 0 : i32
    %scan3A_339 = arith.constant 0 : i32
    %scan3A_340 = arith.constant 256 : i32
    %scan3A_341 = arith.addi %scan3A_339, %scan3A_340 : i32
    %scan3A_342 = arith.constant 1 : i32
    scf.for %scan3A_496 = %scan3A_339 to %scan3A_341 step %scan3A_342  : i32 {
      %shift_right_arithmetic3A = arith.constant 3 : i32
      %shift_right_arithmetic3A_497 = arith.shrsi %scan3A_496, %shift_right_arithmetic3A : i32
      %and3A = arith.constant 7 : i32
      %and3A_498 = arith.andi %scan3A_496, %and3A : i32
      %mul3A_499 = arith.constant 16 : i32
      %mul3A_500 = arith.muli %and3A_498, %mul3A_499 : i32
      %get3A = arith.constant 0 : i32
      %get3A_501 = arith.index_cast %get3A : i32 to index
      %get3A_502 = arith.index_cast %shift_right_arithmetic3A_497 : i32 to index
      %get3A_503 = arith.index_cast %mul3A_500 : i32 to index
      %get3A_504 = tpu.vector_load %arg7[%get3A_501, %get3A_502, %get3A_503] {strides = array<i32>} : memref<21x32x128xf32, #tpu.memory_space<vmem>>, vector<1x1x16xf32>,
      %get3A_505 = vector.shape_cast %get3A_504 : vector<1x1x16xf32> to vector<16xf32>
      %get3A_506 = arith.constant 1 : i32
      %get3A_507 = arith.index_cast %get3A_506 : i32 to index
      %get3A_508 = arith.index_cast %shift_right_arithmetic3A_497 : i32 to index
      %get3A_509 = arith.index_cast %mul3A_500 : i32 to index
      %get3A_510 = tpu.vector_load %arg7[%get3A_507, %get3A_508, %get3A_509] {strides = array<i32>} : memref<21x32x128xf32, #tpu.memory_space<vmem>>, vector<1x1x16xf32>,
      %get3A_511 = vector.shape_cast %get3A_510 : vector<1x1x16xf32> to vector<16xf32>
      %get3A_512 = arith.constant 2 : i32
      %get3A_513 = arith.index_cast %get3A_512 : i32 to index
      %get3A_514 = arith.index_cast %shift_right_arithmetic3A_497 : i32 to index
      %get3A_515 = arith.index_cast %mul3A_500 : i32 to index
      %get3A_516 = tpu.vector_load %arg7[%get3A_513, %get3A_514, %get3A_515] {strides = array<i32>} : memref<21x32x128xf32, #tpu.memory_space<vmem>>, vector<1x1x16xf32>,
      %get3A_517 = vector.shape_cast %get3A_516 : vector<1x1x16xf32> to vector<16xf32>
      %get3A_518 = arith.constant 3 : i32
      %get3A_519 = arith.index_cast %get3A_518 : i32 to index
      %get3A_520 = arith.index_cast %shift_right_arithmetic3A_497 : i32 to index
      %get3A_521 = arith.index_cast %mul3A_500 : i32 to index
      %get3A_522 = tpu.vector_load %arg7[%get3A_519, %get3A_520, %get3A_521] {strides = array<i32>} : memref<21x32x128xf32, #tpu.memory_space<vmem>>, vector<1x1x16xf32>,
      %get3A_523 = vector.shape_cast %get3A_522 : vector<1x1x16xf32> to vector<16xf32>
      %get3A_524 = arith.constant 4 : i32
      %get3A_525 = arith.index_cast %get3A_524 : i32 to index
      %get3A_526 = arith.index_cast %shift_right_arithmetic3A_497 : i32 to index
      %get3A_527 = arith.index_cast %mul3A_500 : i32 to index
      %get3A_528 = tpu.vector_load %arg7[%get3A_525, %get3A_526, %get3A_527] {strides = array<i32>} : memref<21x32x128xf32, #tpu.memory_space<vmem>>, vector<1x1x16xf32>,
      %get3A_529 = vector.shape_cast %get3A_528 : vector<1x1x16xf32> to vector<16xf32>
      %get3A_530 = arith.constant 5 : i32
      %get3A_531 = arith.index_cast %get3A_530 : i32 to index
      %get3A_532 = arith.index_cast %shift_right_arithmetic3A_497 : i32 to index
      %get3A_533 = arith.index_cast %mul3A_500 : i32 to index
      %get3A_534 = tpu.vector_load %arg7[%get3A_531, %get3A_532, %get3A_533] {strides = array<i32>} : memref<21x32x128xf32, #tpu.memory_space<vmem>>, vector<1x1x16xf32>,
      %get3A_535 = vector.shape_cast %get3A_534 : vector<1x1x16xf32> to vector<16xf32>
      %get3A_536 = arith.constant 6 : i32
      %get3A_537 = arith.index_cast %get3A_536 : i32 to index
      %get3A_538 = arith.index_cast %shift_right_arithmetic3A_497 : i32 to index
      %get3A_539 = arith.index_cast %mul3A_500 : i32 to index
      %get3A_540 = tpu.vector_load %arg7[%get3A_537, %get3A_538, %get3A_539] {strides = array<i32>} : memref<21x32x128xf32, #tpu.memory_space<vmem>>, vector<1x1x16xf32>,
      %get3A_541 = vector.shape_cast %get3A_540 : vector<1x1x16xf32> to vector<16xf32>
      %get3A_542 = arith.constant 7 : i32
      %get3A_543 = arith.index_cast %get3A_542 : i32 to index
      %get3A_544 = arith.index_cast %shift_right_arithmetic3A_497 : i32 to index
      %get3A_545 = arith.index_cast %mul3A_500 : i32 to index
      %get3A_546 = tpu.vector_load %arg7[%get3A_543, %get3A_544, %get3A_545] {strides = array<i32>} : memref<21x32x128xf32, #tpu.memory_space<vmem>>, vector<1x1x16xf32>,
      %get3A_547 = vector.shape_cast %get3A_546 : vector<1x1x16xf32> to vector<16xf32>
      %get3A_548 = arith.constant 8 : i32
      %get3A_549 = arith.index_cast %get3A_548 : i32 to index
      %get3A_550 = arith.index_cast %shift_right_arithmetic3A_497 : i32 to index
      %get3A_551 = arith.index_cast %mul3A_500 : i32 to index
      %get3A_552 = tpu.vector_load %arg7[%get3A_549, %get3A_550, %get3A_551] {strides = array<i32>} : memref<21x32x128xf32, #tpu.memory_space<vmem>>, vector<1x1x16xf32>,
      %get3A_553 = vector.shape_cast %get3A_552 : vector<1x1x16xf32> to vector<16xf32>
      %get3A_554 = arith.constant 9 : i32
      %get3A_555 = arith.index_cast %get3A_554 : i32 to index
      %get3A_556 = arith.index_cast %shift_right_arithmetic3A_497 : i32 to index
      %get3A_557 = arith.index_cast %mul3A_500 : i32 to index
      %get3A_558 = tpu.vector_load %arg7[%get3A_555, %get3A_556, %get3A_557] {strides = array<i32>} : memref<21x32x128xf32, #tpu.memory_space<vmem>>, vector<1x1x16xf32>,
      %get3A_559 = vector.shape_cast %get3A_558 : vector<1x1x16xf32> to vector<16xf32>
      %get3A_560 = arith.constant 10 : i32
      %get3A_561 = arith.index_cast %get3A_560 : i32 to index
      %get3A_562 = arith.index_cast %shift_right_arithmetic3A_497 : i32 to index
      %get3A_563 = arith.index_cast %mul3A_500 : i32 to index
      %get3A_564 = tpu.vector_load %arg7[%get3A_561, %get3A_562, %get3A_563] {strides = array<i32>} : memref<21x32x128xf32, #tpu.memory_space<vmem>>, vector<1x1x16xf32>,
      %get3A_565 = vector.shape_cast %get3A_564 : vector<1x1x16xf32> to vector<16xf32>
      %get3A_566 = arith.constant 11 : i32
      %get3A_567 = arith.index_cast %get3A_566 : i32 to index
      %get3A_568 = arith.index_cast %shift_right_arithmetic3A_497 : i32 to index
      %get3A_569 = arith.index_cast %mul3A_500 : i32 to index
      %get3A_570 = tpu.vector_load %arg7[%get3A_567, %get3A_568, %get3A_569] {strides = array<i32>} : memref<21x32x128xf32, #tpu.memory_space<vmem>>, vector<1x1x16xf32>,
      %get3A_571 = vector.shape_cast %get3A_570 : vector<1x1x16xf32> to vector<16xf32>
      %get3A_572 = arith.constant 12 : i32
      %get3A_573 = arith.index_cast %get3A_572 : i32 to index
      %get3A_574 = arith.index_cast %shift_right_arithmetic3A_497 : i32 to index
      %get3A_575 = arith.index_cast %mul3A_500 : i32 to index
      %get3A_576 = tpu.vector_load %arg7[%get3A_573, %get3A_574, %get3A_575] {strides = array<i32>} : memref<21x32x128xf32, #tpu.memory_space<vmem>>, vector<1x1x16xf32>,
      %get3A_577 = vector.shape_cast %get3A_576 : vector<1x1x16xf32> to vector<16xf32>
      %get3A_578 = arith.constant 13 : i32
      %get3A_579 = arith.index_cast %get3A_578 : i32 to index
      %get3A_580 = arith.index_cast %shift_right_arithmetic3A_497 : i32 to index
      %get3A_581 = arith.index_cast %mul3A_500 : i32 to index
      %get3A_582 = tpu.vector_load %arg7[%get3A_579, %get3A_580, %get3A_581] {strides = array<i32>} : memref<21x32x128xf32, #tpu.memory_space<vmem>>, vector<1x1x16xf32>,
      %get3A_583 = vector.shape_cast %get3A_582 : vector<1x1x16xf32> to vector<16xf32>
      %get3A_584 = arith.constant 14 : i32
      %get3A_585 = arith.index_cast %get3A_584 : i32 to index
      %get3A_586 = arith.index_cast %shift_right_arithmetic3A_497 : i32 to index
      %get3A_587 = arith.index_cast %mul3A_500 : i32 to index
      %get3A_588 = tpu.vector_load %arg7[%get3A_585, %get3A_586, %get3A_587] {strides = array<i32>} : memref<21x32x128xf32, #tpu.memory_space<vmem>>, vector<1x1x16xf32>,
      %get3A_589 = vector.shape_cast %get3A_588 : vector<1x1x16xf32> to vector<16xf32>
      %get3A_590 = arith.constant 15 : i32
      %get3A_591 = arith.index_cast %get3A_590 : i32 to index
      %get3A_592 = arith.index_cast %shift_right_arithmetic3A_497 : i32 to index
      %get3A_593 = arith.index_cast %mul3A_500 : i32 to index
      %get3A_594 = tpu.vector_load %arg7[%get3A_591, %get3A_592, %get3A_593] {strides = array<i32>} : memref<21x32x128xf32, #tpu.memory_space<vmem>>, vector<1x1x16xf32>,
      %get3A_595 = vector.shape_cast %get3A_594 : vector<1x1x16xf32> to vector<16xf32>
      %get3A_596 = arith.constant 16 : i32
      %get3A_597 = arith.index_cast %get3A_596 : i32 to index
      %get3A_598 = arith.index_cast %shift_right_arithmetic3A_497 : i32 to index
      %get3A_599 = arith.index_cast %mul3A_500 : i32 to index
      %get3A_600 = tpu.vector_load %arg7[%get3A_597, %get3A_598, %get3A_599] {strides = array<i32>} : memref<21x32x128xf32, #tpu.memory_space<vmem>>, vector<1x1x16xf32>,
      %get3A_601 = vector.shape_cast %get3A_600 : vector<1x1x16xf32> to vector<16xf32>
      %get3A_602 = arith.constant 17 : i32
      %get3A_603 = arith.index_cast %get3A_602 : i32 to index
      %get3A_604 = arith.index_cast %shift_right_arithmetic3A_497 : i32 to index
      %get3A_605 = arith.index_cast %mul3A_500 : i32 to index
      %get3A_606 = tpu.vector_load %arg7[%get3A_603, %get3A_604, %get3A_605] {strides = array<i32>} : memref<21x32x128xf32, #tpu.memory_space<vmem>>, vector<1x1x16xf32>,
      %get3A_607 = vector.shape_cast %get3A_606 : vector<1x1x16xf32> to vector<16xf32>
      %get3A_608 = arith.constant 18 : i32
      %get3A_609 = arith.index_cast %get3A_608 : i32 to index
      %get3A_610 = arith.index_cast %shift_right_arithmetic3A_497 : i32 to index
      %get3A_611 = arith.index_cast %mul3A_500 : i32 to index
      %get3A_612 = tpu.vector_load %arg7[%get3A_609, %get3A_610, %get3A_611] {strides = array<i32>} : memref<21x32x128xf32, #tpu.memory_space<vmem>>, vector<1x1x16xf32>,
      %get3A_613 = vector.shape_cast %get3A_612 : vector<1x1x16xf32> to vector<16xf32>
      %get3A_614 = arith.constant 19 : i32
      %get3A_615 = arith.index_cast %get3A_614 : i32 to index
      %get3A_616 = arith.index_cast %shift_right_arithmetic3A_497 : i32 to index
      %get3A_617 = arith.index_cast %mul3A_500 : i32 to index
      %get3A_618 = tpu.vector_load %arg7[%get3A_615, %get3A_616, %get3A_617] {strides = array<i32>} : memref<21x32x128xf32, #tpu.memory_space<vmem>>, vector<1x1x16xf32>,
      %get3A_619 = vector.shape_cast %get3A_618 : vector<1x1x16xf32> to vector<16xf32>
      %get3A_620 = arith.constant 20 : i32
      %get3A_621 = arith.index_cast %get3A_620 : i32 to index
      %get3A_622 = arith.index_cast %shift_right_arithmetic3A_497 : i32 to index
      %get3A_623 = arith.index_cast %mul3A_500 : i32 to index
      %get3A_624 = tpu.vector_load %arg7[%get3A_621, %get3A_622, %get3A_623] {strides = array<i32>} : memref<21x32x128xf32, #tpu.memory_space<vmem>>, vector<1x1x16xf32>,
      %get3A_625 = vector.shape_cast %get3A_624 : vector<1x1x16xf32> to vector<16xf32>
      %add3A_626 = arith.addf %get3A_505, %get3A_511 : vector<16xf32>
      %add3A_627 = arith.addf %get3A_517, %get3A_523 : vector<16xf32>
      %add3A_628 = arith.addf %get3A_529, %get3A_535 : vector<16xf32>
      %add3A_629 = arith.addf %get3A_541, %get3A_547 : vector<16xf32>
      %add3A_630 = arith.addf %get3A_553, %get3A_559 : vector<16xf32>
      %add3A_631 = arith.addf %get3A_565, %get3A_571 : vector<16xf32>
      %add3A_632 = arith.addf %get3A_577, %get3A_583 : vector<16xf32>
      %add3A_633 = arith.addf %get3A_589, %get3A_595 : vector<16xf32>
      %add3A_634 = arith.addf %get3A_601, %get3A_607 : vector<16xf32>
      %add3A_635 = arith.addf %get3A_613, %get3A_619 : vector<16xf32>
      %add3A_636 = arith.addf %add3A_626, %add3A_627 : vector<16xf32>
      %add3A_637 = arith.addf %add3A_628, %add3A_629 : vector<16xf32>
      %add3A_638 = arith.addf %add3A_630, %add3A_631 : vector<16xf32>
      %add3A_639 = arith.addf %add3A_632, %add3A_633 : vector<16xf32>
      %add3A_640 = arith.addf %add3A_634, %add3A_635 : vector<16xf32>
      %add3A_641 = arith.addf %add3A_636, %add3A_637 : vector<16xf32>
      %add3A_642 = arith.addf %add3A_638, %add3A_639 : vector<16xf32>
      %add3A_643 = arith.addf %add3A_640, %get3A_625 : vector<16xf32>
      %add3A_644 = arith.addf %add3A_641, %add3A_642 : vector<16xf32>
      %add3A_645 = arith.addf %add3A_644, %add3A_643 : vector<16xf32>
      %swap3A = arith.index_cast %shift_right_arithmetic3A_497 : i32 to index
      %swap3A_646 = arith.index_cast %mul3A_500 : i32 to index
      %swap3A_647 = tpu.vector_load %arg8[%swap3A, %swap3A_646] {strides = array<i32>} : memref<32x128xf32, #tpu.memory_space<vmem>>, vector<1x16xf32>,
      %swap3A_648 = vector.shape_cast %swap3A_647 : vector<1x16xf32> to vector<16xf32>
      %swap3A_649 = vector.shape_cast %add3A_645 : vector<16xf32> to vector<1x16xf32>
      tpu.vector_store %arg8[%swap3A, %swap3A_646], %swap3A_649 {strides = array<i32>} : memref<32x128xf32, #tpu.memory_space<vmem>>, vector<1x16xf32>,
    }
    %scan3A_343 = arith.constant 256 : i32
    %add3A_344 = arith.constant 5 : i32
    %add3A_345 = arith.addi %mul3A_2, %add3A_344 : i32
    %dma_start3A_346 = arith.constant 0 : i32
    %dma_start3A_347 = arith.constant 0 : i32
    %dma_start3A_348 = tpu.memref_slice %arg5[%add3A_345, %dma_start3A_346, %dma_start3A_347] : memref<256x32x128xf32, #tpu.memory_space<hbm>> -> memref<1x32x128xf32, #tpu.memory_space<hbm>>
    %dma_start3A_349 = tpu.memref_squeeze %dma_start3A_348 : memref<1x32x128xf32, #tpu.memory_space<hbm>> -> memref<32x128xf32, #tpu.memory_space<hbm>>
    %dma_start3A_350 = arith.constant 0 : i32
    %dma_start3A_351 = arith.constant 0 : i32
    %dma_start3A_352 = tpu.memref_slice %arg5[%add3A_345, %dma_start3A_350, %dma_start3A_351] : memref<256x32x128xf32, #tpu.memory_space<hbm>> -> memref<1x32x128xf32, #tpu.memory_space<hbm>>
    %dma_start3A_353 = tpu.memref_squeeze %dma_start3A_352 : memref<1x32x128xf32, #tpu.memory_space<hbm>> -> memref<32x128xf32, #tpu.memory_space<hbm>>
    tpu.enqueue_dma source(%arg8 : memref<32x128xf32, #tpu.memory_space<vmem>>) target(%dma_start3A_353 : memref<32x128xf32, #tpu.memory_space<hbm>>) target_semaphore(%arg10 : memref<!tpu.dma_semaphore, #tpu.memory_space<semaphore_mem>>)
    %dma_wait3A_354 = arith.constant 0 : i32
    %dma_wait3A_355 = arith.constant 0 : i32
    %dma_wait3A_356 = arith.constant 0 : i32
    %dma_wait3A_357 = tpu.memref_slice %arg4[%add3A_327, %dma_wait3A_354, %dma_wait3A_355, %dma_wait3A_356] : memref<256x21x32x128xf32, #tpu.memory_space<hbm>> -> memref<1x21x32x128xf32, #tpu.memory_space<hbm>>
    %dma_wait3A_358 = tpu.memref_squeeze %dma_wait3A_357 : memref<1x21x32x128xf32, #tpu.memory_space<hbm>> -> memref<21x32x128xf32, #tpu.memory_space<hbm>>
    %dma_wait3A_359 = arith.constant 0 : i32
    %dma_wait3A_360 = arith.constant 0 : i32
    %dma_wait3A_361 = arith.constant 0 : i32
    %dma_wait3A_362 = tpu.memref_slice %arg4[%add3A_327, %dma_wait3A_359, %dma_wait3A_360, %dma_wait3A_361] : memref<256x21x32x128xf32, #tpu.memory_space<hbm>> -> memref<1x21x32x128xf32, #tpu.memory_space<hbm>>
    %dma_wait3A_363 = tpu.memref_squeeze %dma_wait3A_362 : memref<1x21x32x128xf32, #tpu.memory_space<hbm>> -> memref<21x32x128xf32, #tpu.memory_space<hbm>>
    tpu.wait_dma2 semaphore(%arg10 : memref<!tpu.dma_semaphore, #tpu.memory_space<semaphore_mem>>) src(%arg7 : memref<21x32x128xf32, #tpu.memory_space<vmem>>) dst(%dma_wait3A_363 : memref<21x32x128xf32, #tpu.memory_space<hbm>>)
    %dma_wait3A_364 = arith.constant 0 : i32
    %dma_wait3A_365 = arith.constant 0 : i32
    %dma_wait3A_366 = tpu.memref_slice %arg5[%add3A_345, %dma_wait3A_364, %dma_wait3A_365] : memref<256x32x128xf32, #tpu.memory_space<hbm>> -> memref<1x32x128xf32, #tpu.memory_space<hbm>>
    %dma_wait3A_367 = tpu.memref_squeeze %dma_wait3A_366 : memref<1x32x128xf32, #tpu.memory_space<hbm>> -> memref<32x128xf32, #tpu.memory_space<hbm>>
    %dma_wait3A_368 = arith.constant 0 : i32
    %dma_wait3A_369 = arith.constant 0 : i32
    %dma_wait3A_370 = tpu.memref_slice %arg5[%add3A_345, %dma_wait3A_368, %dma_wait3A_369] : memref<256x32x128xf32, #tpu.memory_space<hbm>> -> memref<1x32x128xf32, #tpu.memory_space<hbm>>
    %dma_wait3A_371 = tpu.memref_squeeze %dma_wait3A_370 : memref<1x32x128xf32, #tpu.memory_space<hbm>> -> memref<32x128xf32, #tpu.memory_space<hbm>>
    tpu.wait_dma2 semaphore(%arg10 : memref<!tpu.dma_semaphore, #tpu.memory_space<semaphore_mem>>) src(%arg8 : memref<32x128xf32, #tpu.memory_space<vmem>>) dst(%dma_wait3A_371 : memref<32x128xf32, #tpu.memory_space<hbm>>)
    %dma_start3A_372 = arith.constant 6 : i32
    %dma_start3A_373 = arith.constant 0 : i32
    %dma_start3A_374 = tpu.memref_slice %arg6[%dma_start3A_372, %dma_start3A_373] : memref<8x21xi32, #tpu.memory_space<vmem>> -> memref<1x21xi32, #tpu.memory_space<vmem>>
    %dma_start3A_375 = tpu.memref_squeeze %dma_start3A_374 : memref<1x21xi32, #tpu.memory_space<vmem>> -> memref<21xi32, #tpu.memory_space<vmem>>
    %dma_start3A_376 = arith.constant 0 : i32
    %dma_start3A_377 = arith.constant 0 : i32
    %dma_start3A_378 = arith.constant 0 : i32
    %dma_start3A_379 = tpu.memref_slice %arg2[%dma_start3A_376, %dma_start3A_377, %dma_start3A_378] : memref<4096x32x128xf32, #tpu.memory_space<hbm>> -> memref<4096x32x128xf32, #tpu.memory_space<hbm>>
    tpu.enqueue_indirect_dma source(%dma_start3A_379 : memref<4096x32x128xf32, #tpu.memory_space<hbm>>) target(%arg7 : memref<21x32x128xf32, #tpu.memory_space<vmem>>) offsets(%dma_start3A_375 : memref<21xi32, #tpu.memory_space<vmem>>) semaphore(%arg9 : memref<!tpu.dma_semaphore, #tpu.memory_space<semaphore_mem>>)
    %dma_wait3A_380 = arith.constant 6 : i32
    %dma_wait3A_381 = arith.constant 0 : i32
    %dma_wait3A_382 = tpu.memref_slice %arg6[%dma_wait3A_380, %dma_wait3A_381] : memref<8x21xi32, #tpu.memory_space<vmem>> -> memref<1x21xi32, #tpu.memory_space<vmem>>
    %dma_wait3A_383 = tpu.memref_squeeze %dma_wait3A_382 : memref<1x21xi32, #tpu.memory_space<vmem>> -> memref<21xi32, #tpu.memory_space<vmem>>
    %dma_wait3A_384 = arith.constant 0 : i32
    %dma_wait3A_385 = arith.constant 0 : i32
    %dma_wait3A_386 = arith.constant 0 : i32
    %dma_wait3A_387 = tpu.memref_slice %arg2[%dma_wait3A_384, %dma_wait3A_385, %dma_wait3A_386] : memref<4096x32x128xf32, #tpu.memory_space<hbm>> -> memref<4096x32x128xf32, #tpu.memory_space<hbm>>
    tpu.wait_indirect_dma semaphore(%arg9 : memref<!tpu.dma_semaphore, #tpu.memory_space<semaphore_mem>>) src(%dma_wait3A_387 : memref<4096x32x128xf32, #tpu.memory_space<hbm>>) dst(%arg7 : memref<21x32x128xf32, #tpu.memory_space<vmem>>)
    %add3A_388 = arith.constant 6 : i32
    %add3A_389 = arith.addi %mul3A_2, %add3A_388 : i32
    %dma_start3A_390 = arith.constant 0 : i32
    %dma_start3A_391 = arith.constant 0 : i32
    %dma_start3A_392 = arith.constant 0 : i32
    %dma_start3A_393 = tpu.memref_slice %arg4[%add3A_389, %dma_start3A_390, %dma_start3A_391, %dma_start3A_392] : memref<256x21x32x128xf32, #tpu.memory_space<hbm>> -> memref<1x21x32x128xf32, #tpu.memory_space<hbm>>
    %dma_start3A_394 = tpu.memref_squeeze %dma_start3A_393 : memref<1x21x32x128xf32, #tpu.memory_space<hbm>> -> memref<21x32x128xf32, #tpu.memory_space<hbm>>
    %dma_start3A_395 = arith.constant 0 : i32
    %dma_start3A_396 = arith.constant 0 : i32
    %dma_start3A_397 = arith.constant 0 : i32
    %dma_start3A_398 = tpu.memref_slice %arg4[%add3A_389, %dma_start3A_395, %dma_start3A_396, %dma_start3A_397] : memref<256x21x32x128xf32, #tpu.memory_space<hbm>> -> memref<1x21x32x128xf32, #tpu.memory_space<hbm>>
    %dma_start3A_399 = tpu.memref_squeeze %dma_start3A_398 : memref<1x21x32x128xf32, #tpu.memory_space<hbm>> -> memref<21x32x128xf32, #tpu.memory_space<hbm>>
    tpu.enqueue_dma source(%arg7 : memref<21x32x128xf32, #tpu.memory_space<vmem>>) target(%dma_start3A_399 : memref<21x32x128xf32, #tpu.memory_space<hbm>>) target_semaphore(%arg10 : memref<!tpu.dma_semaphore, #tpu.memory_space<semaphore_mem>>)
    %scan3A_400 = arith.constant 0 : i32
    %scan3A_401 = arith.constant 0 : i32
    %scan3A_402 = arith.constant 256 : i32
    %scan3A_403 = arith.addi %scan3A_401, %scan3A_402 : i32
    %scan3A_404 = arith.constant 1 : i32
    scf.for %scan3A_496 = %scan3A_401 to %scan3A_403 step %scan3A_404  : i32 {
      %shift_right_arithmetic3A = arith.constant 3 : i32
      %shift_right_arithmetic3A_497 = arith.shrsi %scan3A_496, %shift_right_arithmetic3A : i32
      %and3A = arith.constant 7 : i32
      %and3A_498 = arith.andi %scan3A_496, %and3A : i32
      %mul3A_499 = arith.constant 16 : i32
      %mul3A_500 = arith.muli %and3A_498, %mul3A_499 : i32
      %get3A = arith.constant 0 : i32
      %get3A_501 = arith.index_cast %get3A : i32 to index
      %get3A_502 = arith.index_cast %shift_right_arithmetic3A_497 : i32 to index
      %get3A_503 = arith.index_cast %mul3A_500 : i32 to index
      %get3A_504 = tpu.vector_load %arg7[%get3A_501, %get3A_502, %get3A_503] {strides = array<i32>} : memref<21x32x128xf32, #tpu.memory_space<vmem>>, vector<1x1x16xf32>,
      %get3A_505 = vector.shape_cast %get3A_504 : vector<1x1x16xf32> to vector<16xf32>
      %get3A_506 = arith.constant 1 : i32
      %get3A_507 = arith.index_cast %get3A_506 : i32 to index
      %get3A_508 = arith.index_cast %shift_right_arithmetic3A_497 : i32 to index
      %get3A_509 = arith.index_cast %mul3A_500 : i32 to index
      %get3A_510 = tpu.vector_load %arg7[%get3A_507, %get3A_508, %get3A_509] {strides = array<i32>} : memref<21x32x128xf32, #tpu.memory_space<vmem>>, vector<1x1x16xf32>,
      %get3A_511 = vector.shape_cast %get3A_510 : vector<1x1x16xf32> to vector<16xf32>
      %get3A_512 = arith.constant 2 : i32
      %get3A_513 = arith.index_cast %get3A_512 : i32 to index
      %get3A_514 = arith.index_cast %shift_right_arithmetic3A_497 : i32 to index
      %get3A_515 = arith.index_cast %mul3A_500 : i32 to index
      %get3A_516 = tpu.vector_load %arg7[%get3A_513, %get3A_514, %get3A_515] {strides = array<i32>} : memref<21x32x128xf32, #tpu.memory_space<vmem>>, vector<1x1x16xf32>,
      %get3A_517 = vector.shape_cast %get3A_516 : vector<1x1x16xf32> to vector<16xf32>
      %get3A_518 = arith.constant 3 : i32
      %get3A_519 = arith.index_cast %get3A_518 : i32 to index
      %get3A_520 = arith.index_cast %shift_right_arithmetic3A_497 : i32 to index
      %get3A_521 = arith.index_cast %mul3A_500 : i32 to index
      %get3A_522 = tpu.vector_load %arg7[%get3A_519, %get3A_520, %get3A_521] {strides = array<i32>} : memref<21x32x128xf32, #tpu.memory_space<vmem>>, vector<1x1x16xf32>,
      %get3A_523 = vector.shape_cast %get3A_522 : vector<1x1x16xf32> to vector<16xf32>
      %get3A_524 = arith.constant 4 : i32
      %get3A_525 = arith.index_cast %get3A_524 : i32 to index
      %get3A_526 = arith.index_cast %shift_right_arithmetic3A_497 : i32 to index
      %get3A_527 = arith.index_cast %mul3A_500 : i32 to index
      %get3A_528 = tpu.vector_load %arg7[%get3A_525, %get3A_526, %get3A_527] {strides = array<i32>} : memref<21x32x128xf32, #tpu.memory_space<vmem>>, vector<1x1x16xf32>,
      %get3A_529 = vector.shape_cast %get3A_528 : vector<1x1x16xf32> to vector<16xf32>
      %get3A_530 = arith.constant 5 : i32
      %get3A_531 = arith.index_cast %get3A_530 : i32 to index
      %get3A_532 = arith.index_cast %shift_right_arithmetic3A_497 : i32 to index
      %get3A_533 = arith.index_cast %mul3A_500 : i32 to index
      %get3A_534 = tpu.vector_load %arg7[%get3A_531, %get3A_532, %get3A_533] {strides = array<i32>} : memref<21x32x128xf32, #tpu.memory_space<vmem>>, vector<1x1x16xf32>,
      %get3A_535 = vector.shape_cast %get3A_534 : vector<1x1x16xf32> to vector<16xf32>
      %get3A_536 = arith.constant 6 : i32
      %get3A_537 = arith.index_cast %get3A_536 : i32 to index
      %get3A_538 = arith.index_cast %shift_right_arithmetic3A_497 : i32 to index
      %get3A_539 = arith.index_cast %mul3A_500 : i32 to index
      %get3A_540 = tpu.vector_load %arg7[%get3A_537, %get3A_538, %get3A_539] {strides = array<i32>} : memref<21x32x128xf32, #tpu.memory_space<vmem>>, vector<1x1x16xf32>,
      %get3A_541 = vector.shape_cast %get3A_540 : vector<1x1x16xf32> to vector<16xf32>
      %get3A_542 = arith.constant 7 : i32
      %get3A_543 = arith.index_cast %get3A_542 : i32 to index
      %get3A_544 = arith.index_cast %shift_right_arithmetic3A_497 : i32 to index
      %get3A_545 = arith.index_cast %mul3A_500 : i32 to index
      %get3A_546 = tpu.vector_load %arg7[%get3A_543, %get3A_544, %get3A_545] {strides = array<i32>} : memref<21x32x128xf32, #tpu.memory_space<vmem>>, vector<1x1x16xf32>,
      %get3A_547 = vector.shape_cast %get3A_546 : vector<1x1x16xf32> to vector<16xf32>
      %get3A_548 = arith.constant 8 : i32
      %get3A_549 = arith.index_cast %get3A_548 : i32 to index
      %get3A_550 = arith.index_cast %shift_right_arithmetic3A_497 : i32 to index
      %get3A_551 = arith.index_cast %mul3A_500 : i32 to index
      %get3A_552 = tpu.vector_load %arg7[%get3A_549, %get3A_550, %get3A_551] {strides = array<i32>} : memref<21x32x128xf32, #tpu.memory_space<vmem>>, vector<1x1x16xf32>,
      %get3A_553 = vector.shape_cast %get3A_552 : vector<1x1x16xf32> to vector<16xf32>
      %get3A_554 = arith.constant 9 : i32
      %get3A_555 = arith.index_cast %get3A_554 : i32 to index
      %get3A_556 = arith.index_cast %shift_right_arithmetic3A_497 : i32 to index
      %get3A_557 = arith.index_cast %mul3A_500 : i32 to index
      %get3A_558 = tpu.vector_load %arg7[%get3A_555, %get3A_556, %get3A_557] {strides = array<i32>} : memref<21x32x128xf32, #tpu.memory_space<vmem>>, vector<1x1x16xf32>,
      %get3A_559 = vector.shape_cast %get3A_558 : vector<1x1x16xf32> to vector<16xf32>
      %get3A_560 = arith.constant 10 : i32
      %get3A_561 = arith.index_cast %get3A_560 : i32 to index
      %get3A_562 = arith.index_cast %shift_right_arithmetic3A_497 : i32 to index
      %get3A_563 = arith.index_cast %mul3A_500 : i32 to index
      %get3A_564 = tpu.vector_load %arg7[%get3A_561, %get3A_562, %get3A_563] {strides = array<i32>} : memref<21x32x128xf32, #tpu.memory_space<vmem>>, vector<1x1x16xf32>,
      %get3A_565 = vector.shape_cast %get3A_564 : vector<1x1x16xf32> to vector<16xf32>
      %get3A_566 = arith.constant 11 : i32
      %get3A_567 = arith.index_cast %get3A_566 : i32 to index
      %get3A_568 = arith.index_cast %shift_right_arithmetic3A_497 : i32 to index
      %get3A_569 = arith.index_cast %mul3A_500 : i32 to index
      %get3A_570 = tpu.vector_load %arg7[%get3A_567, %get3A_568, %get3A_569] {strides = array<i32>} : memref<21x32x128xf32, #tpu.memory_space<vmem>>, vector<1x1x16xf32>,
      %get3A_571 = vector.shape_cast %get3A_570 : vector<1x1x16xf32> to vector<16xf32>
      %get3A_572 = arith.constant 12 : i32
      %get3A_573 = arith.index_cast %get3A_572 : i32 to index
      %get3A_574 = arith.index_cast %shift_right_arithmetic3A_497 : i32 to index
      %get3A_575 = arith.index_cast %mul3A_500 : i32 to index
      %get3A_576 = tpu.vector_load %arg7[%get3A_573, %get3A_574, %get3A_575] {strides = array<i32>} : memref<21x32x128xf32, #tpu.memory_space<vmem>>, vector<1x1x16xf32>,
      %get3A_577 = vector.shape_cast %get3A_576 : vector<1x1x16xf32> to vector<16xf32>
      %get3A_578 = arith.constant 13 : i32
      %get3A_579 = arith.index_cast %get3A_578 : i32 to index
      %get3A_580 = arith.index_cast %shift_right_arithmetic3A_497 : i32 to index
      %get3A_581 = arith.index_cast %mul3A_500 : i32 to index
      %get3A_582 = tpu.vector_load %arg7[%get3A_579, %get3A_580, %get3A_581] {strides = array<i32>} : memref<21x32x128xf32, #tpu.memory_space<vmem>>, vector<1x1x16xf32>,
      %get3A_583 = vector.shape_cast %get3A_582 : vector<1x1x16xf32> to vector<16xf32>
      %get3A_584 = arith.constant 14 : i32
      %get3A_585 = arith.index_cast %get3A_584 : i32 to index
      %get3A_586 = arith.index_cast %shift_right_arithmetic3A_497 : i32 to index
      %get3A_587 = arith.index_cast %mul3A_500 : i32 to index
      %get3A_588 = tpu.vector_load %arg7[%get3A_585, %get3A_586, %get3A_587] {strides = array<i32>} : memref<21x32x128xf32, #tpu.memory_space<vmem>>, vector<1x1x16xf32>,
      %get3A_589 = vector.shape_cast %get3A_588 : vector<1x1x16xf32> to vector<16xf32>
      %get3A_590 = arith.constant 15 : i32
      %get3A_591 = arith.index_cast %get3A_590 : i32 to index
      %get3A_592 = arith.index_cast %shift_right_arithmetic3A_497 : i32 to index
      %get3A_593 = arith.index_cast %mul3A_500 : i32 to index
      %get3A_594 = tpu.vector_load %arg7[%get3A_591, %get3A_592, %get3A_593] {strides = array<i32>} : memref<21x32x128xf32, #tpu.memory_space<vmem>>, vector<1x1x16xf32>,
      %get3A_595 = vector.shape_cast %get3A_594 : vector<1x1x16xf32> to vector<16xf32>
      %get3A_596 = arith.constant 16 : i32
      %get3A_597 = arith.index_cast %get3A_596 : i32 to index
      %get3A_598 = arith.index_cast %shift_right_arithmetic3A_497 : i32 to index
      %get3A_599 = arith.index_cast %mul3A_500 : i32 to index
      %get3A_600 = tpu.vector_load %arg7[%get3A_597, %get3A_598, %get3A_599] {strides = array<i32>} : memref<21x32x128xf32, #tpu.memory_space<vmem>>, vector<1x1x16xf32>,
      %get3A_601 = vector.shape_cast %get3A_600 : vector<1x1x16xf32> to vector<16xf32>
      %get3A_602 = arith.constant 17 : i32
      %get3A_603 = arith.index_cast %get3A_602 : i32 to index
      %get3A_604 = arith.index_cast %shift_right_arithmetic3A_497 : i32 to index
      %get3A_605 = arith.index_cast %mul3A_500 : i32 to index
      %get3A_606 = tpu.vector_load %arg7[%get3A_603, %get3A_604, %get3A_605] {strides = array<i32>} : memref<21x32x128xf32, #tpu.memory_space<vmem>>, vector<1x1x16xf32>,
      %get3A_607 = vector.shape_cast %get3A_606 : vector<1x1x16xf32> to vector<16xf32>
      %get3A_608 = arith.constant 18 : i32
      %get3A_609 = arith.index_cast %get3A_608 : i32 to index
      %get3A_610 = arith.index_cast %shift_right_arithmetic3A_497 : i32 to index
      %get3A_611 = arith.index_cast %mul3A_500 : i32 to index
      %get3A_612 = tpu.vector_load %arg7[%get3A_609, %get3A_610, %get3A_611] {strides = array<i32>} : memref<21x32x128xf32, #tpu.memory_space<vmem>>, vector<1x1x16xf32>,
      %get3A_613 = vector.shape_cast %get3A_612 : vector<1x1x16xf32> to vector<16xf32>
      %get3A_614 = arith.constant 19 : i32
      %get3A_615 = arith.index_cast %get3A_614 : i32 to index
      %get3A_616 = arith.index_cast %shift_right_arithmetic3A_497 : i32 to index
      %get3A_617 = arith.index_cast %mul3A_500 : i32 to index
      %get3A_618 = tpu.vector_load %arg7[%get3A_615, %get3A_616, %get3A_617] {strides = array<i32>} : memref<21x32x128xf32, #tpu.memory_space<vmem>>, vector<1x1x16xf32>,
      %get3A_619 = vector.shape_cast %get3A_618 : vector<1x1x16xf32> to vector<16xf32>
      %get3A_620 = arith.constant 20 : i32
      %get3A_621 = arith.index_cast %get3A_620 : i32 to index
      %get3A_622 = arith.index_cast %shift_right_arithmetic3A_497 : i32 to index
      %get3A_623 = arith.index_cast %mul3A_500 : i32 to index
      %get3A_624 = tpu.vector_load %arg7[%get3A_621, %get3A_622, %get3A_623] {strides = array<i32>} : memref<21x32x128xf32, #tpu.memory_space<vmem>>, vector<1x1x16xf32>,
      %get3A_625 = vector.shape_cast %get3A_624 : vector<1x1x16xf32> to vector<16xf32>
      %add3A_626 = arith.addf %get3A_505, %get3A_511 : vector<16xf32>
      %add3A_627 = arith.addf %get3A_517, %get3A_523 : vector<16xf32>
      %add3A_628 = arith.addf %get3A_529, %get3A_535 : vector<16xf32>
      %add3A_629 = arith.addf %get3A_541, %get3A_547 : vector<16xf32>
      %add3A_630 = arith.addf %get3A_553, %get3A_559 : vector<16xf32>
      %add3A_631 = arith.addf %get3A_565, %get3A_571 : vector<16xf32>
      %add3A_632 = arith.addf %get3A_577, %get3A_583 : vector<16xf32>
      %add3A_633 = arith.addf %get3A_589, %get3A_595 : vector<16xf32>
      %add3A_634 = arith.addf %get3A_601, %get3A_607 : vector<16xf32>
      %add3A_635 = arith.addf %get3A_613, %get3A_619 : vector<16xf32>
      %add3A_636 = arith.addf %add3A_626, %add3A_627 : vector<16xf32>
      %add3A_637 = arith.addf %add3A_628, %add3A_629 : vector<16xf32>
      %add3A_638 = arith.addf %add3A_630, %add3A_631 : vector<16xf32>
      %add3A_639 = arith.addf %add3A_632, %add3A_633 : vector<16xf32>
      %add3A_640 = arith.addf %add3A_634, %add3A_635 : vector<16xf32>
      %add3A_641 = arith.addf %add3A_636, %add3A_637 : vector<16xf32>
      %add3A_642 = arith.addf %add3A_638, %add3A_639 : vector<16xf32>
      %add3A_643 = arith.addf %add3A_640, %get3A_625 : vector<16xf32>
      %add3A_644 = arith.addf %add3A_641, %add3A_642 : vector<16xf32>
      %add3A_645 = arith.addf %add3A_644, %add3A_643 : vector<16xf32>
      %swap3A = arith.index_cast %shift_right_arithmetic3A_497 : i32 to index
      %swap3A_646 = arith.index_cast %mul3A_500 : i32 to index
      %swap3A_647 = tpu.vector_load %arg8[%swap3A, %swap3A_646] {strides = array<i32>} : memref<32x128xf32, #tpu.memory_space<vmem>>, vector<1x16xf32>,
      %swap3A_648 = vector.shape_cast %swap3A_647 : vector<1x16xf32> to vector<16xf32>
      %swap3A_649 = vector.shape_cast %add3A_645 : vector<16xf32> to vector<1x16xf32>
      tpu.vector_store %arg8[%swap3A, %swap3A_646], %swap3A_649 {strides = array<i32>} : memref<32x128xf32, #tpu.memory_space<vmem>>, vector<1x16xf32>,
    }
    %scan3A_405 = arith.constant 256 : i32
    %add3A_406 = arith.constant 6 : i32
    %add3A_407 = arith.addi %mul3A_2, %add3A_406 : i32
    %dma_start3A_408 = arith.constant 0 : i32
    %dma_start3A_409 = arith.constant 0 : i32
    %dma_start3A_410 = tpu.memref_slice %arg5[%add3A_407, %dma_start3A_408, %dma_start3A_409] : memref<256x32x128xf32, #tpu.memory_space<hbm>> -> memref<1x32x128xf32, #tpu.memory_space<hbm>>
    %dma_start3A_411 = tpu.memref_squeeze %dma_start3A_410 : memref<1x32x128xf32, #tpu.memory_space<hbm>> -> memref<32x128xf32, #tpu.memory_space<hbm>>
    %dma_start3A_412 = arith.constant 0 : i32
    %dma_start3A_413 = arith.constant 0 : i32
    %dma_start3A_414 = tpu.memref_slice %arg5[%add3A_407, %dma_start3A_412, %dma_start3A_413] : memref<256x32x128xf32, #tpu.memory_space<hbm>> -> memref<1x32x128xf32, #tpu.memory_space<hbm>>
    %dma_start3A_415 = tpu.memref_squeeze %dma_start3A_414 : memref<1x32x128xf32, #tpu.memory_space<hbm>> -> memref<32x128xf32, #tpu.memory_space<hbm>>
    tpu.enqueue_dma source(%arg8 : memref<32x128xf32, #tpu.memory_space<vmem>>) target(%dma_start3A_415 : memref<32x128xf32, #tpu.memory_space<hbm>>) target_semaphore(%arg10 : memref<!tpu.dma_semaphore, #tpu.memory_space<semaphore_mem>>)
    %dma_wait3A_416 = arith.constant 0 : i32
    %dma_wait3A_417 = arith.constant 0 : i32
    %dma_wait3A_418 = arith.constant 0 : i32
    %dma_wait3A_419 = tpu.memref_slice %arg4[%add3A_389, %dma_wait3A_416, %dma_wait3A_417, %dma_wait3A_418] : memref<256x21x32x128xf32, #tpu.memory_space<hbm>> -> memref<1x21x32x128xf32, #tpu.memory_space<hbm>>
    %dma_wait3A_420 = tpu.memref_squeeze %dma_wait3A_419 : memref<1x21x32x128xf32, #tpu.memory_space<hbm>> -> memref<21x32x128xf32, #tpu.memory_space<hbm>>
    %dma_wait3A_421 = arith.constant 0 : i32
    %dma_wait3A_422 = arith.constant 0 : i32
    %dma_wait3A_423 = arith.constant 0 : i32
    %dma_wait3A_424 = tpu.memref_slice %arg4[%add3A_389, %dma_wait3A_421, %dma_wait3A_422, %dma_wait3A_423] : memref<256x21x32x128xf32, #tpu.memory_space<hbm>> -> memref<1x21x32x128xf32, #tpu.memory_space<hbm>>
    %dma_wait3A_425 = tpu.memref_squeeze %dma_wait3A_424 : memref<1x21x32x128xf32, #tpu.memory_space<hbm>> -> memref<21x32x128xf32, #tpu.memory_space<hbm>>
    tpu.wait_dma2 semaphore(%arg10 : memref<!tpu.dma_semaphore, #tpu.memory_space<semaphore_mem>>) src(%arg7 : memref<21x32x128xf32, #tpu.memory_space<vmem>>) dst(%dma_wait3A_425 : memref<21x32x128xf32, #tpu.memory_space<hbm>>)
    %dma_wait3A_426 = arith.constant 0 : i32
    %dma_wait3A_427 = arith.constant 0 : i32
    %dma_wait3A_428 = tpu.memref_slice %arg5[%add3A_407, %dma_wait3A_426, %dma_wait3A_427] : memref<256x32x128xf32, #tpu.memory_space<hbm>> -> memref<1x32x128xf32, #tpu.memory_space<hbm>>
    %dma_wait3A_429 = tpu.memref_squeeze %dma_wait3A_428 : memref<1x32x128xf32, #tpu.memory_space<hbm>> -> memref<32x128xf32, #tpu.memory_space<hbm>>
    %dma_wait3A_430 = arith.constant 0 : i32
    %dma_wait3A_431 = arith.constant 0 : i32
    %dma_wait3A_432 = tpu.memref_slice %arg5[%add3A_407, %dma_wait3A_430, %dma_wait3A_431] : memref<256x32x128xf32, #tpu.memory_space<hbm>> -> memref<1x32x128xf32, #tpu.memory_space<hbm>>
    %dma_wait3A_433 = tpu.memref_squeeze %dma_wait3A_432 : memref<1x32x128xf32, #tpu.memory_space<hbm>> -> memref<32x128xf32, #tpu.memory_space<hbm>>
    tpu.wait_dma2 semaphore(%arg10 : memref<!tpu.dma_semaphore, #tpu.memory_space<semaphore_mem>>) src(%arg8 : memref<32x128xf32, #tpu.memory_space<vmem>>) dst(%dma_wait3A_433 : memref<32x128xf32, #tpu.memory_space<hbm>>)
    %dma_start3A_434 = arith.constant 7 : i32
    %dma_start3A_435 = arith.constant 0 : i32
    %dma_start3A_436 = tpu.memref_slice %arg6[%dma_start3A_434, %dma_start3A_435] : memref<8x21xi32, #tpu.memory_space<vmem>> -> memref<1x21xi32, #tpu.memory_space<vmem>>
    %dma_start3A_437 = tpu.memref_squeeze %dma_start3A_436 : memref<1x21xi32, #tpu.memory_space<vmem>> -> memref<21xi32, #tpu.memory_space<vmem>>
    %dma_start3A_438 = arith.constant 0 : i32
    %dma_start3A_439 = arith.constant 0 : i32
    %dma_start3A_440 = arith.constant 0 : i32
    %dma_start3A_441 = tpu.memref_slice %arg2[%dma_start3A_438, %dma_start3A_439, %dma_start3A_440] : memref<4096x32x128xf32, #tpu.memory_space<hbm>> -> memref<4096x32x128xf32, #tpu.memory_space<hbm>>
    tpu.enqueue_indirect_dma source(%dma_start3A_441 : memref<4096x32x128xf32, #tpu.memory_space<hbm>>) target(%arg7 : memref<21x32x128xf32, #tpu.memory_space<vmem>>) offsets(%dma_start3A_437 : memref<21xi32, #tpu.memory_space<vmem>>) semaphore(%arg9 : memref<!tpu.dma_semaphore, #tpu.memory_space<semaphore_mem>>)
    %dma_wait3A_442 = arith.constant 7 : i32
    %dma_wait3A_443 = arith.constant 0 : i32
    %dma_wait3A_444 = tpu.memref_slice %arg6[%dma_wait3A_442, %dma_wait3A_443] : memref<8x21xi32, #tpu.memory_space<vmem>> -> memref<1x21xi32, #tpu.memory_space<vmem>>
    %dma_wait3A_445 = tpu.memref_squeeze %dma_wait3A_444 : memref<1x21xi32, #tpu.memory_space<vmem>> -> memref<21xi32, #tpu.memory_space<vmem>>
    %dma_wait3A_446 = arith.constant 0 : i32
    %dma_wait3A_447 = arith.constant 0 : i32
    %dma_wait3A_448 = arith.constant 0 : i32
    %dma_wait3A_449 = tpu.memref_slice %arg2[%dma_wait3A_446, %dma_wait3A_447, %dma_wait3A_448] : memref<4096x32x128xf32, #tpu.memory_space<hbm>> -> memref<4096x32x128xf32, #tpu.memory_space<hbm>>
    tpu.wait_indirect_dma semaphore(%arg9 : memref<!tpu.dma_semaphore, #tpu.memory_space<semaphore_mem>>) src(%dma_wait3A_449 : memref<4096x32x128xf32, #tpu.memory_space<hbm>>) dst(%arg7 : memref<21x32x128xf32, #tpu.memory_space<vmem>>)
    %add3A_450 = arith.constant 7 : i32
    %add3A_451 = arith.addi %mul3A_2, %add3A_450 : i32
    %dma_start3A_452 = arith.constant 0 : i32
    %dma_start3A_453 = arith.constant 0 : i32
    %dma_start3A_454 = arith.constant 0 : i32
    %dma_start3A_455 = tpu.memref_slice %arg4[%add3A_451, %dma_start3A_452, %dma_start3A_453, %dma_start3A_454] : memref<256x21x32x128xf32, #tpu.memory_space<hbm>> -> memref<1x21x32x128xf32, #tpu.memory_space<hbm>>
    %dma_start3A_456 = tpu.memref_squeeze %dma_start3A_455 : memref<1x21x32x128xf32, #tpu.memory_space<hbm>> -> memref<21x32x128xf32, #tpu.memory_space<hbm>>
    %dma_start3A_457 = arith.constant 0 : i32
    %dma_start3A_458 = arith.constant 0 : i32
    %dma_start3A_459 = arith.constant 0 : i32
    %dma_start3A_460 = tpu.memref_slice %arg4[%add3A_451, %dma_start3A_457, %dma_start3A_458, %dma_start3A_459] : memref<256x21x32x128xf32, #tpu.memory_space<hbm>> -> memref<1x21x32x128xf32, #tpu.memory_space<hbm>>
    %dma_start3A_461 = tpu.memref_squeeze %dma_start3A_460 : memref<1x21x32x128xf32, #tpu.memory_space<hbm>> -> memref<21x32x128xf32, #tpu.memory_space<hbm>>
    tpu.enqueue_dma source(%arg7 : memref<21x32x128xf32, #tpu.memory_space<vmem>>) target(%dma_start3A_461 : memref<21x32x128xf32, #tpu.memory_space<hbm>>) target_semaphore(%arg10 : memref<!tpu.dma_semaphore, #tpu.memory_space<semaphore_mem>>)
    %scan3A_462 = arith.constant 0 : i32
    %scan3A_463 = arith.constant 0 : i32
    %scan3A_464 = arith.constant 256 : i32
    %scan3A_465 = arith.addi %scan3A_463, %scan3A_464 : i32
    %scan3A_466 = arith.constant 1 : i32
    scf.for %scan3A_496 = %scan3A_463 to %scan3A_465 step %scan3A_466  : i32 {
      %shift_right_arithmetic3A = arith.constant 3 : i32
      %shift_right_arithmetic3A_497 = arith.shrsi %scan3A_496, %shift_right_arithmetic3A : i32
      %and3A = arith.constant 7 : i32
      %and3A_498 = arith.andi %scan3A_496, %and3A : i32
      %mul3A_499 = arith.constant 16 : i32
      %mul3A_500 = arith.muli %and3A_498, %mul3A_499 : i32
      %get3A = arith.constant 0 : i32
      %get3A_501 = arith.index_cast %get3A : i32 to index
      %get3A_502 = arith.index_cast %shift_right_arithmetic3A_497 : i32 to index
      %get3A_503 = arith.index_cast %mul3A_500 : i32 to index
      %get3A_504 = tpu.vector_load %arg7[%get3A_501, %get3A_502, %get3A_503] {strides = array<i32>} : memref<21x32x128xf32, #tpu.memory_space<vmem>>, vector<1x1x16xf32>,
      %get3A_505 = vector.shape_cast %get3A_504 : vector<1x1x16xf32> to vector<16xf32>
      %get3A_506 = arith.constant 1 : i32
      %get3A_507 = arith.index_cast %get3A_506 : i32 to index
      %get3A_508 = arith.index_cast %shift_right_arithmetic3A_497 : i32 to index
      %get3A_509 = arith.index_cast %mul3A_500 : i32 to index
      %get3A_510 = tpu.vector_load %arg7[%get3A_507, %get3A_508, %get3A_509] {strides = array<i32>} : memref<21x32x128xf32, #tpu.memory_space<vmem>>, vector<1x1x16xf32>,
      %get3A_511 = vector.shape_cast %get3A_510 : vector<1x1x16xf32> to vector<16xf32>
      %get3A_512 = arith.constant 2 : i32
      %get3A_513 = arith.index_cast %get3A_512 : i32 to index
      %get3A_514 = arith.index_cast %shift_right_arithmetic3A_497 : i32 to index
      %get3A_515 = arith.index_cast %mul3A_500 : i32 to index
      %get3A_516 = tpu.vector_load %arg7[%get3A_513, %get3A_514, %get3A_515] {strides = array<i32>} : memref<21x32x128xf32, #tpu.memory_space<vmem>>, vector<1x1x16xf32>,
      %get3A_517 = vector.shape_cast %get3A_516 : vector<1x1x16xf32> to vector<16xf32>
      %get3A_518 = arith.constant 3 : i32
      %get3A_519 = arith.index_cast %get3A_518 : i32 to index
      %get3A_520 = arith.index_cast %shift_right_arithmetic3A_497 : i32 to index
      %get3A_521 = arith.index_cast %mul3A_500 : i32 to index
      %get3A_522 = tpu.vector_load %arg7[%get3A_519, %get3A_520, %get3A_521] {strides = array<i32>} : memref<21x32x128xf32, #tpu.memory_space<vmem>>, vector<1x1x16xf32>,
      %get3A_523 = vector.shape_cast %get3A_522 : vector<1x1x16xf32> to vector<16xf32>
      %get3A_524 = arith.constant 4 : i32
      %get3A_525 = arith.index_cast %get3A_524 : i32 to index
      %get3A_526 = arith.index_cast %shift_right_arithmetic3A_497 : i32 to index
      %get3A_527 = arith.index_cast %mul3A_500 : i32 to index
      %get3A_528 = tpu.vector_load %arg7[%get3A_525, %get3A_526, %get3A_527] {strides = array<i32>} : memref<21x32x128xf32, #tpu.memory_space<vmem>>, vector<1x1x16xf32>,
      %get3A_529 = vector.shape_cast %get3A_528 : vector<1x1x16xf32> to vector<16xf32>
      %get3A_530 = arith.constant 5 : i32
      %get3A_531 = arith.index_cast %get3A_530 : i32 to index
      %get3A_532 = arith.index_cast %shift_right_arithmetic3A_497 : i32 to index
      %get3A_533 = arith.index_cast %mul3A_500 : i32 to index
      %get3A_534 = tpu.vector_load %arg7[%get3A_531, %get3A_532, %get3A_533] {strides = array<i32>} : memref<21x32x128xf32, #tpu.memory_space<vmem>>, vector<1x1x16xf32>,
      %get3A_535 = vector.shape_cast %get3A_534 : vector<1x1x16xf32> to vector<16xf32>
      %get3A_536 = arith.constant 6 : i32
      %get3A_537 = arith.index_cast %get3A_536 : i32 to index
      %get3A_538 = arith.index_cast %shift_right_arithmetic3A_497 : i32 to index
      %get3A_539 = arith.index_cast %mul3A_500 : i32 to index
      %get3A_540 = tpu.vector_load %arg7[%get3A_537, %get3A_538, %get3A_539] {strides = array<i32>} : memref<21x32x128xf32, #tpu.memory_space<vmem>>, vector<1x1x16xf32>,
      %get3A_541 = vector.shape_cast %get3A_540 : vector<1x1x16xf32> to vector<16xf32>
      %get3A_542 = arith.constant 7 : i32
      %get3A_543 = arith.index_cast %get3A_542 : i32 to index
      %get3A_544 = arith.index_cast %shift_right_arithmetic3A_497 : i32 to index
      %get3A_545 = arith.index_cast %mul3A_500 : i32 to index
      %get3A_546 = tpu.vector_load %arg7[%get3A_543, %get3A_544, %get3A_545] {strides = array<i32>} : memref<21x32x128xf32, #tpu.memory_space<vmem>>, vector<1x1x16xf32>,
      %get3A_547 = vector.shape_cast %get3A_546 : vector<1x1x16xf32> to vector<16xf32>
      %get3A_548 = arith.constant 8 : i32
      %get3A_549 = arith.index_cast %get3A_548 : i32 to index
      %get3A_550 = arith.index_cast %shift_right_arithmetic3A_497 : i32 to index
      %get3A_551 = arith.index_cast %mul3A_500 : i32 to index
      %get3A_552 = tpu.vector_load %arg7[%get3A_549, %get3A_550, %get3A_551] {strides = array<i32>} : memref<21x32x128xf32, #tpu.memory_space<vmem>>, vector<1x1x16xf32>,
      %get3A_553 = vector.shape_cast %get3A_552 : vector<1x1x16xf32> to vector<16xf32>
      %get3A_554 = arith.constant 9 : i32
      %get3A_555 = arith.index_cast %get3A_554 : i32 to index
      %get3A_556 = arith.index_cast %shift_right_arithmetic3A_497 : i32 to index
      %get3A_557 = arith.index_cast %mul3A_500 : i32 to index
      %get3A_558 = tpu.vector_load %arg7[%get3A_555, %get3A_556, %get3A_557] {strides = array<i32>} : memref<21x32x128xf32, #tpu.memory_space<vmem>>, vector<1x1x16xf32>,
      %get3A_559 = vector.shape_cast %get3A_558 : vector<1x1x16xf32> to vector<16xf32>
      %get3A_560 = arith.constant 10 : i32
      %get3A_561 = arith.index_cast %get3A_560 : i32 to index
      %get3A_562 = arith.index_cast %shift_right_arithmetic3A_497 : i32 to index
      %get3A_563 = arith.index_cast %mul3A_500 : i32 to index
      %get3A_564 = tpu.vector_load %arg7[%get3A_561, %get3A_562, %get3A_563] {strides = array<i32>} : memref<21x32x128xf32, #tpu.memory_space<vmem>>, vector<1x1x16xf32>,
      %get3A_565 = vector.shape_cast %get3A_564 : vector<1x1x16xf32> to vector<16xf32>
      %get3A_566 = arith.constant 11 : i32
      %get3A_567 = arith.index_cast %get3A_566 : i32 to index
      %get3A_568 = arith.index_cast %shift_right_arithmetic3A_497 : i32 to index
      %get3A_569 = arith.index_cast %mul3A_500 : i32 to index
      %get3A_570 = tpu.vector_load %arg7[%get3A_567, %get3A_568, %get3A_569] {strides = array<i32>} : memref<21x32x128xf32, #tpu.memory_space<vmem>>, vector<1x1x16xf32>,
      %get3A_571 = vector.shape_cast %get3A_570 : vector<1x1x16xf32> to vector<16xf32>
      %get3A_572 = arith.constant 12 : i32
      %get3A_573 = arith.index_cast %get3A_572 : i32 to index
      %get3A_574 = arith.index_cast %shift_right_arithmetic3A_497 : i32 to index
      %get3A_575 = arith.index_cast %mul3A_500 : i32 to index
      %get3A_576 = tpu.vector_load %arg7[%get3A_573, %get3A_574, %get3A_575] {strides = array<i32>} : memref<21x32x128xf32, #tpu.memory_space<vmem>>, vector<1x1x16xf32>,
      %get3A_577 = vector.shape_cast %get3A_576 : vector<1x1x16xf32> to vector<16xf32>
      %get3A_578 = arith.constant 13 : i32
      %get3A_579 = arith.index_cast %get3A_578 : i32 to index
      %get3A_580 = arith.index_cast %shift_right_arithmetic3A_497 : i32 to index
      %get3A_581 = arith.index_cast %mul3A_500 : i32 to index
      %get3A_582 = tpu.vector_load %arg7[%get3A_579, %get3A_580, %get3A_581] {strides = array<i32>} : memref<21x32x128xf32, #tpu.memory_space<vmem>>, vector<1x1x16xf32>,
      %get3A_583 = vector.shape_cast %get3A_582 : vector<1x1x16xf32> to vector<16xf32>
      %get3A_584 = arith.constant 14 : i32
      %get3A_585 = arith.index_cast %get3A_584 : i32 to index
      %get3A_586 = arith.index_cast %shift_right_arithmetic3A_497 : i32 to index
      %get3A_587 = arith.index_cast %mul3A_500 : i32 to index
      %get3A_588 = tpu.vector_load %arg7[%get3A_585, %get3A_586, %get3A_587] {strides = array<i32>} : memref<21x32x128xf32, #tpu.memory_space<vmem>>, vector<1x1x16xf32>,
      %get3A_589 = vector.shape_cast %get3A_588 : vector<1x1x16xf32> to vector<16xf32>
      %get3A_590 = arith.constant 15 : i32
      %get3A_591 = arith.index_cast %get3A_590 : i32 to index
      %get3A_592 = arith.index_cast %shift_right_arithmetic3A_497 : i32 to index
      %get3A_593 = arith.index_cast %mul3A_500 : i32 to index
      %get3A_594 = tpu.vector_load %arg7[%get3A_591, %get3A_592, %get3A_593] {strides = array<i32>} : memref<21x32x128xf32, #tpu.memory_space<vmem>>, vector<1x1x16xf32>,
      %get3A_595 = vector.shape_cast %get3A_594 : vector<1x1x16xf32> to vector<16xf32>
      %get3A_596 = arith.constant 16 : i32
      %get3A_597 = arith.index_cast %get3A_596 : i32 to index
      %get3A_598 = arith.index_cast %shift_right_arithmetic3A_497 : i32 to index
      %get3A_599 = arith.index_cast %mul3A_500 : i32 to index
      %get3A_600 = tpu.vector_load %arg7[%get3A_597, %get3A_598, %get3A_599] {strides = array<i32>} : memref<21x32x128xf32, #tpu.memory_space<vmem>>, vector<1x1x16xf32>,
      %get3A_601 = vector.shape_cast %get3A_600 : vector<1x1x16xf32> to vector<16xf32>
      %get3A_602 = arith.constant 17 : i32
      %get3A_603 = arith.index_cast %get3A_602 : i32 to index
      %get3A_604 = arith.index_cast %shift_right_arithmetic3A_497 : i32 to index
      %get3A_605 = arith.index_cast %mul3A_500 : i32 to index
      %get3A_606 = tpu.vector_load %arg7[%get3A_603, %get3A_604, %get3A_605] {strides = array<i32>} : memref<21x32x128xf32, #tpu.memory_space<vmem>>, vector<1x1x16xf32>,
      %get3A_607 = vector.shape_cast %get3A_606 : vector<1x1x16xf32> to vector<16xf32>
      %get3A_608 = arith.constant 18 : i32
      %get3A_609 = arith.index_cast %get3A_608 : i32 to index
      %get3A_610 = arith.index_cast %shift_right_arithmetic3A_497 : i32 to index
      %get3A_611 = arith.index_cast %mul3A_500 : i32 to index
      %get3A_612 = tpu.vector_load %arg7[%get3A_609, %get3A_610, %get3A_611] {strides = array<i32>} : memref<21x32x128xf32, #tpu.memory_space<vmem>>, vector<1x1x16xf32>,
      %get3A_613 = vector.shape_cast %get3A_612 : vector<1x1x16xf32> to vector<16xf32>
      %get3A_614 = arith.constant 19 : i32
      %get3A_615 = arith.index_cast %get3A_614 : i32 to index
      %get3A_616 = arith.index_cast %shift_right_arithmetic3A_497 : i32 to index
      %get3A_617 = arith.index_cast %mul3A_500 : i32 to index
      %get3A_618 = tpu.vector_load %arg7[%get3A_615, %get3A_616, %get3A_617] {strides = array<i32>} : memref<21x32x128xf32, #tpu.memory_space<vmem>>, vector<1x1x16xf32>,
      %get3A_619 = vector.shape_cast %get3A_618 : vector<1x1x16xf32> to vector<16xf32>
      %get3A_620 = arith.constant 20 : i32
      %get3A_621 = arith.index_cast %get3A_620 : i32 to index
      %get3A_622 = arith.index_cast %shift_right_arithmetic3A_497 : i32 to index
      %get3A_623 = arith.index_cast %mul3A_500 : i32 to index
      %get3A_624 = tpu.vector_load %arg7[%get3A_621, %get3A_622, %get3A_623] {strides = array<i32>} : memref<21x32x128xf32, #tpu.memory_space<vmem>>, vector<1x1x16xf32>,
      %get3A_625 = vector.shape_cast %get3A_624 : vector<1x1x16xf32> to vector<16xf32>
      %add3A_626 = arith.addf %get3A_505, %get3A_511 : vector<16xf32>
      %add3A_627 = arith.addf %get3A_517, %get3A_523 : vector<16xf32>
      %add3A_628 = arith.addf %get3A_529, %get3A_535 : vector<16xf32>
      %add3A_629 = arith.addf %get3A_541, %get3A_547 : vector<16xf32>
      %add3A_630 = arith.addf %get3A_553, %get3A_559 : vector<16xf32>
      %add3A_631 = arith.addf %get3A_565, %get3A_571 : vector<16xf32>
      %add3A_632 = arith.addf %get3A_577, %get3A_583 : vector<16xf32>
      %add3A_633 = arith.addf %get3A_589, %get3A_595 : vector<16xf32>
      %add3A_634 = arith.addf %get3A_601, %get3A_607 : vector<16xf32>
      %add3A_635 = arith.addf %get3A_613, %get3A_619 : vector<16xf32>
      %add3A_636 = arith.addf %add3A_626, %add3A_627 : vector<16xf32>
      %add3A_637 = arith.addf %add3A_628, %add3A_629 : vector<16xf32>
      %add3A_638 = arith.addf %add3A_630, %add3A_631 : vector<16xf32>
      %add3A_639 = arith.addf %add3A_632, %add3A_633 : vector<16xf32>
      %add3A_640 = arith.addf %add3A_634, %add3A_635 : vector<16xf32>
      %add3A_641 = arith.addf %add3A_636, %add3A_637 : vector<16xf32>
      %add3A_642 = arith.addf %add3A_638, %add3A_639 : vector<16xf32>
      %add3A_643 = arith.addf %add3A_640, %get3A_625 : vector<16xf32>
      %add3A_644 = arith.addf %add3A_641, %add3A_642 : vector<16xf32>
      %add3A_645 = arith.addf %add3A_644, %add3A_643 : vector<16xf32>
      %swap3A = arith.index_cast %shift_right_arithmetic3A_497 : i32 to index
      %swap3A_646 = arith.index_cast %mul3A_500 : i32 to index
      %swap3A_647 = tpu.vector_load %arg8[%swap3A, %swap3A_646] {strides = array<i32>} : memref<32x128xf32, #tpu.memory_space<vmem>>, vector<1x16xf32>,
      %swap3A_648 = vector.shape_cast %swap3A_647 : vector<1x16xf32> to vector<16xf32>
      %swap3A_649 = vector.shape_cast %add3A_645 : vector<16xf32> to vector<1x16xf32>
      tpu.vector_store %arg8[%swap3A, %swap3A_646], %swap3A_649 {strides = array<i32>} : memref<32x128xf32, #tpu.memory_space<vmem>>, vector<1x16xf32>,
    }
    %scan3A_467 = arith.constant 256 : i32
    %add3A_468 = arith.constant 7 : i32
    %add3A_469 = arith.addi %mul3A_2, %add3A_468 : i32
    %dma_start3A_470 = arith.constant 0 : i32
    %dma_start3A_471 = arith.constant 0 : i32
    %dma_start3A_472 = tpu.memref_slice %arg5[%add3A_469, %dma_start3A_470, %dma_start3A_471] : memref<256x32x128xf32, #tpu.memory_space<hbm>> -> memref<1x32x128xf32, #tpu.memory_space<hbm>>
    %dma_start3A_473 = tpu.memref_squeeze %dma_start3A_472 : memref<1x32x128xf32, #tpu.memory_space<hbm>> -> memref<32x128xf32, #tpu.memory_space<hbm>>
    %dma_start3A_474 = arith.constant 0 : i32
    %dma_start3A_475 = arith.constant 0 : i32
    %dma_start3A_476 = tpu.memref_slice %arg5[%add3A_469, %dma_start3A_474, %dma_start3A_475] : memref<256x32x128xf32, #tpu.memory_space<hbm>> -> memref<1x32x128xf32, #tpu.memory_space<hbm>>
    %dma_start3A_477 = tpu.memref_squeeze %dma_start3A_476 : memref<1x32x128xf32, #tpu.memory_space<hbm>> -> memref<32x128xf32, #tpu.memory_space<hbm>>
    tpu.enqueue_dma source(%arg8 : memref<32x128xf32, #tpu.memory_space<vmem>>) target(%dma_start3A_477 : memref<32x128xf32, #tpu.memory_space<hbm>>) target_semaphore(%arg10 : memref<!tpu.dma_semaphore, #tpu.memory_space<semaphore_mem>>)
    %dma_wait3A_478 = arith.constant 0 : i32
    %dma_wait3A_479 = arith.constant 0 : i32
    %dma_wait3A_480 = arith.constant 0 : i32
    %dma_wait3A_481 = tpu.memref_slice %arg4[%add3A_451, %dma_wait3A_478, %dma_wait3A_479, %dma_wait3A_480] : memref<256x21x32x128xf32, #tpu.memory_space<hbm>> -> memref<1x21x32x128xf32, #tpu.memory_space<hbm>>
    %dma_wait3A_482 = tpu.memref_squeeze %dma_wait3A_481 : memref<1x21x32x128xf32, #tpu.memory_space<hbm>> -> memref<21x32x128xf32, #tpu.memory_space<hbm>>
    %dma_wait3A_483 = arith.constant 0 : i32
    %dma_wait3A_484 = arith.constant 0 : i32
    %dma_wait3A_485 = arith.constant 0 : i32
    %dma_wait3A_486 = tpu.memref_slice %arg4[%add3A_451, %dma_wait3A_483, %dma_wait3A_484, %dma_wait3A_485] : memref<256x21x32x128xf32, #tpu.memory_space<hbm>> -> memref<1x21x32x128xf32, #tpu.memory_space<hbm>>
    %dma_wait3A_487 = tpu.memref_squeeze %dma_wait3A_486 : memref<1x21x32x128xf32, #tpu.memory_space<hbm>> -> memref<21x32x128xf32, #tpu.memory_space<hbm>>
    tpu.wait_dma2 semaphore(%arg10 : memref<!tpu.dma_semaphore, #tpu.memory_space<semaphore_mem>>) src(%arg7 : memref<21x32x128xf32, #tpu.memory_space<vmem>>) dst(%dma_wait3A_487 : memref<21x32x128xf32, #tpu.memory_space<hbm>>)
    %dma_wait3A_488 = arith.constant 0 : i32
    %dma_wait3A_489 = arith.constant 0 : i32
    %dma_wait3A_490 = tpu.memref_slice %arg5[%add3A_469, %dma_wait3A_488, %dma_wait3A_489] : memref<256x32x128xf32, #tpu.memory_space<hbm>> -> memref<1x32x128xf32, #tpu.memory_space<hbm>>
    %dma_wait3A_491 = tpu.memref_squeeze %dma_wait3A_490 : memref<1x32x128xf32, #tpu.memory_space<hbm>> -> memref<32x128xf32, #tpu.memory_space<hbm>>
    %dma_wait3A_492 = arith.constant 0 : i32
    %dma_wait3A_493 = arith.constant 0 : i32
    %dma_wait3A_494 = tpu.memref_slice %arg5[%add3A_469, %dma_wait3A_492, %dma_wait3A_493] : memref<256x32x128xf32, #tpu.memory_space<hbm>> -> memref<1x32x128xf32, #tpu.memory_space<hbm>>
    %dma_wait3A_495 = tpu.memref_squeeze %dma_wait3A_494 : memref<1x32x128xf32, #tpu.memory_space<hbm>> -> memref<32x128xf32, #tpu.memory_space<hbm>>
    tpu.wait_dma2 semaphore(%arg10 : memref<!tpu.dma_semaphore, #tpu.memory_space<semaphore_mem>>) src(%arg8 : memref<32x128xf32, #tpu.memory_space<vmem>>) dst(%dma_wait3A_495 : memref<32x128xf32, #tpu.memory_space<hbm>>)
    return
  }
}

module attributes {stable_mosaic.version = 14 : i64} {
  func.func @_table_body(%arg0: i32, %arg1: memref<64x32x128xf32, #tpu.memory_space<vmem>>) attributes {dimension_semantics = [#tpu.dimension_semantics<arbitrary>], iteration_bounds = array<i64: 64>, scalar_prefetch = 0 : i64, scratch_operands = 0 : i64, tpu.core_type = #tpu.core_type<tc>, window_params = [{transform_indices = @transform_0, window_bounds = array<i64: 64, 32, 128>}]} {
    %iota3A = tpu.iota {dimensions = array<i32: 0>} : vector<64x32x128xi32>
    %iota3A_0 = tpu.iota {dimensions = array<i32: 1>} : vector<64x32x128xi32>
    %iota3A_1 = tpu.iota {dimensions = array<i32: 2>} : vector<64x32x128xi32>
    %mul3A = arith.constant 2 : i32
    %mul3A_2 = vector.broadcast %mul3A : i32 to vector<64x32x128xi32>
    %mul3A_3 = arith.muli %mul3A_2, %iota3A_0 : vector<64x32x128xi32>
    %shift_right_arithmetic3A = arith.constant 6 : i32
    %shift_right_arithmetic3A_4 = vector.broadcast %shift_right_arithmetic3A : i32 to vector<64x32x128xi32>
    %shift_right_arithmetic3A_5 = arith.shrsi %iota3A_1, %shift_right_arithmetic3A_4 : vector<64x32x128xi32>
    %add3A = arith.addi %mul3A_3, %shift_right_arithmetic3A_5 : vector<64x32x128xi32>
    %and3A = arith.constant 63 : i32
    %and3A_6 = vector.broadcast %and3A : i32 to vector<64x32x128xi32>
    %and3A_7 = arith.andi %iota3A_1, %and3A_6 : vector<64x32x128xi32>
    %sub3A = vector.broadcast %arg0 : i32 to vector<64x32x128xi32>
    %sub3A_8 = arith.subi %and3A_7, %sub3A : vector<64x32x128xi32>
    %convert_element_type3A = arith.sitofp %sub3A_8 : vector<64x32x128xi32> to vector<64x32x128xf32>
    %sub3A_9 = arith.subi %add3A, %iota3A : vector<64x32x128xi32>
    %convert_element_type3A_10 = arith.sitofp %sub3A_9 : vector<64x32x128xi32> to vector<64x32x128xf32>
    %mul3A_11 = arith.mulf %convert_element_type3A, %convert_element_type3A : vector<64x32x128xf32>
    %mul3A_12 = arith.mulf %convert_element_type3A_10, %convert_element_type3A_10 : vector<64x32x128xf32>
    %add3A_13 = arith.addf %mul3A_11, %mul3A_12 : vector<64x32x128xf32>
    %mul3A_14 = arith.constant -1.250000e-01 : f32
    %mul3A_15 = vector.broadcast %mul3A_14 : f32 to vector<64x32x128xf32>
    %mul3A_16 = arith.mulf %add3A_13, %mul3A_15 : vector<64x32x128xf32>
    %exp3A = math.exp %mul3A_16 : vector<64x32x128xf32>
    %abs3A = math.absf %convert_element_type3A : vector<64x32x128xf32>
    %le3A = arith.constant 6.000000e+00 : f32
    %le3A_17 = vector.broadcast %le3A : f32 to vector<64x32x128xf32>
    %le3A_18 = arith.cmpf ole, %abs3A, %le3A_17 : vector<64x32x128xf32>
    %abs3A_19 = math.absf %convert_element_type3A_10 : vector<64x32x128xf32>
    %le3A_20 = arith.constant 6.000000e+00 : f32
    %le3A_21 = vector.broadcast %le3A_20 : f32 to vector<64x32x128xf32>
    %le3A_22 = arith.cmpf ole, %abs3A_19, %le3A_21 : vector<64x32x128xf32>
    %and3A_23 = arith.andi %le3A_18, %le3A_22 : vector<64x32x128xi1>
    %jit3A = arith.constant 0.000000e+00 : f32
    %broadcast_in_dim3A = vector.broadcast %jit3A : f32 to vector<64x32x128xf32>
    %select_n3A = arith.select %and3A_23, %exp3A, %broadcast_in_dim3A : vector<64x32x128xi1>, vector<64x32x128xf32>
    %swap3A = arith.constant 0 : index
    %swap3A_24 = arith.constant 0 : index
    %swap3A_25 = arith.constant 0 : index
    %swap3A_26 = vector.load %arg1[%swap3A, %swap3A_24, %swap3A_25] : memref<64x32x128xf32, #tpu.memory_space<vmem>>, vector<64x32x128xf32>
    tpu.vector_store %arg1[%swap3A, %swap3A_24, %swap3A_25], %select_n3A {strides = array<i32>} : memref<64x32x128xf32, #tpu.memory_space<vmem>>, vector<64x32x128xf32>,
    return
  }
  func.func @transform_0(%arg0: i32) -> (i32, i32, i32) {
    %c0_i32 = arith.constant 0 : i32
    %c0_i32_0 = arith.constant 0 : i32
    %c0_i32_1 = arith.constant 0 : i32
    return %arg0, %c0_i32, %c0_i32_0 : i32, i32, i32
  }
}

module attributes {stable_mosaic.version = 14 : i64} {
  func.func @_argmax_body(%arg0: i32, %arg1: memref<1x64x64x256xf32, #tpu.memory_space<vmem>>, %arg2: memref<1x1x256xi32, #tpu.memory_space<vmem>>) attributes {dimension_semantics = [#tpu.dimension_semantics<arbitrary>], iteration_bounds = array<i64: 21>, scalar_prefetch = 0 : i64, scratch_operands = 0 : i64, tpu.core_type = #tpu.core_type<tc>, window_params = [{transform_indices = @transform_0, window_bounds = array<i64: 1, 64, 64, 256>}, {transform_indices = @transform_1, window_bounds = array<i64: 1, 1, 256>}]} {
    %get3A = arith.constant 0 : index
    %get3A_0 = arith.constant 0 : index
    %get3A_1 = arith.constant 0 : index
    %get3A_2 = arith.constant 0 : index
    %get3A_3 = vector.load %arg1[%get3A, %get3A_0, %get3A_1, %get3A_2] : memref<1x64x64x256xf32, #tpu.memory_space<vmem>>, vector<1x64x64x256xf32>
    %get3A_4 = vector.shape_cast %get3A_3 : vector<1x64x64x256xf32> to vector<64x64x256xf32>
    %reduce_max3A = arith.constant dense<0xFF800000> : vector<64x256xf32>
    %reduce_max3A_5 = vector.multi_reduction <maximumf>, %get3A_4, %reduce_max3A [0] : vector<64x64x256xf32> to vector<64x256xf32>
    %reduce_max3A_6 = arith.constant dense<0xFF800000> : vector<256xf32>
    %reduce_max3A_7 = vector.multi_reduction <maximumf>, %reduce_max3A_5, %reduce_max3A_6 [0] : vector<64x256xf32> to vector<256xf32>
    %iota3A = tpu.iota {dimensions = array<i32: 0>} : vector<64x64x256xi32>
    %mul3A = arith.constant 64 : i32
    %mul3A_8 = vector.broadcast %mul3A : i32 to vector<64x64x256xi32>
    %mul3A_9 = arith.muli %iota3A, %mul3A_8 : vector<64x64x256xi32>
    %iota3A_10 = tpu.iota {dimensions = array<i32: 1>} : vector<64x64x256xi32>
    %add3A = arith.addi %mul3A_9, %iota3A_10 : vector<64x64x256xi32>
    %broadcast_in_dim3A = vector.shape_cast %reduce_max3A_7 : vector<256xf32> to vector<1x1x256xf32>
    %eq3A = vector.broadcast %broadcast_in_dim3A : vector<1x1x256xf32> to vector<64x64x256xf32>
    %eq3A_11 = arith.cmpf oeq, %get3A_4, %eq3A : vector<64x64x256xf32>
    %jit3A = arith.constant 4096 : i32
    %broadcast_in_dim3A_12 = vector.broadcast %jit3A : i32 to vector<64x64x256xi32>
    %select_n3A = arith.select %eq3A_11, %add3A, %broadcast_in_dim3A_12 : vector<64x64x256xi1>, vector<64x64x256xi32>
    %reduce_min3A = arith.constant dense<2147483647> : vector<64x256xi32>
    %reduce_min3A_13 = vector.multi_reduction <minsi>, %select_n3A, %reduce_min3A [0] : vector<64x64x256xi32> to vector<64x256xi32>
    %reduce_min3A_14 = arith.constant dense<2147483647> : vector<256xi32>
    %reduce_min3A_15 = vector.multi_reduction <minsi>, %reduce_min3A_13, %reduce_min3A_14 [0] : vector<64x256xi32> to vector<256xi32>
    %gt3A = arith.constant 0.000000e+00 : f32
    %gt3A_16 = vector.broadcast %gt3A : f32 to vector<256xf32>
    %gt3A_17 = arith.cmpf ogt, %reduce_max3A_7, %gt3A_16 : vector<256xf32>
    %jit3A_18 = arith.constant 64 : i32
    %eq3A_19 = arith.constant 0 : i32
    %eq3A_20 = arith.cmpi eq, %jit3A_18, %eq3A_19 : i32
    %jit3A_21 = arith.constant 1 : i32
    %select_n3A_22 = arith.select %eq3A_20, %jit3A_21, %jit3A_18 : i32
    %rem3A = vector.broadcast %select_n3A_22 : i32 to vector<256xi32>
    %rem3A_23 = arith.remsi %reduce_min3A_15, %rem3A : vector<256xi32>
    %ne3A = arith.constant 0 : i32
    %ne3A_24 = vector.broadcast %ne3A : i32 to vector<256xi32>
    %ne3A_25 = arith.cmpi ne, %rem3A_23, %ne3A_24 : vector<256xi32>
    %lt3A = arith.constant 0 : i32
    %lt3A_26 = vector.broadcast %lt3A : i32 to vector<256xi32>
    %lt3A_27 = arith.cmpi slt, %rem3A_23, %lt3A_26 : vector<256xi32>
    %lt3A_28 = arith.constant 0 : i32
    %lt3A_29 = arith.cmpi slt, %select_n3A_22, %lt3A_28 : i32
    %ne3A_30 = vector.broadcast %lt3A_29 : i1 to vector<256xi1>
    %ne3A_31 = vector.broadcast %ne3A_30 : vector<256xi1> to vector<256xi1>
    %ne3A_32 = arith.xori %lt3A_27, %ne3A_31 : vector<256xi1>
    %and3A = arith.andi %ne3A_32, %ne3A_25 : vector<256xi1>
    %add3A_33 = vector.broadcast %select_n3A_22 : i32 to vector<256xi32>
    %add3A_34 = arith.addi %rem3A_23, %add3A_33 : vector<256xi32>
    %select_n3A_35 = arith.select %and3A, %add3A_34, %rem3A_23 : vector<256xi1>, vector<256xi32>
    %mul3A_36 = arith.constant 64 : i32
    %mul3A_37 = vector.broadcast %mul3A_36 : i32 to vector<256xi32>
    %mul3A_38 = arith.muli %select_n3A_35, %mul3A_37 : vector<256xi32>
    %jit3A_39 = arith.constant 64 : i32
    %div3A = vector.broadcast %jit3A_39 : i32 to vector<256xi32>
    %div3A_40 = arith.divsi %reduce_min3A_15, %div3A : vector<256xi32>
    %sign3A = arith.constant 0 : i32
    %sign3A_41 = vector.broadcast %sign3A : i32 to vector<256xi32>
    %sign3A_42 = arith.cmpi sgt, %reduce_min3A_15, %sign3A_41 : vector<256xi32>
    %sign3A_43 = arith.extui %sign3A_42 : vector<256xi1> to vector<256xi32>
    %sign3A_44 = arith.constant 0 : i32
    %sign3A_45 = vector.broadcast %sign3A_44 : i32 to vector<256xi32>
    %sign3A_46 = arith.cmpi slt, %reduce_min3A_15, %sign3A_45 : vector<256xi32>
    %sign3A_47 = arith.extui %sign3A_46 : vector<256xi1> to vector<256xi32>
    %sign3A_48 = arith.subi %sign3A_43, %sign3A_47 : vector<256xi32>
    %sign3A_49 = arith.constant 0 : i32
    %sign3A_50 = arith.cmpi sgt, %jit3A_39, %sign3A_49 : i32
    %sign3A_51 = arith.extui %sign3A_50 : i1 to i32
    %sign3A_52 = arith.constant 0 : i32
    %sign3A_53 = arith.cmpi slt, %jit3A_39, %sign3A_52 : i32
    %sign3A_54 = arith.extui %sign3A_53 : i1 to i32
    %sign3A_55 = arith.subi %sign3A_51, %sign3A_54 : i32
    %ne3A_56 = vector.broadcast %sign3A_55 : i32 to vector<256xi32>
    %ne3A_57 = arith.cmpi ne, %sign3A_48, %ne3A_56 : vector<256xi32>
    %rem3A_58 = vector.broadcast %jit3A_39 : i32 to vector<256xi32>
    %rem3A_59 = arith.remsi %reduce_min3A_15, %rem3A_58 : vector<256xi32>
    %ne3A_60 = arith.constant 0 : i32
    %ne3A_61 = vector.broadcast %ne3A_60 : i32 to vector<256xi32>
    %ne3A_62 = arith.cmpi ne, %rem3A_59, %ne3A_61 : vector<256xi32>
    %and3A_63 = arith.andi %ne3A_57, %ne3A_62 : vector<256xi1>
    %sub3A = arith.constant 1 : i32
    %sub3A_64 = vector.broadcast %sub3A : i32 to vector<256xi32>
    %sub3A_65 = arith.subi %div3A_40, %sub3A_64 : vector<256xi32>
    %select_n3A_66 = arith.select %and3A_63, %sub3A_65, %div3A_40 : vector<256xi1>, vector<256xi32>
    %add3A_67 = arith.addi %mul3A_38, %select_n3A_66 : vector<256xi32>
    %jit3A_68 = arith.constant 0 : i32
    %broadcast_in_dim3A_69 = vector.broadcast %jit3A_68 : i32 to vector<256xi32>
    %select_n3A_70 = arith.select %gt3A_17, %add3A_67, %broadcast_in_dim3A_69 : vector<256xi1>, vector<256xi32>
    %swap3A = arith.constant 0 : index
    %swap3A_71 = arith.constant 0 : index
    %swap3A_72 = arith.constant 0 : index
    %swap3A_73 = vector.load %arg2[%swap3A, %swap3A_71, %swap3A_72] : memref<1x1x256xi32, #tpu.memory_space<vmem>>, vector<1x1x256xi32>
    %swap3A_74 = vector.shape_cast %swap3A_73 : vector<1x1x256xi32> to vector<256xi32>
    %swap3A_75 = vector.shape_cast %select_n3A_70 : vector<256xi32> to vector<1x1x256xi32>
    tpu.vector_store %arg2[%swap3A, %swap3A_71, %swap3A_72], %swap3A_75 {strides = array<i32>} : memref<1x1x256xi32, #tpu.memory_space<vmem>>, vector<1x1x256xi32>,
    return
  }
  func.func @transform_0(%arg0: i32) -> (i32, i32, i32, i32) {
    %c0_i32 = arith.constant 0 : i32
    %c0_i32_0 = arith.constant 0 : i32
    %c0_i32_1 = arith.constant 0 : i32
    %c0_i32_2 = arith.constant 0 : i32
    return %arg0, %c0_i32, %c0_i32_0, %c0_i32_1 : i32, i32, i32, i32
  }
  func.func @transform_1(%arg0: i32) -> (i32, i32, i32) {
    %c0_i32 = arith.constant 0 : i32
    %c0_i32_0 = arith.constant 0 : i32
    %c0_i32_1 = arith.constant 0 : i32
    return %arg0, %c0_i32, %c0_i32_0 : i32, i32, i32
  }
}

</mosaic_0001>

<sc_bundles>
// kernel: kernel.5.cloned.1.call-start
scs
__scs_entry_jumppad:
0x0: {  	(pc) =	sbr.rel $0x88, $3  }
0x1: {  	(tag) =	ssettag $0x0;
	lr =	simm.s32 $0x1  }
0x2: {  	[smem:$0x3FA0] =	sst lr;
	_ =	strace $0xD0000000  }
0x3: {  	_ = 	snop  }
0x4: {  	_ = 	snop  }
0x5: {  	_ = 	snop  }
0x6: {  	_ = 	snop  }
0x7: {  	_ = 	snop  }
__scs_overlays_trampoline_lowered:
0x8: {  	[smem:$0x3FAF] =	sst s0  }
0x9: {  	[smem:$0x3FB0] =	sst s1  }
0xa: {  	[smem:$0x3FB1] =	sst s2  }
0xb: {  	[smem:$0x3FB2] =	sst s3  }
0xc: {  	[smem:$0x3FB3] =	sst s4  }
0xd: {  	[smem:$0x3FB4] =	sst s5  }
0xe: {  	[smem:$0x3FB5] =	sst s6  }
0xf: {  	[smem:$0x3FB6] =	sst s7  }
0x10: {  	[smem:$0x3FB7] =	sst s8  }
0x11: {  	[smem:$0x3FB8] =	sst s9;
	s0 =	simm.s32 @!p0 $0x0  }
0x12: {  	s1 =	sld [smem:$0x3F9E];
	s0 =	simm.s32 @p0 $0x1  }
0x13: {  	[smem:$0x3FB9] =	sst s0;
	s0 =	simm.s32 @!p1 $0x0  }
0x14: {  	s2 =	sld [smem:$0x3F9D];
	s0 =	simm.s32 @p1 $0x1  }
0x15: {  	[smem:$0x3FBA] =	sst s0;
	s0 =	simm.s32 @!p2 $0x0  }
0x16: {  	s3 =	sld [smem:$0x3FDB];
	s0 =	simm.s32 @p2 $0x1  }
0x17: {  	s4 =	simm.s32 $0x1BF5;
	[smem:$0x3FBC] =	sst s0  }
0x18: {  	s0 =	sld [smem:$0x3F9F];
	_ =	swait.ge [sflag:s4], $0x0  }
0x19: {  	s7 =	sld [smem:$0x3FA0]  }
0x1a: {  	s8 =	sadd.s32 $0xFFFFE003, lr  }
0x1b: {  	s9 =	sadd.s32 $0xFFFFFEF7, lr;
	s5 =	simm.s32 $0xFFFFFFFF;
	p2 =	slt.u32 s8, $0xFFFFF086  }
0x1c: {  	p1 =	slt.u32 s9, $0xF7A;
	s5 =	simm.s32 @!p2 $0x0  }
0x1d: {  	s5 =	simm.s32 @p1 $0x1;
	p0 =	seq.s32 s7, s2  }
0x1e: {  	s7 =	smul.u32 @!p0 $0xF7A, s2;
	p2 =	seq.s32 @!p0 s5, $0x0  }
0x1f: {  	s9 =	smul.u32 $0xF7A, s1;
	s8 =	simm.s32 @!p0 $0x1BF5;
	p2 =	por !p2, p0  }
0x20: {  	[sflag:s8] =	ssyncset.s32 @!p0 $0xFFFFF086;
	s6 =	sadd.s32 @!p0 s3, s7;
	s7 =	simm.s32 @!p0 $0x108  }
0x21: {  	s3 =	sadd.s32 s3, s9;
	s6 =	sadd.s32 @!p0 $0x88, s6;
	s7 =	simm.s32 @p2 $0x1082  }
0x22: {  	[simem:s7], [sflag:s8] =	dma.local @!p0 [hbm:s6], $0xF7A  }
0x23: {  	s9 =	sor.u32 $0xD0000000, s2;
	s6 =	simm.s32 $0x108;
	_ =	swait.ge @!p0 [sflag:s8], $0x0  }
0x24: {  	s3 =	sadd.s32 $0x88, s3;
	s6 =	simm.s32 @!p1 $0x1082;
	[sflag:s4] =	ssyncset.s32 $0xFFFFF086  }
0x25: {  	[simem:s6], [sflag:s4] =	dma.local [hbm:s3], $0xF7A  }
0x26: {  	[smem:$0x3FA0] =	sst s1;
	(tag) =	ssettag s2;
	_ =	strace s9  }
0x27: {  	s1 =	sld [smem:$0x3FB0]  }
0x28: {  	s2 =	sld [smem:$0x3FB1]  }
0x29: {  	s4 =	sld [smem:$0x3FB3]  }
0x2a: {  	p0 =	seq.s32 s5, $0x0;
	s5 =	sld [smem:$0x3FB4]  }
0x2b: {  	s6 =	sld [smem:$0x3FB5]  }
0x2c: {  	s7 =	sld [smem:$0x3FB6]  }
0x2d: {  	s3 =	simm.s32 $0x108;
	s8 =	sld [smem:$0x3FB7]  }
0x2e: {  	s3 =	simm.s32 @!p0 $0x1082;
	s9 =	sld [smem:$0x3FB8]  }
0x2f: {  	lr =	sadd.s32 s0, s3;
	s0 =	sld [smem:$0x3FAF]  }
0x30: {  	s3 =	sld [smem:$0x3FB2]  }
0x31: {  	[smem:$0x3FBB] =	sst s10  }
0x32: {  	s10 =	sld [smem:$0x3FB9];
	_ =	sdelay $0x3  }
0x33: {  	p0 =	seq.s32 s10, $0x1;
	s10 =	sld [smem:$0x3FBB];
	_ =	sdelay $0x3  }
0x34: {  	[smem:$0x3FBB] =	sst s10  }
0x35: {  	s10 =	sld [smem:$0x3FBA];
	_ =	sdelay $0x3  }
0x36: {  	p1 =	seq.s32 s10, $0x1;
	s10 =	sld [smem:$0x3FBB];
	_ =	sdelay $0x3  }
0x37: {  	[smem:$0x3FBB] =	sst s10  }
0x38: {  	s10 =	sld [smem:$0x3FBC]  }
0x39: {  	_ = 	snop;
	(pc) =	sbr.ind lr, $3  }
0x3a: {  	_ = 	snop  }
0x3b: {  	_ = 	snop  }
0x3c: {  	p2 =	seq.s32 s10, $0x1;
	s10 =	sld [smem:$0x3FBB]  }
0x3d: {  	_ =	shalt  }
0x3e: {  	_ =	shalt  }
0x3f: {  	_ =	shalt  }
0x40: {  	_ =	shalt  }
0x41: {  	_ =	shalt  }
0x42: {  	_ =	shalt  }
0x43: {  	_ =	shalt  }
0x44: {  	_ =	shalt  }
0x45: {  	_ =	shalt  }
0x46: {  	_ =	shalt  }
0x47: {  	_ =	shalt  }
0x48: {  	_ =	shalt  }
0x49: {  	_ =	shalt  }
0x4a: {  	_ =	shalt  }
0x4b: {  	_ =	shalt  }
0x4c: {  	_ =	shalt  }
0x4d: {  	_ =	shalt  }
0x4e: {  	_ =	shalt  }
0x4f: {  	_ =	shalt  }
0x50: {  	_ =	shalt  }
0x51: {  	_ =	shalt  }
0x52: {  	_ =	shalt  }
0x53: {  	_ =	shalt  }
0x54: {  	_ =	shalt  }
0x55: {  	_ =	shalt  }
0x56: {  	_ =	shalt  }
0x57: {  	_ =	shalt  }
0x58: {  	_ =	shalt  }
0x59: {  	_ =	shalt  }
0x5a: {  	_ =	shalt  }
0x5b: {  	_ =	shalt  }
0x5c: {  	_ =	shalt  }
0x5d: {  	_ =	shalt  }
0x5e: {  	_ =	shalt  }
0x5f: {  	_ =	shalt  }
0x60: {  	_ =	shalt  }
0x61: {  	_ =	shalt  }
0x62: {  	_ =	shalt  }
0x63: {  	_ =	shalt  }
0x64: {  	_ =	shalt  }
0x65: {  	_ =	shalt  }
0x66: {  	_ =	shalt  }
0x67: {  	_ =	shalt  }
0x68: {  	_ =	shalt  }
0x69: {  	_ =	shalt  }
0x6a: {  	_ =	shalt  }
0x6b: {  	_ =	shalt  }
0x6c: {  	_ =	shalt  }
0x6d: {  	_ =	shalt  }
0x6e: {  	_ =	shalt  }
0x6f: {  	_ =	shalt  }
0x70: {  	_ =	shalt  }
0x71: {  	_ =	shalt  }
0x72: {  	_ =	shalt  }
0x73: {  	_ =	shalt  }
0x74: {  	_ =	shalt  }
0x75: {  	_ =	shalt  }
0x76: {  	_ =	shalt  }
0x77: {  	_ =	shalt  }
0x78: {  	_ =	shalt  }
0x79: {  	_ =	shalt  }
0x7a: {  	_ =	shalt  }
0x7b: {  	_ =	shalt  }
0x7c: {  	_ =	shalt  }
0x7d: {  	_ =	shalt  }
0x7e: {  	_ =	shalt  }
0x7f: {  	_ =	shalt  }
0x80: {  	_ =	shalt  }
0x81: {  	_ =	shalt  }
0x82: {  	_ =	shalt  }
0x83: {  	_ =	shalt  }
0x84: {  	_ =	shalt  }
0x85: {  	_ =	shalt  }
0x86: {  	_ =	shalt  }
0x87: {  	_ =	shalt  }
.Lfunc_end0:
.L_simem_size_0:
called_computation_lowered:
.L_overlay_start_0:
0x88: {  	s2 =	sld [smem:$0x3FD9]  }
0x89: {  	s3 =	sld [smem:$0x3FFE];
	_ =	sdelay $0x1  }
0x8a: {  	s1 =	srdreg.scid  }
0x8b: {  	s0 =	sand.u32 $0x1, s1  }
0x8c: {  	s14 =	sshll.u32 s0, $0xA;
	s2 =	sadd.s32 s3, s2  }
0x8d: {  	s2 =	sadd.s32 s2, s14  }
0x8e: {  	[smem:$0x3FC7] =	sst s2  }
0x8f: {  	_ = 	snop  }
0x90: {  	s2 =	sld [smem:$0x3FD0];
	_ =	sdelay $0x2  }
0x91: {  	s15 =	simm.s32 $0xA;
	s4 =	simm.s32 $0x10  }
0x92: {  	[smem:s4], [sflag:s15] =	dma.local [hbm:s2], $0x1  }
0x93: {  	_ =	swait.eq [sflag:s15], $0x1  }
0x94: {  	[sflag:s15] =	ssyncset.done $0x0  }
0x95: {  	s16 =	sld [smem:$0x10];
	[sflag:s15] =	ssyncadd.s32 $0xFFFFFFFF  }
0x96: {  	s17 =	sld [smem:$0x11];
	(tm) =	ssettm $0x1  }
0x97: {  	s18 =	sld [smem:$0x3FFB];
	_ =	sdelay $0x3  }
0x98: {  	_ =	strace s18  }
0x99: {  	s4 =	sld [smem:$0x3FFC];
	_ =	sdelay $0x3  }
0x9a: {  	_ =	strace s4  }
0x9b: {  	s4 =	sld [smem:$0x3FFD];
	_ =	sdelay $0x3  }
0x9c: {  	_ =	strace s4  }
0x9d: {  	_ =	strace $0x8FFFFFFF  }
0x9e: {  	s19 =	sld [smem:$0x3FDB];
	_ =	sdelay $0x1  }
0x9f: {  	s5 =	simm.s32 $_scs_section_size  }
0xa0: {  	s6 =	simm.s32 $_size__tile_overlayer_lowered;
	s7 =	simm.s32 $_tile_overlayer_lowered  }
0xa1: {  	s22 =	simm.s32 $0x1BFF;
	s21 =	sshll.u32 s7, $0x1;
	s4 =	sadd.s32 s5, s19  }
0xa2: {  	s8 =	simm.s32 $0x0;
	s20 =	sshll.u32 s6, $0x1;
	s6 =	sadd.s32 s21, s4  }
0xa3: {  	[timem:s8], [sflag:s22] =	dma.local [hbm:s6], s20  }
0xa4: {  	_ =	swait.ge [sflag:s22], s20  }
0xa5: {  	s5 =	ssub.s32 $0x0, s20;
	[sflag:s22] =	ssyncset.done $0x0  }
0xa6: {  	[sflag:s22] =	ssyncadd.s32 s5;
	_ =	sdelay $0x1  }
0xa7: {  	s23 =	simm.s32 $0x1B8B  }
0xa8: {  	_ =	swait.ge [sflag:s23], $0x1  }
0xa9: {  	[sflag:s23] =	ssyncset.done $0x0  }
0xaa: {  	s25 =	simm.s32 $0x1B8E;
	s24 =	sld [smem:$0x3FFE];
	[sflag:s23] =	ssyncadd.s32 $0xFFFFFFFF  }
0xab: {  	s26 =	simm.s32 $execute0_lowered;
	[smem:$0x3FD2] =	sst s25  }
0xac: {  	s6 =	sshll.u32 s26, $0x1;
	_ =	strace $0x80000046;
	[dreg:$0x1] =	wrdreg $0xFFFFFFFF  }
0xad: {  	s28 =	simm.s32 $_size_execute0_lowered;
	s4 =	sadd.s32 s4, s6;
	[dreg:$0x0] =	wrdreg $0x0  }
0xae: {  	s6 =	sshll.u32 s28, $0x1;
	[dreg:$0x2] =	wrdreg s4  }
0xaf: {  	[dreg:$0x3] =	wrdreg s6  }
0xb0: {  	[dreg:$0x4] =	wrdreg $0xC0  }
0xb1: {  	_ =	task [dreg:s8], $0x5FFFF  }
0xb2: {  	[dreg:$0x1] =	wrdreg $0xFFFFFFFF  }
0xb3: {  	[dreg:$0x0] =	wrdreg $0x60  }
0xb4: {  	[dreg:$0x2] =	wrdreg s16  }
0xb5: {  	[dreg:$0x3] =	wrdreg s24  }
0xb6: {  	[dreg:$0x4] =	wrdreg s17  }
0xb7: {  	[dreg:$0x5] =	wrdreg $0x9  }
0xb8: {  	_ =	task.clear_ibuf [dreg:s8], $0x6FFFF;
	_ =	strace $0x90000046  }
0xb9: {  	s29 =	simm.s32 $0x9;
	_ =	strace $0x80000048  }
0xba: {  	_ =	swait.ge [sflag:s29], $0x1  }
0xbb: {  	[sflag:s29] =	ssyncadd.s32 $0xFFFFFFFF  }
0xbc: {  	_ =	strace $0x90000048  }
0xbd: {  	_ =	sfence  }
0xbe: {  	s30 =	sld [smem:$0x0];
	_ =	sdelay $0x2  }
0xbf: {  	s31 =	sshll.u32 s1, $0xD;
	s1 =	sshrl.u32 s1, $0x2  }
0xc0: {  	s3 =	sand.u32 $0x4000, s31;
	s1 =	sadd.s32 s1, s30  }
0xc1: {  	s0 =	sor.u32 s3, s0;
	s1 =	sshll.u32 s1, $0x11  }
0xc2: {  	s0 =	sor.u32 s1, s0  }
0xc3: {  	s0 =	sadd.s32 $0x8F2B, s0  }
0xc4: {  	[sflag:s0] =	ssyncadd.remote.s32 $0x1  }
0xc5: {  	_ =	sfence.sel $0xFFFF  }
0xc6: {  	[dreg:$0x0] =	wrdreg $0xFFFFFFFF;
	(pc) =	sbr.abs _section_cstart, $3  }
0xc7: {  	[dreg:$0x1] =	wrdreg $0xFFFFFFFF  }
0xc8: {  	_ =	task.clear_ibuf [dreg:s8], $0x2FFFF;
	_ =	strace $0x9FFFFFFF  }
0xc9: {  	(tm) =	ssettm $0x7FFFFFFF  }
tec
execute0_lowered:
.L_overlay_start_1:
0x0: {  	(tag) =	ssettag $0x1  }
0x1: {  	s1 =	rddreg [dreg:$0x0]  }
0x2: {  	s0 =	srdreg.scid;
	s2 =	rddreg [dreg:$0x1]  }
0x3: {  	s3 =	stileid.u32;
	s19 =	rddreg [dreg:$0x2];
	s23 =	simm.s32 $0x15  }
0x4: {  	s24 =	simm.s32 $0x1;
	s25 =	simm.s32 $0x2;
	s26 =	simm.s32 $0x15400  }
0x5: {  	s0 =	sand.u32 $0x1, s0;
	s4 =	sshll.u32 s3, $0x4;
	s3 =	simm.s32 $0x0  }
0x6: {  	s28 =	simm.s32 $0x0;
	s5 =	sshll.u32 s0, $0x3;
	[smem:$0x7FF] =	sst s3  }
0x7: {  	s0 =	ssub.s32 $0x2, s0;
	s15 =	sor.u32 s5, s4;
	_ =	strace $0x80000047  }
0x8: {  	s29 =	sshrl.u32 s0, $0x1;
	s4 =	sshll.u32 s15, $0x4;
	s6 =	smul.u32 $0x2A00, s15  }
0x9: {  	s8 =	sor.u32 $0x1, s15;
	s0 =	ssub.s32 s0, s29;
	s30 =	sshll.u32 s15, $0x9  }
0xa: {  	s10 =	sor.u32 $0x2, s15;
	s12 =	sor.u32 $0x3, s15;
	s7 =	smul.u32 $0x2A00, s8  }
0xb: {  	s14 =	sor.u32 $0x4, s15;
	s16 =	sor.u32 $0x5, s15;
	s9 =	smul.u32 $0x2A00, s10  }
0xc: {  	s18 =	sor.u32 $0x6, s15;
	s21 =	sor.u32 $0x7, s15;
	s11 =	smul.u32 $0x2A00, s12  }
0xd: {  	s4 =	sadd.s32 s4, s2;
	s2 =	sadd.s32 $0x1A00, s2;
	s13 =	smul.u32 $0x2A00, s14  }
0xe: {  	s8 =	sshll.u32 s8, $0x9;
	s10 =	sshll.u32 s10, $0x9;
	s17 =	smul.u32 $0x2A00, s16  }
0xf: {  	s12 =	sshll.u32 s12, $0x9;
	s14 =	sshll.u32 s14, $0x9;
	s20 =	smul.u32 $0x2A00, s18  }
0x10: {  	s16 =	sshll.u32 s16, $0x9;
	s22 =	smul.u32 $0x2A00, s21;
	s18 =	sshll.u32 s18, $0x9  }
0x11: {  	s31 =	sshll.u32 s21, $0x9;
	s21 =	smax.u32 s0, $0x1;
	s0 =	simm.s32 $0x380  }
0x12: {  	s4 =	sadd.s32 $0xA00, s4;
	s5 =	sadd.s32 s19, s6;
	s6 =	sadd.s32 s2, s30  }
0x13: {  	s8 =	sadd.s32 s2, s8;
	s10 =	sadd.s32 s2, s10;
	s12 =	sadd.s32 s2, s12  }
0x14: {  	s14 =	sadd.s32 s2, s14;
	s16 =	sadd.s32 s2, s16;
	s18 =	sadd.s32 s2, s18  }
0x15: {  	s7 =	sadd.s32 s19, s7;
	s9 =	sadd.s32 s19, s9;
	s11 =	sadd.s32 s19, s11  }
0x16: {  	s13 =	sadd.s32 s19, s13;
	s15 =	sadd.s32 s19, s17;
	s17 =	sadd.s32 s19, s20  }
0x17: {  	s19 =	sadd.s32 s19, s22;
	s20 =	sadd.s32 s2, s31;
	s22 =	simm.s32 $0x3  }
.LBB2_1:
0x18: {  	[tilespmem:s3], [sflag:$0x3] =	stream.linear.gather [hbm4b:s4+s3], $0x400, $0x38;
	[tilespmem:$0x16400] =	vst v63  }
0x19: {  	_ =	swait.ge [sflag:s22], $0x400  }
0x1a: {  	[sflag:s22] =	ssyncset.done $0x0  }
0x1b: {  	s2 =	simm.s32 $0x400;
	[sflag:s22] =	ssyncadd.s32 $0xFFFFFC00  }
0x1c: {  	[tilespmem:s2], [sflag:$0x1] =	stream.indirect.gather [hbm4b:s1+s23], $0x1000, s3, s23, $0xb8;
	[tilespmem:$0x16400] =	vst v63  }
0x1d: {  	_ =	swait.ge [sflag:s24], $0x15000  }
0x1e: {  	[sflag:s24] =	ssyncset.done $0x0  }
0x1f: {  	s29 =	sand.u32 $0xFF0, s3;
	[sflag:s24] =	ssyncadd.s32 $0xFFFEB000  }
0x20: {  	[hbm4b:s5+s3] =	stream.linear.scatter [tilespmem:s2], [sflag:$0x2], $0x15000, $0x38;
	[tilespmem:$0x16400] =	vst v63  }
0x21: {  	v0 =	vld [tilespmem:s29+$0x10400]  }
0x22: {  	v1 =	vld [tilespmem:s29+$0x11400]  }
0x23: {  	v2 =	vld [tilespmem:s29+$0x12400]  }
0x24: {  	v3 =	vld [tilespmem:s29+$0x13400]  }
0x25: {  	v4 =	vld [tilespmem:s29+$0x1400]  }
0x26: {  	v5 =	vld [tilespmem:s2+$0x0]  }
0x27: {  	v6 =	vld [tilespmem:s29+$0x2400]  }
0x28: {  	v7 =	vld [tilespmem:s29+$0x3400]  }
0x29: {  	v8 =	vld [tilespmem:s29+$0x4400]  }
0x2a: {  	v9 =	vld [tilespmem:s29+$0x5400]  }
0x2b: {  	v10 =	vld [tilespmem:s29+$0x6400]  }
0x2c: {  	v11 =	vld [tilespmem:s29+$0x7400]  }
0x2d: {  	v12 =	vld [tilespmem:s29+$0x8400]  }
0x2e: {  	v13 =	vld [tilespmem:s29+$0x9400]  }
0x2f: {  	v14 =	vld [tilespmem:s29+$0xA400]  }
0x30: {  	v15 =	vld [tilespmem:s29+$0xB400]  }
0x31: {  	v16 =	vld [tilespmem:s29+$0xC400]  }
0x32: {  	v17 =	vld [tilespmem:s29+$0xD400]  }
0x33: {  	v18 =	vld [tilespmem:s29+$0xE400]  }
0x34: {  	v19 =	vld [tilespmem:s29+$0xF400]  }
0x35: {  	v0 =	vadd.f32 v1, v0;
	v1 =	vadd.f32 v3, v2  }
0x36: {  	v2 =	vadd.f32 v4, v5;
	v3 =	vadd.f32 v7, v6  }
0x37: {  	v4 =	vadd.f32 v9, v8;
	v5 =	vadd.f32 v11, v10  }
0x38: {  	v6 =	vadd.f32 v13, v12;
	v7 =	vadd.f32 v15, v14  }
0x39: {  	v8 =	vadd.f32 v17, v16;
	v9 =	vadd.f32 v19, v18  }
0x3a: {  	v10 =	vld [tilespmem:s29+$0x14400];
	v2 =	vadd.f32 v3, v2;
	v3 =	vadd.f32 v5, v4  }
0x3b: {  	v4 =	vadd.f32 v7, v6;
	v5 =	vadd.f32 v9, v8  }
0x3c: {  	v0 =	vadd.f32 v1, v0  }
0x3d: {  	v1 =	vadd.f32 v3, v2;
	v2 =	vadd.f32 v5, v4;
	_ =	sdelay $0x1  }
0x3e: {  	v0 =	vadd.f32 v0, v10;
	v1 =	vadd.f32 v2, v1;
	_ =	sdelay $0x1  }
0x3f: {  	v0 =	vadd.f32 v0, v1  }
0x40: {  	s2 =	simm.s32 $0x10  }
0x41: {  	s31 =	sand.u32 $0xFF0, s2;
	[tilespmem:s26+$0x0] =	vst v0  }
0x42: {  	v0 =	vld [tilespmem:s31+$0x10400]  }
0x43: {  	v1 =	vld [tilespmem:s31+$0x11400]  }
0x44: {  	v2 =	vld [tilespmem:s31+$0x12400]  }
0x45: {  	v3 =	vld [tilespmem:s31+$0x13400]  }
0x46: {  	s30 =	simm.s32 $0x410;
	v4 =	vld [tilespmem:s31+$0x1400]  }
0x47: {  	v5 =	vld [tilespmem:s30+$0x0]  }
0x48: {  	v6 =	vld [tilespmem:s31+$0x2400]  }
0x49: {  	v7 =	vld [tilespmem:s31+$0x3400]  }
0x4a: {  	v8 =	vld [tilespmem:s31+$0x4400]  }
0x4b: {  	v9 =	vld [tilespmem:s31+$0x5400]  }
0x4c: {  	v10 =	vld [tilespmem:s31+$0x6400]  }
0x4d: {  	v11 =	vld [tilespmem:s31+$0x7400]  }
0x4e: {  	v12 =	vld [tilespmem:s31+$0x8400]  }
0x4f: {  	v13 =	vld [tilespmem:s31+$0x9400]  }
0x50: {  	v14 =	vld [tilespmem:s31+$0xA400]  }
0x51: {  	v15 =	vld [tilespmem:s31+$0xB400]  }
0x52: {  	v16 =	vld [tilespmem:s31+$0xC400]  }
0x53: {  	v17 =	vld [tilespmem:s31+$0xD400]  }
0x54: {  	s2 =	simm.s32 $0x20;
	s29 =	simm.s32 $0x15400;
	v18 =	vld [tilespmem:s31+$0xE400]  }
.LBB2_2:
0x55: {  	p0 =	sne.s32 s2, $0xFF0;
	v19 =	vld [tilespmem:s31+$0xF400]  }
0x56: {  	v0 =	vadd.f32 v1, v0;
	v1 =	vadd.f32 v3, v2  }
0x57: {  	v2 =	vadd.f32 v4, v5;
	v3 =	vadd.f32 v7, v6  }
0x58: {  	v4 =	vadd.f32 v9, v8;
	v5 =	vadd.f32 v11, v10  }
0x59: {  	v6 =	vadd.f32 v13, v12;
	v7 =	vadd.f32 v15, v14  }
0x5a: {  	v8 =	vadd.f32 v17, v16;
	v9 =	vadd.f32 v19, v18  }
0x5b: {  	v2 =	vadd.f32 v3, v2;
	v3 =	vadd.f32 v5, v4;
	v10 =	vld [tilespmem:s31+$0x14400]  }
0x5c: {  	v4 =	vadd.f32 v7, v6;
	v5 =	vadd.f32 v9, v8  }
0x5d: {  	v0 =	vadd.f32 v1, v0  }
0x5e: {  	v1 =	vadd.f32 v3, v2;
	v2 =	vadd.f32 v5, v4;
	_ =	sdelay $0x1  }
0x5f: {  	v0 =	vadd.f32 v0, v10;
	v1 =	vadd.f32 v2, v1;
	_ =	sdelay $0x1  }
0x60: {  	v0 =	vadd.f32 v0, v1  }
0x61: {  	s29 =	sadd.s32 $0x10, s29  }
0x62: {  	s31 =	sand.u32 $0xFF0, s2;
	[tilespmem:s29+$0x0] =	vst v0  }
0x63: {  	v0 =	vld [tilespmem:s31+$0x10400]  }
0x64: {  	v1 =	vld [tilespmem:s31+$0x11400]  }
0x65: {  	v2 =	vld [tilespmem:s31+$0x12400]  }
0x66: {  	v3 =	vld [tilespmem:s31+$0x13400]  }
0x67: {  	s30 =	sadd.s32 $0x10, s30;
	v4 =	vld [tilespmem:s31+$0x1400]  }
0x68: {  	v5 =	vld [tilespmem:s30+$0x0]  }
0x69: {  	v6 =	vld [tilespmem:s31+$0x2400]  }
0x6a: {  	v7 =	vld [tilespmem:s31+$0x3400]  }
0x6b: {  	v8 =	vld [tilespmem:s31+$0x4400]  }
0x6c: {  	v9 =	vld [tilespmem:s31+$0x5400]  }
0x6d: {  	v10 =	vld [tilespmem:s31+$0x6400]  }
0x6e: {  	v11 =	vld [tilespmem:s31+$0x7400]  }
0x6f: {  	v12 =	vld [tilespmem:s31+$0x8400]  }
0x70: {  	v13 =	vld [tilespmem:s31+$0x9400]  }
.Ltmp0:
0x71: {  	v14 =	vld [tilespmem:s31+$0xA400];
	(pc) =	sbr.rel @p0 .LBB2_2-.Ltmp0, $4  }
0x72: {  	v15 =	vld [tilespmem:s31+$0xB400]  }
0x73: {  	v16 =	vld [tilespmem:s31+$0xC400]  }
0x74: {  	v17 =	vld [tilespmem:s31+$0xD400]  }
0x75: {  	s2 =	sadd.s32 $0x10, s2;
	v18 =	vld [tilespmem:s31+$0xE400]  }
0x76: {  	v19 =	vld [tilespmem:s31+$0xF400]  }
0x77: {  	v0 =	vadd.f32 v1, v0;
	v1 =	vadd.f32 v3, v2  }
0x78: {  	v2 =	vadd.f32 v4, v5;
	v3 =	vadd.f32 v7, v6  }
0x79: {  	v4 =	vadd.f32 v9, v8;
	v5 =	vadd.f32 v11, v10  }
0x7a: {  	v6 =	vadd.f32 v13, v12;
	v7 =	vadd.f32 v15, v14  }
0x7b: {  	v8 =	vadd.f32 v17, v16;
	v9 =	vadd.f32 v19, v18  }
0x7c: {  	v10 =	vld [tilespmem:s31+$0x14400];
	v2 =	vadd.f32 v3, v2;
	v3 =	vadd.f32 v5, v4  }
0x7d: {  	v4 =	vadd.f32 v7, v6;
	v5 =	vadd.f32 v9, v8  }
0x7e: {  	v0 =	vadd.f32 v1, v0  }
0x7f: {  	v1 =	vadd.f32 v3, v2;
	v2 =	vadd.f32 v5, v4;
	_ =	sdelay $0x1  }
0x80: {  	v0 =	vadd.f32 v0, v10;
	v1 =	vadd.f32 v2, v1;
	_ =	sdelay $0x1  }
0x81: {  	v0 =	vadd.f32 v0, v1  }
0x82: {  	s2 =	sadd.s32 $0x10, s29  }
0x83: {  	s29 =	simm.s32 $0x15400;
	[tilespmem:s2+$0x0] =	vst v0;
	s2 =	simm.s32 $0x0  }
0x84: {  	[hbm4b:s6+s2] =	stream.linear.scatter [tilespmem:s29], [sflag:$0x2], $0x1000, $0x38;
	[tilespmem:$0x16400] =	vst v63  }
0x85: {  	_ =	swait.ge [sflag:s25], $0x15000  }
0x86: {  	[sflag:s25] =	ssyncset.done $0x0  }
0x87: {  	[sflag:s25] =	ssyncadd.s32 $0xFFFEB000  }
0x88: {  	_ =	swait.ge [sflag:s25], $0x1000  }
0x89: {  	[sflag:s25] =	ssyncset.done $0x0  }
0x8a: {  	s30 =	simm.s32 $0x400;
	s31 =	simm.s32 $0x80;
	[sflag:s25] =	ssyncadd.s32 $0xFFFFF000  }
0x8b: {  	[tilespmem:s30], [sflag:$0x1] =	stream.indirect.gather [hbm4b:s1+s23], $0x1000, s31, s23, $0xb8;
	[tilespmem:$0x16400] =	vst v63  }
0x8c: {  	_ =	swait.ge [sflag:s24], $0x15000  }
0x8d: {  	[sflag:s24] =	ssyncset.done $0x0  }
0x8e: {  	[sflag:s24] =	ssyncadd.s32 $0xFFFEB000  }
0x8f: {  	[hbm4b:s7+s2] =	stream.linear.scatter [tilespmem:s30], [sflag:$0x2], $0x15000, $0x38;
	[tilespmem:$0x16400] =	vst v63  }
0x90: {  	s2 =	sand.u32 $0xFF0, s2  }
0x91: {  	v0 =	vld [tilespmem:s2+$0x10400]  }
0x92: {  	v1 =	vld [tilespmem:s2+$0x11400]  }
0x93: {  	v2 =	vld [tilespmem:s2+$0x12400]  }
0x94: {  	v3 =	vld [tilespmem:s2+$0x13400]  }
0x95: {  	v4 =	vld [tilespmem:s2+$0x1400]  }
0x96: {  	v5 =	vld [tilespmem:s30+$0x0]  }
0x97: {  	v6 =	vld [tilespmem:s2+$0x2400]  }
0x98: {  	v7 =	vld [tilespmem:s2+$0x3400]  }
0x99: {  	v8 =	vld [tilespmem:s2+$0x4400]  }
0x9a: {  	v9 =	vld [tilespmem:s2+$0x5400]  }
0x9b: {  	v10 =	vld [tilespmem:s2+$0x6400]  }
0x9c: {  	v11 =	vld [tilespmem:s2+$0x7400]  }
0x9d: {  	v12 =	vld [tilespmem:s2+$0x8400]  }
0x9e: {  	v13 =	vld [tilespmem:s2+$0x9400]  }
0x9f: {  	v14 =	vld [tilespmem:s2+$0xA400]  }
0xa0: {  	v15 =	vld [tilespmem:s2+$0xB400]  }
0xa1: {  	v16 =	vld [tilespmem:s2+$0xC400]  }
0xa2: {  	v17 =	vld [tilespmem:s2+$0xD400]  }
0xa3: {  	v18 =	vld [tilespmem:s2+$0xE400]  }
0xa4: {  	v19 =	vld [tilespmem:s2+$0xF400]  }
0xa5: {  	v0 =	vadd.f32 v1, v0;
	v1 =	vadd.f32 v3, v2  }
0xa6: {  	v2 =	vadd.f32 v4, v5;
	v3 =	vadd.f32 v7, v6  }
0xa7: {  	v4 =	vadd.f32 v9, v8;
	v5 =	vadd.f32 v11, v10  }
0xa8: {  	v6 =	vadd.f32 v13, v12;
	v7 =	vadd.f32 v15, v14  }
0xa9: {  	v8 =	vadd.f32 v17, v16;
	v9 =	vadd.f32 v19, v18  }
0xaa: {  	v10 =	vld [tilespmem:s2+$0x14400];
	v2 =	vadd.f32 v3, v2;
	v3 =	vadd.f32 v5, v4  }
0xab: {  	v4 =	vadd.f32 v7, v6;
	v5 =	vadd.f32 v9, v8  }
0xac: {  	v0 =	vadd.f32 v1, v0  }
0xad: {  	v1 =	vadd.f32 v3, v2;
	v2 =	vadd.f32 v5, v4;
	_ =	sdelay $0x1  }
0xae: {  	v0 =	vadd.f32 v0, v10;
	v1 =	vadd.f32 v2, v1;
	_ =	sdelay $0x1  }
0xaf: {  	v0 =	vadd.f32 v0, v1  }
0xb0: {  	s2 =	simm.s32 $0x10  }
0xb1: {  	s31 =	sand.u32 $0xFF0, s2;
	[tilespmem:s29+$0x0] =	vst v0  }
0xb2: {  	v0 =	vld [tilespmem:s31+$0x10400]  }
0xb3: {  	v1 =	vld [tilespmem:s31+$0x11400]  }
0xb4: {  	v2 =	vld [tilespmem:s31+$0x12400]  }
0xb5: {  	v3 =	vld [tilespmem:s31+$0x13400]  }
0xb6: {  	s30 =	simm.s32 $0x410;
	v4 =	vld [tilespmem:s31+$0x1400]  }
0xb7: {  	v5 =	vld [tilespmem:s30+$0x0]  }
0xb8: {  	v6 =	vld [tilespmem:s31+$0x2400]  }
0xb9: {  	v7 =	vld [tilespmem:s31+$0x3400]  }
0xba: {  	v8 =	vld [tilespmem:s31+$0x4400]  }
0xbb: {  	v9 =	vld [tilespmem:s31+$0x5400]  }
0xbc: {  	v10 =	vld [tilespmem:s31+$0x6400]  }
0xbd: {  	v11 =	vld [tilespmem:s31+$0x7400]  }
0xbe: {  	v12 =	vld [tilespmem:s31+$0x8400]  }
0xbf: {  	v13 =	vld [tilespmem:s31+$0x9400]  }
0xc0: {  	v14 =	vld [tilespmem:s31+$0xA400]  }
0xc1: {  	v15 =	vld [tilespmem:s31+$0xB400]  }
0xc2: {  	v16 =	vld [tilespmem:s31+$0xC400]  }
0xc3: {  	v17 =	vld [tilespmem:s31+$0xD400]  }
0xc4: {  	s2 =	simm.s32 $0x20;
	v18 =	vld [tilespmem:s31+$0xE400]  }
.LBB2_4:
0xc5: {  	p0 =	sne.s32 s2, $0xFF0;
	v19 =	vld [tilespmem:s31+$0xF400]  }
0xc6: {  	v0 =	vadd.f32 v1, v0;
	v1 =	vadd.f32 v3, v2  }
0xc7: {  	v2 =	vadd.f32 v4, v5;
	v3 =	vadd.f32 v7, v6  }
0xc8: {  	v4 =	vadd.f32 v9, v8;
	v5 =	vadd.f32 v11, v10  }
0xc9: {  	v6 =	vadd.f32 v13, v12;
	v7 =	vadd.f32 v15, v14  }
0xca: {  	v8 =	vadd.f32 v17, v16;
	v9 =	vadd.f32 v19, v18  }
0xcb: {  	v2 =	vadd.f32 v3, v2;
	v3 =	vadd.f32 v5, v4;
	v10 =	vld [tilespmem:s31+$0x14400]  }
0xcc: {  	v4 =	vadd.f32 v7, v6;
	v5 =	vadd.f32 v9, v8  }
0xcd: {  	v0 =	vadd.f32 v1, v0  }
0xce: {  	v1 =	vadd.f32 v3, v2;
	v2 =	vadd.f32 v5, v4;
	_ =	sdelay $0x1  }
0xcf: {  	v0 =	vadd.f32 v0, v10;
	v1 =	vadd.f32 v2, v1;
	_ =	sdelay $0x1  }
0xd0: {  	v0 =	vadd.f32 v0, v1  }
0xd1: {  	s29 =	sadd.s32 $0x10, s29  }
0xd2: {  	s31 =	sand.u32 $0xFF0, s2;
	[tilespmem:s29+$0x0] =	vst v0  }
0xd3: {  	v0 =	vld [tilespmem:s31+$0x10400]  }
0xd4: {  	v1 =	vld [tilespmem:s31+$0x11400]  }
0xd5: {  	v2 =	vld [tilespmem:s31+$0x12400]  }
0xd6: {  	v3 =	vld [tilespmem:s31+$0x13400]  }
0xd7: {  	s30 =	sadd.s32 $0x10, s30;
	v4 =	vld [tilespmem:s31+$0x1400]  }
0xd8: {  	v5 =	vld [tilespmem:s30+$0x0]  }
0xd9: {  	v6 =	vld [tilespmem:s31+$0x2400]  }
0xda: {  	v7 =	vld [tilespmem:s31+$0x3400]  }
0xdb: {  	v8 =	vld [tilespmem:s31+$0x4400]  }
0xdc: {  	v9 =	vld [tilespmem:s31+$0x5400]  }
0xdd: {  	v10 =	vld [tilespmem:s31+$0x6400]  }
0xde: {  	v11 =	vld [tilespmem:s31+$0x7400]  }
0xdf: {  	v12 =	vld [tilespmem:s31+$0x8400]  }
0xe0: {  	v13 =	vld [tilespmem:s31+$0x9400]  }
.Ltmp1:
0xe1: {  	v14 =	vld [tilespmem:s31+$0xA400];
	(pc) =	sbr.rel @p0 .LBB2_4-.Ltmp1, $4  }
0xe2: {  	v15 =	vld [tilespmem:s31+$0xB400]  }
0xe3: {  	v16 =	vld [tilespmem:s31+$0xC400]  }
0xe4: {  	v17 =	vld [tilespmem:s31+$0xD400]  }
0xe5: {  	s2 =	sadd.s32 $0x10, s2;
	v18 =	vld [tilespmem:s31+$0xE400]  }
0xe6: {  	v19 =	vld [tilespmem:s31+$0xF400]  }
0xe7: {  	v0 =	vadd.f32 v1, v0;
	v1 =	vadd.f32 v3, v2  }
0xe8: {  	v2 =	vadd.f32 v4, v5;
	v3 =	vadd.f32 v7, v6  }
0xe9: {  	v4 =	vadd.f32 v9, v8;
	v5 =	vadd.f32 v11, v10  }
0xea: {  	v6 =	vadd.f32 v13, v12;
	v7 =	vadd.f32 v15, v14  }
0xeb: {  	v8 =	vadd.f32 v17, v16;
	v9 =	vadd.f32 v19, v18  }
0xec: {  	v10 =	vld [tilespmem:s31+$0x14400];
	v2 =	vadd.f32 v3, v2;
	v3 =	vadd.f32 v5, v4  }
0xed: {  	v4 =	vadd.f32 v7, v6;
	v5 =	vadd.f32 v9, v8  }
0xee: {  	v0 =	vadd.f32 v1, v0  }
0xef: {  	v1 =	vadd.f32 v3, v2;
	v2 =	vadd.f32 v5, v4;
	_ =	sdelay $0x1  }
0xf0: {  	v0 =	vadd.f32 v0, v10;
	v1 =	vadd.f32 v2, v1;
	_ =	sdelay $0x1  }
0xf1: {  	v0 =	vadd.f32 v0, v1  }
0xf2: {  	s2 =	sadd.s32 $0x10, s29  }
0xf3: {  	s29 =	simm.s32 $0x15400;
	[tilespmem:s2+$0x0] =	vst v0;
	s2 =	simm.s32 $0x0  }
0xf4: {  	[hbm4b:s8+s2] =	stream.linear.scatter [tilespmem:s29], [sflag:$0x2], $0x1000, $0x38;
	[tilespmem:$0x16400] =	vst v63  }
0xf5: {  	_ =	swait.ge [sflag:s25], $0x15000  }
0xf6: {  	[sflag:s25] =	ssyncset.done $0x0  }
0xf7: {  	[sflag:s25] =	ssyncadd.s32 $0xFFFEB000  }
0xf8: {  	_ =	swait.ge [sflag:s25], $0x1000  }
0xf9: {  	[sflag:s25] =	ssyncset.done $0x0  }
0xfa: {  	s30 =	simm.s32 $0x400;
	s31 =	simm.s32 $0x100;
	[sflag:s25] =	ssyncadd.s32 $0xFFFFF000  }
0xfb: {  	[tilespmem:s30], [sflag:$0x1] =	stream.indirect.gather [hbm4b:s1+s23], $0x1000, s31, s23, $0xb8;
	[tilespmem:$0x16400] =	vst v63  }
0xfc: {  	_ =	swait.ge [sflag:s24], $0x15000  }
0xfd: {  	[sflag:s24] =	ssyncset.done $0x0  }
0xfe: {  	[sflag:s24] =	ssyncadd.s32 $0xFFFEB000  }
0xff: {  	[hbm4b:s9+s2] =	stream.linear.scatter [tilespmem:s30], [sflag:$0x2], $0x15000, $0x38;
	[tilespmem:$0x16400] =	vst v63  }
0x100: {  	s2 =	sand.u32 $0xFF0, s2  }
0x101: {  	v0 =	vld [tilespmem:s2+$0x10400]  }
0x102: {  	v1 =	vld [tilespmem:s2+$0x11400]  }
0x103: {  	v2 =	vld [tilespmem:s2+$0x12400]  }
0x104: {  	v3 =	vld [tilespmem:s2+$0x13400]  }
0x105: {  	v4 =	vld [tilespmem:s2+$0x1400]  }
0x106: {  	v5 =	vld [tilespmem:s30+$0x0]  }
0x107: {  	v6 =	vld [tilespmem:s2+$0x2400]  }
0x108: {  	v7 =	vld [tilespmem:s2+$0x3400]  }
0x109: {  	v8 =	vld [tilespmem:s2+$0x4400]  }
0x10a: {  	v9 =	vld [tilespmem:s2+$0x5400]  }
0x10b: {  	v10 =	vld [tilespmem:s2+$0x6400]  }
0x10c: {  	v11 =	vld [tilespmem:s2+$0x7400]  }
0x10d: {  	v12 =	vld [tilespmem:s2+$0x8400]  }
0x10e: {  	v13 =	vld [tilespmem:s2+$0x9400]  }
0x10f: {  	v14 =	vld [tilespmem:s2+$0xA400]  }
0x110: {  	v15 =	vld [tilespmem:s2+$0xB400]  }
0x111: {  	v16 =	vld [tilespmem:s2+$0xC400]  }
0x112: {  	v17 =	vld [tilespmem:s2+$0xD400]  }
0x113: {  	v18 =	vld [tilespmem:s2+$0xE400]  }
0x114: {  	v19 =	vld [tilespmem:s2+$0xF400]  }
0x115: {  	v0 =	vadd.f32 v1, v0;
	v1 =	vadd.f32 v3, v2  }
0x116: {  	v2 =	vadd.f32 v4, v5;
	v3 =	vadd.f32 v7, v6  }
0x117: {  	v4 =	vadd.f32 v9, v8;
	v5 =	vadd.f32 v11, v10  }
0x118: {  	v6 =	vadd.f32 v13, v12;
	v7 =	vadd.f32 v15, v14  }
0x119: {  	v8 =	vadd.f32 v17, v16;
	v9 =	vadd.f32 v19, v18  }
0x11a: {  	v10 =	vld [tilespmem:s2+$0x14400];
	v2 =	vadd.f32 v3, v2;
	v3 =	vadd.f32 v5, v4  }
0x11b: {  	v4 =	vadd.f32 v7, v6;
	v5 =	vadd.f32 v9, v8  }
0x11c: {  	v0 =	vadd.f32 v1, v0  }
0x11d: {  	v1 =	vadd.f32 v3, v2;
	v2 =	vadd.f32 v5, v4;
	_ =	sdelay $0x1  }
0x11e: {  	v0 =	vadd.f32 v0, v10;
	v1 =	vadd.f32 v2, v1;
	_ =	sdelay $0x1  }
0x11f: {  	v0 =	vadd.f32 v0, v1  }
0x120: {  	s2 =	simm.s32 $0x10  }
0x121: {  	s31 =	sand.u32 $0xFF0, s2;
	[tilespmem:s29+$0x0] =	vst v0  }
0x122: {  	v0 =	vld [tilespmem:s31+$0x10400]  }
0x123: {  	v1 =	vld [tilespmem:s31+$0x11400]  }
0x124: {  	v2 =	vld [tilespmem:s31+$0x12400]  }
0x125: {  	v3 =	vld [tilespmem:s31+$0x13400]  }
0x126: {  	s30 =	simm.s32 $0x410;
	v4 =	vld [tilespmem:s31+$0x1400]  }
0x127: {  	v5 =	vld [tilespmem:s30+$0x0]  }
0x128: {  	v6 =	vld [tilespmem:s31+$0x2400]  }
0x129: {  	v7 =	vld [tilespmem:s31+$0x3400]  }
0x12a: {  	v8 =	vld [tilespmem:s31+$0x4400]  }
0x12b: {  	v9 =	vld [tilespmem:s31+$0x5400]  }
0x12c: {  	v10 =	vld [tilespmem:s31+$0x6400]  }
0x12d: {  	v11 =	vld [tilespmem:s31+$0x7400]  }
0x12e: {  	v12 =	vld [tilespmem:s31+$0x8400]  }
0x12f: {  	v13 =	vld [tilespmem:s31+$0x9400]  }
0x130: {  	v14 =	vld [tilespmem:s31+$0xA400]  }
0x131: {  	v15 =	vld [tilespmem:s31+$0xB400]  }
0x132: {  	v16 =	vld [tilespmem:s31+$0xC400]  }
0x133: {  	v17 =	vld [tilespmem:s31+$0xD400]  }
0x134: {  	s2 =	simm.s32 $0x20;
	v18 =	vld [tilespmem:s31+$0xE400]  }
.LBB2_6:
0x135: {  	p0 =	sne.s32 s2, $0xFF0;
	v19 =	vld [tilespmem:s31+$0xF400]  }
0x136: {  	v0 =	vadd.f32 v1, v0;
	v1 =	vadd.f32 v3, v2  }
0x137: {  	v2 =	vadd.f32 v4, v5;
	v3 =	vadd.f32 v7, v6  }
0x138: {  	v4 =	vadd.f32 v9, v8;
	v5 =	vadd.f32 v11, v10  }
0x139: {  	v6 =	vadd.f32 v13, v12;
	v7 =	vadd.f32 v15, v14  }
0x13a: {  	v8 =	vadd.f32 v17, v16;
	v9 =	vadd.f32 v19, v18  }
0x13b: {  	v2 =	vadd.f32 v3, v2;
	v3 =	vadd.f32 v5, v4;
	v10 =	vld [tilespmem:s31+$0x14400]  }
0x13c: {  	v4 =	vadd.f32 v7, v6;
	v5 =	vadd.f32 v9, v8  }
0x13d: {  	v0 =	vadd.f32 v1, v0  }
0x13e: {  	v1 =	vadd.f32 v3, v2;
	v2 =	vadd.f32 v5, v4;
	_ =	sdelay $0x1  }
0x13f: {  	v0 =	vadd.f32 v0, v10;
	v1 =	vadd.f32 v2, v1;
	_ =	sdelay $0x1  }
0x140: {  	v0 =	vadd.f32 v0, v1  }
0x141: {  	s29 =	sadd.s32 $0x10, s29  }
0x142: {  	s31 =	sand.u32 $0xFF0, s2;
	[tilespmem:s29+$0x0] =	vst v0  }
0x143: {  	v0 =	vld [tilespmem:s31+$0x10400]  }
0x144: {  	v1 =	vld [tilespmem:s31+$0x11400]  }
0x145: {  	v2 =	vld [tilespmem:s31+$0x12400]  }
0x146: {  	v3 =	vld [tilespmem:s31+$0x13400]  }
0x147: {  	s30 =	sadd.s32 $0x10, s30;
	v4 =	vld [tilespmem:s31+$0x1400]  }
0x148: {  	v5 =	vld [tilespmem:s30+$0x0]  }
0x149: {  	v6 =	vld [tilespmem:s31+$0x2400]  }
0x14a: {  	v7 =	vld [tilespmem:s31+$0x3400]  }
0x14b: {  	v8 =	vld [tilespmem:s31+$0x4400]  }
0x14c: {  	v9 =	vld [tilespmem:s31+$0x5400]  }
0x14d: {  	v10 =	vld [tilespmem:s31+$0x6400]  }
0x14e: {  	v11 =	vld [tilespmem:s31+$0x7400]  }
0x14f: {  	v12 =	vld [tilespmem:s31+$0x8400]  }
0x150: {  	v13 =	vld [tilespmem:s31+$0x9400]  }
.Ltmp2:
0x151: {  	v14 =	vld [tilespmem:s31+$0xA400];
	(pc) =	sbr.rel @p0 .LBB2_6-.Ltmp2, $4  }
0x152: {  	v15 =	vld [tilespmem:s31+$0xB400]  }
0x153: {  	v16 =	vld [tilespmem:s31+$0xC400]  }
0x154: {  	v17 =	vld [tilespmem:s31+$0xD400]  }
0x155: {  	s2 =	sadd.s32 $0x10, s2;
	v18 =	vld [tilespmem:s31+$0xE400]  }
0x156: {  	v19 =	vld [tilespmem:s31+$0xF400]  }
0x157: {  	v0 =	vadd.f32 v1, v0;
	v1 =	vadd.f32 v3, v2  }
0x158: {  	v2 =	vadd.f32 v4, v5;
	v3 =	vadd.f32 v7, v6  }
0x159: {  	v4 =	vadd.f32 v9, v8;
	v5 =	vadd.f32 v11, v10  }
0x15a: {  	v6 =	vadd.f32 v13, v12;
	v7 =	vadd.f32 v15, v14  }
0x15b: {  	v8 =	vadd.f32 v17, v16;
	v9 =	vadd.f32 v19, v18  }
0x15c: {  	v10 =	vld [tilespmem:s31+$0x14400];
	v2 =	vadd.f32 v3, v2;
	v3 =	vadd.f32 v5, v4  }
0x15d: {  	v4 =	vadd.f32 v7, v6;
	v5 =	vadd.f32 v9, v8  }
0x15e: {  	v0 =	vadd.f32 v1, v0  }
0x15f: {  	v1 =	vadd.f32 v3, v2;
	v2 =	vadd.f32 v5, v4;
	_ =	sdelay $0x1  }
0x160: {  	v0 =	vadd.f32 v0, v10;
	v1 =	vadd.f32 v2, v1;
	_ =	sdelay $0x1  }
0x161: {  	v0 =	vadd.f32 v0, v1  }
0x162: {  	s2 =	sadd.s32 $0x10, s29  }
0x163: {  	s29 =	simm.s32 $0x15400;
	[tilespmem:s2+$0x0] =	vst v0;
	s2 =	simm.s32 $0x0  }
0x164: {  	[hbm4b:s10+s2] =	stream.linear.scatter [tilespmem:s29], [sflag:$0x2], $0x1000, $0x38;
	[tilespmem:$0x16400] =	vst v63  }
0x165: {  	_ =	swait.ge [sflag:s25], $0x15000  }
0x166: {  	[sflag:s25] =	ssyncset.done $0x0  }
0x167: {  	[sflag:s25] =	ssyncadd.s32 $0xFFFEB000  }
0x168: {  	_ =	swait.ge [sflag:s25], $0x1000  }
0x169: {  	[sflag:s25] =	ssyncset.done $0x0  }
0x16a: {  	s30 =	simm.s32 $0x400;
	s31 =	simm.s32 $0x180;
	[sflag:s25] =	ssyncadd.s32 $0xFFFFF000  }
0x16b: {  	[tilespmem:s30], [sflag:$0x1] =	stream.indirect.gather [hbm4b:s1+s23], $0x1000, s31, s23, $0xb8;
	[tilespmem:$0x16400] =	vst v63  }
0x16c: {  	_ =	swait.ge [sflag:s24], $0x15000  }
0x16d: {  	[sflag:s24] =	ssyncset.done $0x0  }
0x16e: {  	[sflag:s24] =	ssyncadd.s32 $0xFFFEB000  }
0x16f: {  	[hbm4b:s11+s2] =	stream.linear.scatter [tilespmem:s30], [sflag:$0x2], $0x15000, $0x38;
	[tilespmem:$0x16400] =	vst v63  }
0x170: {  	s2 =	sand.u32 $0xFF0, s2  }
0x171: {  	v0 =	vld [tilespmem:s2+$0x10400]  }
0x172: {  	v1 =	vld [tilespmem:s2+$0x11400]  }
0x173: {  	v2 =	vld [tilespmem:s2+$0x12400]  }
0x174: {  	v3 =	vld [tilespmem:s2+$0x13400]  }
0x175: {  	v4 =	vld [tilespmem:s2+$0x1400]  }
0x176: {  	v5 =	vld [tilespmem:s30+$0x0]  }
0x177: {  	v6 =	vld [tilespmem:s2+$0x2400]  }
0x178: {  	v7 =	vld [tilespmem:s2+$0x3400]  }
0x179: {  	v8 =	vld [tilespmem:s2+$0x4400]  }
0x17a: {  	v9 =	vld [tilespmem:s2+$0x5400]  }
0x17b: {  	v10 =	vld [tilespmem:s2+$0x6400]  }
0x17c: {  	v11 =	vld [tilespmem:s2+$0x7400]  }
0x17d: {  	v12 =	vld [tilespmem:s2+$0x8400]  }
0x17e: {  	v13 =	vld [tilespmem:s2+$0x9400]  }
0x17f: {  	v14 =	vld [tilespmem:s2+$0xA400]  }
0x180: {  	v15 =	vld [tilespmem:s2+$0xB400]  }
0x181: {  	v16 =	vld [tilespmem:s2+$0xC400]  }
0x182: {  	v17 =	vld [tilespmem:s2+$0xD400]  }
0x183: {  	v18 =	vld [tilespmem:s2+$0xE400]  }
0x184: {  	v19 =	vld [tilespmem:s2+$0xF400]  }
0x185: {  	v0 =	vadd.f32 v1, v0;
	v1 =	vadd.f32 v3, v2  }
0x186: {  	v2 =	vadd.f32 v4, v5;
	v3 =	vadd.f32 v7, v6  }
0x187: {  	v4 =	vadd.f32 v9, v8;
	v5 =	vadd.f32 v11, v10  }
0x188: {  	v6 =	vadd.f32 v13, v12;
	v7 =	vadd.f32 v15, v14  }
0x189: {  	v8 =	vadd.f32 v17, v16;
	v9 =	vadd.f32 v19, v18  }
0x18a: {  	v10 =	vld [tilespmem:s2+$0x14400];
	v2 =	vadd.f32 v3, v2;
	v3 =	vadd.f32 v5, v4  }
0x18b: {  	v4 =	vadd.f32 v7, v6;
	v5 =	vadd.f32 v9, v8  }
0x18c: {  	v0 =	vadd.f32 v1, v0  }
0x18d: {  	v1 =	vadd.f32 v3, v2;
	v2 =	vadd.f32 v5, v4;
	_ =	sdelay $0x1  }
0x18e: {  	v0 =	vadd.f32 v0, v10;
	v1 =	vadd.f32 v2, v1;
	_ =	sdelay $0x1  }
0x18f: {  	v0 =	vadd.f32 v0, v1  }
0x190: {  	s2 =	simm.s32 $0x10  }
0x191: {  	s31 =	sand.u32 $0xFF0, s2;
	[tilespmem:s29+$0x0] =	vst v0  }
0x192: {  	v0 =	vld [tilespmem:s31+$0x10400]  }
0x193: {  	v1 =	vld [tilespmem:s31+$0x11400]  }
0x194: {  	v2 =	vld [tilespmem:s31+$0x12400]  }
0x195: {  	v3 =	vld [tilespmem:s31+$0x13400]  }
0x196: {  	s30 =	simm.s32 $0x410;
	v4 =	vld [tilespmem:s31+$0x1400]  }
0x197: {  	v5 =	vld [tilespmem:s30+$0x0]  }
0x198: {  	v6 =	vld [tilespmem:s31+$0x2400]  }
0x199: {  	v7 =	vld [tilespmem:s31+$0x3400]  }
0x19a: {  	v8 =	vld [tilespmem:s31+$0x4400]  }
0x19b: {  	v9 =	vld [tilespmem:s31+$0x5400]  }
0x19c: {  	v10 =	vld [tilespmem:s31+$0x6400]  }
0x19d: {  	v11 =	vld [tilespmem:s31+$0x7400]  }
0x19e: {  	v12 =	vld [tilespmem:s31+$0x8400]  }
0x19f: {  	v13 =	vld [tilespmem:s31+$0x9400]  }
0x1a0: {  	v14 =	vld [tilespmem:s31+$0xA400]  }
0x1a1: {  	v15 =	vld [tilespmem:s31+$0xB400]  }
0x1a2: {  	v16 =	vld [tilespmem:s31+$0xC400]  }
0x1a3: {  	v17 =	vld [tilespmem:s31+$0xD400]  }
0x1a4: {  	s2 =	simm.s32 $0x20;
	v18 =	vld [tilespmem:s31+$0xE400]  }
.LBB2_8:
0x1a5: {  	p0 =	sne.s32 s2, $0xFF0;
	v19 =	vld [tilespmem:s31+$0xF400]  }
0x1a6: {  	v0 =	vadd.f32 v1, v0;
	v1 =	vadd.f32 v3, v2  }
0x1a7: {  	v2 =	vadd.f32 v4, v5;
	v3 =	vadd.f32 v7, v6  }
0x1a8: {  	v4 =	vadd.f32 v9, v8;
	v5 =	vadd.f32 v11, v10  }
0x1a9: {  	v6 =	vadd.f32 v13, v12;
	v7 =	vadd.f32 v15, v14  }
0x1aa: {  	v8 =	vadd.f32 v17, v16;
	v9 =	vadd.f32 v19, v18  }
0x1ab: {  	v2 =	vadd.f32 v3, v2;
	v3 =	vadd.f32 v5, v4;
	v10 =	vld [tilespmem:s31+$0x14400]  }
0x1ac: {  	v4 =	vadd.f32 v7, v6;
	v5 =	vadd.f32 v9, v8  }
0x1ad: {  	v0 =	vadd.f32 v1, v0  }
0x1ae: {  	v1 =	vadd.f32 v3, v2;
	v2 =	vadd.f32 v5, v4;
	_ =	sdelay $0x1  }
0x1af: {  	v0 =	vadd.f32 v0, v10;
	v1 =	vadd.f32 v2, v1;
	_ =	sdelay $0x1  }
0x1b0: {  	v0 =	vadd.f32 v0, v1  }
0x1b1: {  	s29 =	sadd.s32 $0x10, s29  }
0x1b2: {  	s31 =	sand.u32 $0xFF0, s2;
	[tilespmem:s29+$0x0] =	vst v0  }
0x1b3: {  	v0 =	vld [tilespmem:s31+$0x10400]  }
0x1b4: {  	v1 =	vld [tilespmem:s31+$0x11400]  }
0x1b5: {  	v2 =	vld [tilespmem:s31+$0x12400]  }
0x1b6: {  	v3 =	vld [tilespmem:s31+$0x13400]  }
0x1b7: {  	s30 =	sadd.s32 $0x10, s30;
	v4 =	vld [tilespmem:s31+$0x1400]  }
0x1b8: {  	v5 =	vld [tilespmem:s30+$0x0]  }
0x1b9: {  	v6 =	vld [tilespmem:s31+$0x2400]  }
0x1ba: {  	v7 =	vld [tilespmem:s31+$0x3400]  }
0x1bb: {  	v8 =	vld [tilespmem:s31+$0x4400]  }
0x1bc: {  	v9 =	vld [tilespmem:s31+$0x5400]  }
0x1bd: {  	v10 =	vld [tilespmem:s31+$0x6400]  }
0x1be: {  	v11 =	vld [tilespmem:s31+$0x7400]  }
0x1bf: {  	v12 =	vld [tilespmem:s31+$0x8400]  }
0x1c0: {  	v13 =	vld [tilespmem:s31+$0x9400]  }
.Ltmp3:
0x1c1: {  	v14 =	vld [tilespmem:s31+$0xA400];
	(pc) =	sbr.rel @p0 .LBB2_8-.Ltmp3, $4  }
0x1c2: {  	v15 =	vld [tilespmem:s31+$0xB400]  }
0x1c3: {  	v16 =	vld [tilespmem:s31+$0xC400]  }
0x1c4: {  	v17 =	vld [tilespmem:s31+$0xD400]  }
0x1c5: {  	s2 =	sadd.s32 $0x10, s2;
	v18 =	vld [tilespmem:s31+$0xE400]  }
0x1c6: {  	v19 =	vld [tilespmem:s31+$0xF400]  }
0x1c7: {  	v0 =	vadd.f32 v1, v0;
	v1 =	vadd.f32 v3, v2  }
0x1c8: {  	v2 =	vadd.f32 v4, v5;
	v3 =	vadd.f32 v7, v6  }
0x1c9: {  	v4 =	vadd.f32 v9, v8;
	v5 =	vadd.f32 v11, v10  }
0x1ca: {  	v6 =	vadd.f32 v13, v12;
	v7 =	vadd.f32 v15, v14  }
0x1cb: {  	v8 =	vadd.f32 v17, v16;
	v9 =	vadd.f32 v19, v18  }
0x1cc: {  	v10 =	vld [tilespmem:s31+$0x14400];
	v2 =	vadd.f32 v3, v2;
	v3 =	vadd.f32 v5, v4  }
0x1cd: {  	v4 =	vadd.f32 v7, v6;
	v5 =	vadd.f32 v9, v8  }
0x1ce: {  	v0 =	vadd.f32 v1, v0  }
0x1cf: {  	v1 =	vadd.f32 v3, v2;
	v2 =	vadd.f32 v5, v4;
	_ =	sdelay $0x1  }
0x1d0: {  	v0 =	vadd.f32 v0, v10;
	v1 =	vadd.f32 v2, v1;
	_ =	sdelay $0x1  }
0x1d1: {  	v0 =	vadd.f32 v0, v1  }
0x1d2: {  	s2 =	sadd.s32 $0x10, s29  }
0x1d3: {  	s29 =	simm.s32 $0x15400;
	[tilespmem:s2+$0x0] =	vst v0;
	s2 =	simm.s32 $0x0  }
0x1d4: {  	[hbm4b:s12+s2] =	stream.linear.scatter [tilespmem:s29], [sflag:$0x2], $0x1000, $0x38;
	[tilespmem:$0x16400] =	vst v63  }
0x1d5: {  	_ =	swait.ge [sflag:s25], $0x15000  }
0x1d6: {  	[sflag:s25] =	ssyncset.done $0x0  }
0x1d7: {  	[sflag:s25] =	ssyncadd.s32 $0xFFFEB000  }
0x1d8: {  	_ =	swait.ge [sflag:s25], $0x1000  }
0x1d9: {  	[sflag:s25] =	ssyncset.done $0x0  }
0x1da: {  	s30 =	simm.s32 $0x400;
	s31 =	simm.s32 $0x200;
	[sflag:s25] =	ssyncadd.s32 $0xFFFFF000  }
0x1db: {  	[tilespmem:s30], [sflag:$0x1] =	stream.indirect.gather [hbm4b:s1+s23], $0x1000, s31, s23, $0xb8;
	[tilespmem:$0x16400] =	vst v63  }
0x1dc: {  	_ =	swait.ge [sflag:s24], $0x15000  }
0x1dd: {  	[sflag:s24] =	ssyncset.done $0x0  }
0x1de: {  	[sflag:s24] =	ssyncadd.s32 $0xFFFEB000  }
0x1df: {  	[hbm4b:s13+s2] =	stream.linear.scatter [tilespmem:s30], [sflag:$0x2], $0x15000, $0x38;
	[tilespmem:$0x16400] =	vst v63  }
0x1e0: {  	s2 =	sand.u32 $0xFF0, s2  }
0x1e1: {  	v0 =	vld [tilespmem:s2+$0x10400]  }
0x1e2: {  	v1 =	vld [tilespmem:s2+$0x11400]  }
0x1e3: {  	v2 =	vld [tilespmem:s2+$0x12400]  }
0x1e4: {  	v3 =	vld [tilespmem:s2+$0x13400]  }
0x1e5: {  	v4 =	vld [tilespmem:s2+$0x1400]  }
0x1e6: {  	v5 =	vld [tilespmem:s30+$0x0]  }
0x1e7: {  	v6 =	vld [tilespmem:s2+$0x2400]  }
0x1e8: {  	v7 =	vld [tilespmem:s2+$0x3400]  }
0x1e9: {  	v8 =	vld [tilespmem:s2+$0x4400]  }
0x1ea: {  	v9 =	vld [tilespmem:s2+$0x5400]  }
0x1eb: {  	v10 =	vld [tilespmem:s2+$0x6400]  }
0x1ec: {  	v11 =	vld [tilespmem:s2+$0x7400]  }
0x1ed: {  	v12 =	vld [tilespmem:s2+$0x8400]  }
0x1ee: {  	v13 =	vld [tilespmem:s2+$0x9400]  }
0x1ef: {  	v14 =	vld [tilespmem:s2+$0xA400]  }
0x1f0: {  	v15 =	vld [tilespmem:s2+$0xB400]  }
0x1f1: {  	v16 =	vld [tilespmem:s2+$0xC400]  }
0x1f2: {  	v17 =	vld [tilespmem:s2+$0xD400]  }
0x1f3: {  	v18 =	vld [tilespmem:s2+$0xE400]  }
0x1f4: {  	v19 =	vld [tilespmem:s2+$0xF400]  }
0x1f5: {  	v0 =	vadd.f32 v1, v0;
	v1 =	vadd.f32 v3, v2  }
0x1f6: {  	v2 =	vadd.f32 v4, v5;
	v3 =	vadd.f32 v7, v6  }
0x1f7: {  	v4 =	vadd.f32 v9, v8;
	v5 =	vadd.f32 v11, v10  }
0x1f8: {  	v6 =	vadd.f32 v13, v12;
	v7 =	vadd.f32 v15, v14  }
0x1f9: {  	v8 =	vadd.f32 v17, v16;
	v9 =	vadd.f32 v19, v18  }
0x1fa: {  	v10 =	vld [tilespmem:s2+$0x14400];
	v2 =	vadd.f32 v3, v2;
	v3 =	vadd.f32 v5, v4  }
0x1fb: {  	v4 =	vadd.f32 v7, v6;
	v5 =	vadd.f32 v9, v8  }
0x1fc: {  	v0 =	vadd.f32 v1, v0  }
0x1fd: {  	v1 =	vadd.f32 v3, v2;
	v2 =	vadd.f32 v5, v4;
	_ =	sdelay $0x1  }
0x1fe: {  	v0 =	vadd.f32 v0, v10;
	v1 =	vadd.f32 v2, v1;
	_ =	sdelay $0x1  }
0x1ff: {  	v0 =	vadd.f32 v0, v1  }
0x200: {  	s2 =	simm.s32 $0x10  }
0x201: {  	s31 =	sand.u32 $0xFF0, s2;
	[tilespmem:s29+$0x0] =	vst v0  }
0x202: {  	v0 =	vld [tilespmem:s31+$0x10400]  }
0x203: {  	v1 =	vld [tilespmem:s31+$0x11400]  }
0x204: {  	v2 =	vld [tilespmem:s31+$0x12400]  }
0x205: {  	v3 =	vld [tilespmem:s31+$0x13400]  }
0x206: {  	s30 =	simm.s32 $0x410;
	v4 =	vld [tilespmem:s31+$0x1400]  }
0x207: {  	v5 =	vld [tilespmem:s30+$0x0]  }
0x208: {  	v6 =	vld [tilespmem:s31+$0x2400]  }
0x209: {  	v7 =	vld [tilespmem:s31+$0x3400]  }
0x20a: {  	v8 =	vld [tilespmem:s31+$0x4400]  }
0x20b: {  	v9 =	vld [tilespmem:s31+$0x5400]  }
0x20c: {  	v10 =	vld [tilespmem:s31+$0x6400]  }
0x20d: {  	v11 =	vld [tilespmem:s31+$0x7400]  }
0x20e: {  	v12 =	vld [tilespmem:s31+$0x8400]  }
0x20f: {  	v13 =	vld [tilespmem:s31+$0x9400]  }
0x210: {  	v14 =	vld [tilespmem:s31+$0xA400]  }
0x211: {  	v15 =	vld [tilespmem:s31+$0xB400]  }
0x212: {  	v16 =	vld [tilespmem:s31+$0xC400]  }
0x213: {  	v17 =	vld [tilespmem:s31+$0xD400]  }
0x214: {  	s2 =	simm.s32 $0x20;
	v18 =	vld [tilespmem:s31+$0xE400]  }
.LBB2_10:
0x215: {  	p0 =	sne.s32 s2, $0xFF0;
	v19 =	vld [tilespmem:s31+$0xF400]  }
0x216: {  	v0 =	vadd.f32 v1, v0;
	v1 =	vadd.f32 v3, v2  }
0x217: {  	v2 =	vadd.f32 v4, v5;
	v3 =	vadd.f32 v7, v6  }
0x218: {  	v4 =	vadd.f32 v9, v8;
	v5 =	vadd.f32 v11, v10  }
0x219: {  	v6 =	vadd.f32 v13, v12;
	v7 =	vadd.f32 v15, v14  }
0x21a: {  	v8 =	vadd.f32 v17, v16;
	v9 =	vadd.f32 v19, v18  }
0x21b: {  	v2 =	vadd.f32 v3, v2;
	v3 =	vadd.f32 v5, v4;
	v10 =	vld [tilespmem:s31+$0x14400]  }
0x21c: {  	v4 =	vadd.f32 v7, v6;
	v5 =	vadd.f32 v9, v8  }
0x21d: {  	v0 =	vadd.f32 v1, v0  }
0x21e: {  	v1 =	vadd.f32 v3, v2;
	v2 =	vadd.f32 v5, v4;
	_ =	sdelay $0x1  }
0x21f: {  	v0 =	vadd.f32 v0, v10;
	v1 =	vadd.f32 v2, v1;
	_ =	sdelay $0x1  }
0x220: {  	v0 =	vadd.f32 v0, v1  }
0x221: {  	s29 =	sadd.s32 $0x10, s29  }
0x222: {  	s31 =	sand.u32 $0xFF0, s2;
	[tilespmem:s29+$0x0] =	vst v0  }
0x223: {  	v0 =	vld [tilespmem:s31+$0x10400]  }
0x224: {  	v1 =	vld [tilespmem:s31+$0x11400]  }
0x225: {  	v2 =	vld [tilespmem:s31+$0x12400]  }
0x226: {  	v3 =	vld [tilespmem:s31+$0x13400]  }
0x227: {  	s30 =	sadd.s32 $0x10, s30;
	v4 =	vld [tilespmem:s31+$0x1400]  }
0x228: {  	v5 =	vld [tilespmem:s30+$0x0]  }
0x229: {  	v6 =	vld [tilespmem:s31+$0x2400]  }
0x22a: {  	v7 =	vld [tilespmem:s31+$0x3400]  }
0x22b: {  	v8 =	vld [tilespmem:s31+$0x4400]  }
0x22c: {  	v9 =	vld [tilespmem:s31+$0x5400]  }
0x22d: {  	v10 =	vld [tilespmem:s31+$0x6400]  }
0x22e: {  	v11 =	vld [tilespmem:s31+$0x7400]  }
0x22f: {  	v12 =	vld [tilespmem:s31+$0x8400]  }
0x230: {  	v13 =	vld [tilespmem:s31+$0x9400]  }
.Ltmp4:
0x231: {  	v14 =	vld [tilespmem:s31+$0xA400];
	(pc) =	sbr.rel @p0 .LBB2_10-.Ltmp4, $4  }
0x232: {  	v15 =	vld [tilespmem:s31+$0xB400]  }
0x233: {  	v16 =	vld [tilespmem:s31+$0xC400]  }
0x234: {  	v17 =	vld [tilespmem:s31+$0xD400]  }
0x235: {  	s2 =	sadd.s32 $0x10, s2;
	v18 =	vld [tilespmem:s31+$0xE400]  }
0x236: {  	v19 =	vld [tilespmem:s31+$0xF400]  }
0x237: {  	v0 =	vadd.f32 v1, v0;
	v1 =	vadd.f32 v3, v2  }
0x238: {  	v2 =	vadd.f32 v4, v5;
	v3 =	vadd.f32 v7, v6  }
0x239: {  	v4 =	vadd.f32 v9, v8;
	v5 =	vadd.f32 v11, v10  }
0x23a: {  	v6 =	vadd.f32 v13, v12;
	v7 =	vadd.f32 v15, v14  }
0x23b: {  	v8 =	vadd.f32 v17, v16;
	v9 =	vadd.f32 v19, v18  }
0x23c: {  	v10 =	vld [tilespmem:s31+$0x14400];
	v2 =	vadd.f32 v3, v2;
	v3 =	vadd.f32 v5, v4  }
0x23d: {  	v4 =	vadd.f32 v7, v6;
	v5 =	vadd.f32 v9, v8  }
0x23e: {  	v0 =	vadd.f32 v1, v0  }
0x23f: {  	v1 =	vadd.f32 v3, v2;
	v2 =	vadd.f32 v5, v4;
	_ =	sdelay $0x1  }
0x240: {  	v0 =	vadd.f32 v0, v10;
	v1 =	vadd.f32 v2, v1;
	_ =	sdelay $0x1  }
0x241: {  	v0 =	vadd.f32 v0, v1  }
0x242: {  	s2 =	sadd.s32 $0x10, s29  }
0x243: {  	s29 =	simm.s32 $0x15400;
	[tilespmem:s2+$0x0] =	vst v0;
	s2 =	simm.s32 $0x0  }
0x244: {  	[hbm4b:s14+s2] =	stream.linear.scatter [tilespmem:s29], [sflag:$0x2], $0x1000, $0x38;
	[tilespmem:$0x16400] =	vst v63  }
0x245: {  	_ =	swait.ge [sflag:s25], $0x15000  }
0x246: {  	[sflag:s25] =	ssyncset.done $0x0  }
0x247: {  	[sflag:s25] =	ssyncadd.s32 $0xFFFEB000  }
0x248: {  	_ =	swait.ge [sflag:s25], $0x1000  }
0x249: {  	[sflag:s25] =	ssyncset.done $0x0  }
0x24a: {  	s30 =	simm.s32 $0x400;
	s31 =	simm.s32 $0x280;
	[sflag:s25] =	ssyncadd.s32 $0xFFFFF000  }
0x24b: {  	[tilespmem:s30], [sflag:$0x1] =	stream.indirect.gather [hbm4b:s1+s23], $0x1000, s31, s23, $0xb8;
	[tilespmem:$0x16400] =	vst v63  }
0x24c: {  	_ =	swait.ge [sflag:s24], $0x15000  }
0x24d: {  	[sflag:s24] =	ssyncset.done $0x0  }
0x24e: {  	[sflag:s24] =	ssyncadd.s32 $0xFFFEB000  }
0x24f: {  	[hbm4b:s15+s2] =	stream.linear.scatter [tilespmem:s30], [sflag:$0x2], $0x15000, $0x38;
	[tilespmem:$0x16400] =	vst v63  }
0x250: {  	s2 =	sand.u32 $0xFF0, s2  }
0x251: {  	v0 =	vld [tilespmem:s2+$0x10400]  }
0x252: {  	v1 =	vld [tilespmem:s2+$0x11400]  }
0x253: {  	v2 =	vld [tilespmem:s2+$0x12400]  }
0x254: {  	v3 =	vld [tilespmem:s2+$0x13400]  }
0x255: {  	v4 =	vld [tilespmem:s2+$0x1400]  }
0x256: {  	v5 =	vld [tilespmem:s30+$0x0]  }
0x257: {  	v6 =	vld [tilespmem:s2+$0x2400]  }
0x258: {  	v7 =	vld [tilespmem:s2+$0x3400]  }
0x259: {  	v8 =	vld [tilespmem:s2+$0x4400]  }
0x25a: {  	v9 =	vld [tilespmem:s2+$0x5400]  }
0x25b: {  	v10 =	vld [tilespmem:s2+$0x6400]  }
0x25c: {  	v11 =	vld [tilespmem:s2+$0x7400]  }
0x25d: {  	v12 =	vld [tilespmem:s2+$0x8400]  }
0x25e: {  	v13 =	vld [tilespmem:s2+$0x9400]  }
0x25f: {  	v14 =	vld [tilespmem:s2+$0xA400]  }
0x260: {  	v15 =	vld [tilespmem:s2+$0xB400]  }
0x261: {  	v16 =	vld [tilespmem:s2+$0xC400]  }
0x262: {  	v17 =	vld [tilespmem:s2+$0xD400]  }
0x263: {  	v18 =	vld [tilespmem:s2+$0xE400]  }
0x264: {  	v19 =	vld [tilespmem:s2+$0xF400]  }
0x265: {  	v0 =	vadd.f32 v1, v0;
	v1 =	vadd.f32 v3, v2  }
0x266: {  	v2 =	vadd.f32 v4, v5;
	v3 =	vadd.f32 v7, v6  }
0x267: {  	v4 =	vadd.f32 v9, v8;
	v5 =	vadd.f32 v11, v10  }
0x268: {  	v6 =	vadd.f32 v13, v12;
	v7 =	vadd.f32 v15, v14  }
0x269: {  	v8 =	vadd.f32 v17, v16;
	v9 =	vadd.f32 v19, v18  }
0x26a: {  	v10 =	vld [tilespmem:s2+$0x14400];
	v2 =	vadd.f32 v3, v2;
	v3 =	vadd.f32 v5, v4  }
0x26b: {  	v4 =	vadd.f32 v7, v6;
	v5 =	vadd.f32 v9, v8  }
0x26c: {  	v0 =	vadd.f32 v1, v0  }
0x26d: {  	v1 =	vadd.f32 v3, v2;
	v2 =	vadd.f32 v5, v4;
	_ =	sdelay $0x1  }
0x26e: {  	v0 =	vadd.f32 v0, v10;
	v1 =	vadd.f32 v2, v1;
	_ =	sdelay $0x1  }
0x26f: {  	v0 =	vadd.f32 v0, v1  }
0x270: {  	s2 =	simm.s32 $0x10  }
0x271: {  	s31 =	sand.u32 $0xFF0, s2;
	[tilespmem:s29+$0x0] =	vst v0  }
0x272: {  	v0 =	vld [tilespmem:s31+$0x10400]  }
0x273: {  	v1 =	vld [tilespmem:s31+$0x11400]  }
0x274: {  	v2 =	vld [tilespmem:s31+$0x12400]  }
0x275: {  	v3 =	vld [tilespmem:s31+$0x13400]  }
0x276: {  	s30 =	simm.s32 $0x410;
	v4 =	vld [tilespmem:s31+$0x1400]  }
0x277: {  	v5 =	vld [tilespmem:s30+$0x0]  }
0x278: {  	v6 =	vld [tilespmem:s31+$0x2400]  }
0x279: {  	v7 =	vld [tilespmem:s31+$0x3400]  }
0x27a: {  	v8 =	vld [tilespmem:s31+$0x4400]  }
0x27b: {  	v9 =	vld [tilespmem:s31+$0x5400]  }
0x27c: {  	v10 =	vld [tilespmem:s31+$0x6400]  }
0x27d: {  	v11 =	vld [tilespmem:s31+$0x7400]  }
0x27e: {  	v12 =	vld [tilespmem:s31+$0x8400]  }
0x27f: {  	v13 =	vld [tilespmem:s31+$0x9400]  }
0x280: {  	v14 =	vld [tilespmem:s31+$0xA400]  }
0x281: {  	v15 =	vld [tilespmem:s31+$0xB400]  }
0x282: {  	v16 =	vld [tilespmem:s31+$0xC400]  }
0x283: {  	v17 =	vld [tilespmem:s31+$0xD400]  }
0x284: {  	s2 =	simm.s32 $0x20;
	v18 =	vld [tilespmem:s31+$0xE400]  }
.LBB2_12:
0x285: {  	p0 =	sne.s32 s2, $0xFF0;
	v19 =	vld [tilespmem:s31+$0xF400]  }
0x286: {  	v0 =	vadd.f32 v1, v0;
	v1 =	vadd.f32 v3, v2  }
0x287: {  	v2 =	vadd.f32 v4, v5;
	v3 =	vadd.f32 v7, v6  }
0x288: {  	v4 =	vadd.f32 v9, v8;
	v5 =	vadd.f32 v11, v10  }
0x289: {  	v6 =	vadd.f32 v13, v12;
	v7 =	vadd.f32 v15, v14  }
0x28a: {  	v8 =	vadd.f32 v17, v16;
	v9 =	vadd.f32 v19, v18  }
0x28b: {  	v2 =	vadd.f32 v3, v2;
	v3 =	vadd.f32 v5, v4;
	v10 =	vld [tilespmem:s31+$0x14400]  }
0x28c: {  	v4 =	vadd.f32 v7, v6;
	v5 =	vadd.f32 v9, v8  }
0x28d: {  	v0 =	vadd.f32 v1, v0  }
0x28e: {  	v1 =	vadd.f32 v3, v2;
	v2 =	vadd.f32 v5, v4;
	_ =	sdelay $0x1  }
0x28f: {  	v0 =	vadd.f32 v0, v10;
	v1 =	vadd.f32 v2, v1;
	_ =	sdelay $0x1  }
0x290: {  	v0 =	vadd.f32 v0, v1  }
0x291: {  	s29 =	sadd.s32 $0x10, s29  }
0x292: {  	s31 =	sand.u32 $0xFF0, s2;
	[tilespmem:s29+$0x0] =	vst v0  }
0x293: {  	v0 =	vld [tilespmem:s31+$0x10400]  }
0x294: {  	v1 =	vld [tilespmem:s31+$0x11400]  }
0x295: {  	v2 =	vld [tilespmem:s31+$0x12400]  }
0x296: {  	v3 =	vld [tilespmem:s31+$0x13400]  }
0x297: {  	s30 =	sadd.s32 $0x10, s30;
	v4 =	vld [tilespmem:s31+$0x1400]  }
0x298: {  	v5 =	vld [tilespmem:s30+$0x0]  }
0x299: {  	v6 =	vld [tilespmem:s31+$0x2400]  }
0x29a: {  	v7 =	vld [tilespmem:s31+$0x3400]  }
0x29b: {  	v8 =	vld [tilespmem:s31+$0x4400]  }
0x29c: {  	v9 =	vld [tilespmem:s31+$0x5400]  }
0x29d: {  	v10 =	vld [tilespmem:s31+$0x6400]  }
0x29e: {  	v11 =	vld [tilespmem:s31+$0x7400]  }
0x29f: {  	v12 =	vld [tilespmem:s31+$0x8400]  }
0x2a0: {  	v13 =	vld [tilespmem:s31+$0x9400]  }
.Ltmp5:
0x2a1: {  	v14 =	vld [tilespmem:s31+$0xA400];
	(pc) =	sbr.rel @p0 .LBB2_12-.Ltmp5, $4  }
0x2a2: {  	v15 =	vld [tilespmem:s31+$0xB400]  }
0x2a3: {  	v16 =	vld [tilespmem:s31+$0xC400]  }
0x2a4: {  	v17 =	vld [tilespmem:s31+$0xD400]  }
0x2a5: {  	s2 =	sadd.s32 $0x10, s2;
	v18 =	vld [tilespmem:s31+$0xE400]  }
0x2a6: {  	v19 =	vld [tilespmem:s31+$0xF400]  }
0x2a7: {  	v0 =	vadd.f32 v1, v0;
	v1 =	vadd.f32 v3, v2  }
0x2a8: {  	v2 =	vadd.f32 v4, v5;
	v3 =	vadd.f32 v7, v6  }
0x2a9: {  	v4 =	vadd.f32 v9, v8;
	v5 =	vadd.f32 v11, v10  }
0x2aa: {  	v6 =	vadd.f32 v13, v12;
	v7 =	vadd.f32 v15, v14  }
0x2ab: {  	v8 =	vadd.f32 v17, v16;
	v9 =	vadd.f32 v19, v18  }
0x2ac: {  	v10 =	vld [tilespmem:s31+$0x14400];
	v2 =	vadd.f32 v3, v2;
	v3 =	vadd.f32 v5, v4  }
0x2ad: {  	v4 =	vadd.f32 v7, v6;
	v5 =	vadd.f32 v9, v8  }
0x2ae: {  	v0 =	vadd.f32 v1, v0  }
0x2af: {  	v1 =	vadd.f32 v3, v2;
	v2 =	vadd.f32 v5, v4;
	_ =	sdelay $0x1  }
0x2b0: {  	v0 =	vadd.f32 v0, v10;
	v1 =	vadd.f32 v2, v1;
	_ =	sdelay $0x1  }
0x2b1: {  	v0 =	vadd.f32 v0, v1  }
0x2b2: {  	s2 =	sadd.s32 $0x10, s29  }
0x2b3: {  	s29 =	simm.s32 $0x15400;
	[tilespmem:s2+$0x0] =	vst v0;
	s2 =	simm.s32 $0x0  }
0x2b4: {  	[hbm4b:s16+s2] =	stream.linear.scatter [tilespmem:s29], [sflag:$0x2], $0x1000, $0x38;
	[tilespmem:$0x16400] =	vst v63  }
0x2b5: {  	_ =	swait.ge [sflag:s25], $0x15000  }
0x2b6: {  	[sflag:s25] =	ssyncset.done $0x0  }
0x2b7: {  	[sflag:s25] =	ssyncadd.s32 $0xFFFEB000  }
0x2b8: {  	_ =	swait.ge [sflag:s25], $0x1000  }
0x2b9: {  	[sflag:s25] =	ssyncset.done $0x0  }
0x2ba: {  	s30 =	simm.s32 $0x400;
	s31 =	simm.s32 $0x300;
	[sflag:s25] =	ssyncadd.s32 $0xFFFFF000  }
0x2bb: {  	[tilespmem:s30], [sflag:$0x1] =	stream.indirect.gather [hbm4b:s1+s23], $0x1000, s31, s23, $0xb8;
	[tilespmem:$0x16400] =	vst v63  }
0x2bc: {  	_ =	swait.ge [sflag:s24], $0x15000  }
0x2bd: {  	[sflag:s24] =	ssyncset.done $0x0  }
0x2be: {  	[sflag:s24] =	ssyncadd.s32 $0xFFFEB000  }
0x2bf: {  	[hbm4b:s17+s2] =	stream.linear.scatter [tilespmem:s30], [sflag:$0x2], $0x15000, $0x38;
	[tilespmem:$0x16400] =	vst v63  }
0x2c0: {  	s2 =	sand.u32 $0xFF0, s2  }
0x2c1: {  	v0 =	vld [tilespmem:s2+$0x10400]  }
0x2c2: {  	v1 =	vld [tilespmem:s2+$0x11400]  }
0x2c3: {  	v2 =	vld [tilespmem:s2+$0x12400]  }
0x2c4: {  	v3 =	vld [tilespmem:s2+$0x13400]  }
0x2c5: {  	v4 =	vld [tilespmem:s2+$0x1400]  }
0x2c6: {  	v5 =	vld [tilespmem:s30+$0x0]  }
0x2c7: {  	v6 =	vld [tilespmem:s2+$0x2400]  }
0x2c8: {  	v7 =	vld [tilespmem:s2+$0x3400]  }
0x2c9: {  	v8 =	vld [tilespmem:s2+$0x4400]  }
0x2ca: {  	v9 =	vld [tilespmem:s2+$0x5400]  }
0x2cb: {  	v10 =	vld [tilespmem:s2+$0x6400]  }
0x2cc: {  	v11 =	vld [tilespmem:s2+$0x7400]  }
0x2cd: {  	v12 =	vld [tilespmem:s2+$0x8400]  }
0x2ce: {  	v13 =	vld [tilespmem:s2+$0x9400]  }
0x2cf: {  	v14 =	vld [tilespmem:s2+$0xA400]  }
0x2d0: {  	v15 =	vld [tilespmem:s2+$0xB400]  }
0x2d1: {  	v16 =	vld [tilespmem:s2+$0xC400]  }
0x2d2: {  	v17 =	vld [tilespmem:s2+$0xD400]  }
0x2d3: {  	v18 =	vld [tilespmem:s2+$0xE400]  }
0x2d4: {  	v19 =	vld [tilespmem:s2+$0xF400]  }
0x2d5: {  	v0 =	vadd.f32 v1, v0;
	v1 =	vadd.f32 v3, v2  }
0x2d6: {  	v2 =	vadd.f32 v4, v5;
	v3 =	vadd.f32 v7, v6  }
0x2d7: {  	v4 =	vadd.f32 v9, v8;
	v5 =	vadd.f32 v11, v10  }
0x2d8: {  	v6 =	vadd.f32 v13, v12;
	v7 =	vadd.f32 v15, v14  }
0x2d9: {  	v8 =	vadd.f32 v17, v16;
	v9 =	vadd.f32 v19, v18  }
0x2da: {  	v10 =	vld [tilespmem:s2+$0x14400];
	v2 =	vadd.f32 v3, v2;
	v3 =	vadd.f32 v5, v4  }
0x2db: {  	v4 =	vadd.f32 v7, v6;
	v5 =	vadd.f32 v9, v8  }
0x2dc: {  	v0 =	vadd.f32 v1, v0  }
0x2dd: {  	v1 =	vadd.f32 v3, v2;
	v2 =	vadd.f32 v5, v4;
	_ =	sdelay $0x1  }
0x2de: {  	v0 =	vadd.f32 v0, v10;
	v1 =	vadd.f32 v2, v1;
	_ =	sdelay $0x1  }
0x2df: {  	v0 =	vadd.f32 v0, v1  }
0x2e0: {  	s2 =	simm.s32 $0x10  }
0x2e1: {  	s31 =	sand.u32 $0xFF0, s2;
	[tilespmem:s29+$0x0] =	vst v0  }
0x2e2: {  	v0 =	vld [tilespmem:s31+$0x10400]  }
0x2e3: {  	v1 =	vld [tilespmem:s31+$0x11400]  }
0x2e4: {  	v2 =	vld [tilespmem:s31+$0x12400]  }
0x2e5: {  	v3 =	vld [tilespmem:s31+$0x13400]  }
0x2e6: {  	s30 =	simm.s32 $0x410;
	v4 =	vld [tilespmem:s31+$0x1400]  }
0x2e7: {  	v5 =	vld [tilespmem:s30+$0x0]  }
0x2e8: {  	v6 =	vld [tilespmem:s31+$0x2400]  }
0x2e9: {  	v7 =	vld [tilespmem:s31+$0x3400]  }
0x2ea: {  	v8 =	vld [tilespmem:s31+$0x4400]  }
0x2eb: {  	v9 =	vld [tilespmem:s31+$0x5400]  }
0x2ec: {  	v10 =	vld [tilespmem:s31+$0x6400]  }
0x2ed: {  	v11 =	vld [tilespmem:s31+$0x7400]  }
0x2ee: {  	v12 =	vld [tilespmem:s31+$0x8400]  }
0x2ef: {  	v13 =	vld [tilespmem:s31+$0x9400]  }
0x2f0: {  	v14 =	vld [tilespmem:s31+$0xA400]  }
0x2f1: {  	v15 =	vld [tilespmem:s31+$0xB400]  }
0x2f2: {  	v16 =	vld [tilespmem:s31+$0xC400]  }
0x2f3: {  	v17 =	vld [tilespmem:s31+$0xD400]  }
0x2f4: {  	s2 =	simm.s32 $0x20;
	v18 =	vld [tilespmem:s31+$0xE400]  }
.LBB2_14:
0x2f5: {  	p0 =	sne.s32 s2, $0xFF0;
	v19 =	vld [tilespmem:s31+$0xF400]  }
0x2f6: {  	v0 =	vadd.f32 v1, v0;
	v1 =	vadd.f32 v3, v2  }
0x2f7: {  	v2 =	vadd.f32 v4, v5;
	v3 =	vadd.f32 v7, v6  }
0x2f8: {  	v4 =	vadd.f32 v9, v8;
	v5 =	vadd.f32 v11, v10  }
0x2f9: {  	v6 =	vadd.f32 v13, v12;
	v7 =	vadd.f32 v15, v14  }
0x2fa: {  	v8 =	vadd.f32 v17, v16;
	v9 =	vadd.f32 v19, v18  }
0x2fb: {  	v2 =	vadd.f32 v3, v2;
	v3 =	vadd.f32 v5, v4;
	v10 =	vld [tilespmem:s31+$0x14400]  }
0x2fc: {  	v4 =	vadd.f32 v7, v6;
	v5 =	vadd.f32 v9, v8  }
0x2fd: {  	v0 =	vadd.f32 v1, v0  }
0x2fe: {  	v1 =	vadd.f32 v3, v2;
	v2 =	vadd.f32 v5, v4;
	_ =	sdelay $0x1  }
0x2ff: {  	v0 =	vadd.f32 v0, v10;
	v1 =	vadd.f32 v2, v1;
	_ =	sdelay $0x1  }
0x300: {  	v0 =	vadd.f32 v0, v1  }
0x301: {  	s29 =	sadd.s32 $0x10, s29  }
0x302: {  	s31 =	sand.u32 $0xFF0, s2;
	[tilespmem:s29+$0x0] =	vst v0  }
0x303: {  	v0 =	vld [tilespmem:s31+$0x10400]  }
0x304: {  	v1 =	vld [tilespmem:s31+$0x11400]  }
0x305: {  	v2 =	vld [tilespmem:s31+$0x12400]  }
0x306: {  	v3 =	vld [tilespmem:s31+$0x13400]  }
0x307: {  	s30 =	sadd.s32 $0x10, s30;
	v4 =	vld [tilespmem:s31+$0x1400]  }
0x308: {  	v5 =	vld [tilespmem:s30+$0x0]  }
0x309: {  	v6 =	vld [tilespmem:s31+$0x2400]  }
0x30a: {  	v7 =	vld [tilespmem:s31+$0x3400]  }
0x30b: {  	v8 =	vld [tilespmem:s31+$0x4400]  }
0x30c: {  	v9 =	vld [tilespmem:s31+$0x5400]  }
0x30d: {  	v10 =	vld [tilespmem:s31+$0x6400]  }
0x30e: {  	v11 =	vld [tilespmem:s31+$0x7400]  }
0x30f: {  	v12 =	vld [tilespmem:s31+$0x8400]  }
0x310: {  	v13 =	vld [tilespmem:s31+$0x9400]  }
.Ltmp6:
0x311: {  	v14 =	vld [tilespmem:s31+$0xA400];
	(pc) =	sbr.rel @p0 .LBB2_14-.Ltmp6, $4  }
0x312: {  	v15 =	vld [tilespmem:s31+$0xB400]  }
0x313: {  	v16 =	vld [tilespmem:s31+$0xC400]  }
0x314: {  	v17 =	vld [tilespmem:s31+$0xD400]  }
0x315: {  	s2 =	sadd.s32 $0x10, s2;
	v18 =	vld [tilespmem:s31+$0xE400]  }
0x316: {  	v19 =	vld [tilespmem:s31+$0xF400]  }
0x317: {  	v0 =	vadd.f32 v1, v0;
	v1 =	vadd.f32 v3, v2  }
0x318: {  	v2 =	vadd.f32 v4, v5;
	v3 =	vadd.f32 v7, v6  }
0x319: {  	v4 =	vadd.f32 v9, v8;
	v5 =	vadd.f32 v11, v10  }
0x31a: {  	v6 =	vadd.f32 v13, v12;
	v7 =	vadd.f32 v15, v14  }
0x31b: {  	v8 =	vadd.f32 v17, v16;
	v9 =	vadd.f32 v19, v18  }
0x31c: {  	v10 =	vld [tilespmem:s31+$0x14400];
	v2 =	vadd.f32 v3, v2;
	v3 =	vadd.f32 v5, v4  }
0x31d: {  	v4 =	vadd.f32 v7, v6;
	v5 =	vadd.f32 v9, v8  }
0x31e: {  	v0 =	vadd.f32 v1, v0  }
0x31f: {  	v1 =	vadd.f32 v3, v2;
	v2 =	vadd.f32 v5, v4;
	_ =	sdelay $0x1  }
0x320: {  	v0 =	vadd.f32 v0, v10;
	v1 =	vadd.f32 v2, v1;
	_ =	sdelay $0x1  }
0x321: {  	v0 =	vadd.f32 v0, v1  }
0x322: {  	s2 =	sadd.s32 $0x10, s29  }
0x323: {  	s29 =	simm.s32 $0x15400;
	[tilespmem:s2+$0x0] =	vst v0;
	s2 =	simm.s32 $0x0  }
0x324: {  	[hbm4b:s18+s2] =	stream.linear.scatter [tilespmem:s29], [sflag:$0x2], $0x1000, $0x38;
	[tilespmem:$0x16400] =	vst v63  }
0x325: {  	_ =	swait.ge [sflag:s25], $0x15000  }
0x326: {  	[sflag:s25] =	ssyncset.done $0x0  }
0x327: {  	[sflag:s25] =	ssyncadd.s32 $0xFFFEB000  }
0x328: {  	_ =	swait.ge [sflag:s25], $0x1000  }
0x329: {  	[sflag:s25] =	ssyncset.done $0x0  }
0x32a: {  	s30 =	simm.s32 $0x400;
	[sflag:s25] =	ssyncadd.s32 $0xFFFFF000  }
0x32b: {  	[tilespmem:s30], [sflag:$0x1] =	stream.indirect.gather [hbm4b:s1+s23], $0x1000, s0, s23, $0xb8;
	[tilespmem:$0x16400] =	vst v63  }
0x32c: {  	_ =	swait.ge [sflag:s24], $0x15000  }
0x32d: {  	[sflag:s24] =	ssyncset.done $0x0  }
0x32e: {  	[sflag:s24] =	ssyncadd.s32 $0xFFFEB000  }
0x32f: {  	[hbm4b:s19+s2] =	stream.linear.scatter [tilespmem:s30], [sflag:$0x2], $0x15000, $0x38;
	[tilespmem:$0x16400] =	vst v63  }
0x330: {  	s2 =	sand.u32 $0xFF0, s2  }
0x331: {  	v0 =	vld [tilespmem:s2+$0x10400]  }
0x332: {  	v1 =	vld [tilespmem:s2+$0x11400]  }
0x333: {  	v2 =	vld [tilespmem:s2+$0x12400]  }
0x334: {  	v3 =	vld [tilespmem:s2+$0x13400]  }
0x335: {  	v4 =	vld [tilespmem:s2+$0x1400]  }
0x336: {  	v5 =	vld [tilespmem:s30+$0x0]  }
0x337: {  	v6 =	vld [tilespmem:s2+$0x2400]  }
0x338: {  	v7 =	vld [tilespmem:s2+$0x3400]  }
0x339: {  	v8 =	vld [tilespmem:s2+$0x4400]  }
0x33a: {  	v9 =	vld [tilespmem:s2+$0x5400]  }
0x33b: {  	v10 =	vld [tilespmem:s2+$0x6400]  }
0x33c: {  	v11 =	vld [tilespmem:s2+$0x7400]  }
0x33d: {  	v12 =	vld [tilespmem:s2+$0x8400]  }
0x33e: {  	v13 =	vld [tilespmem:s2+$0x9400]  }
0x33f: {  	v14 =	vld [tilespmem:s2+$0xA400]  }
0x340: {  	v15 =	vld [tilespmem:s2+$0xB400]  }
0x341: {  	v16 =	vld [tilespmem:s2+$0xC400]  }
0x342: {  	v17 =	vld [tilespmem:s2+$0xD400]  }
0x343: {  	v18 =	vld [tilespmem:s2+$0xE400]  }
0x344: {  	v19 =	vld [tilespmem:s2+$0xF400]  }
0x345: {  	v0 =	vadd.f32 v1, v0;
	v1 =	vadd.f32 v3, v2  }
0x346: {  	v2 =	vadd.f32 v4, v5;
	v3 =	vadd.f32 v7, v6  }
0x347: {  	v4 =	vadd.f32 v9, v8;
	v5 =	vadd.f32 v11, v10  }
0x348: {  	v6 =	vadd.f32 v13, v12;
	v7 =	vadd.f32 v15, v14  }
0x349: {  	v8 =	vadd.f32 v17, v16;
	v9 =	vadd.f32 v19, v18  }
0x34a: {  	v10 =	vld [tilespmem:s2+$0x14400];
	v2 =	vadd.f32 v3, v2;
	v3 =	vadd.f32 v5, v4  }
0x34b: {  	v4 =	vadd.f32 v7, v6;
	v5 =	vadd.f32 v9, v8  }
0x34c: {  	v0 =	vadd.f32 v1, v0  }
0x34d: {  	v1 =	vadd.f32 v3, v2;
	v2 =	vadd.f32 v5, v4;
	_ =	sdelay $0x1  }
0x34e: {  	v0 =	vadd.f32 v0, v10;
	v1 =	vadd.f32 v2, v1;
	_ =	sdelay $0x1  }
0x34f: {  	v0 =	vadd.f32 v0, v1  }
0x350: {  	s2 =	simm.s32 $0x10  }
0x351: {  	s31 =	sand.u32 $0xFF0, s2;
	[tilespmem:s29+$0x0] =	vst v0  }
0x352: {  	v0 =	vld [tilespmem:s31+$0x10400]  }
0x353: {  	v1 =	vld [tilespmem:s31+$0x11400]  }
0x354: {  	v2 =	vld [tilespmem:s31+$0x12400]  }
0x355: {  	v3 =	vld [tilespmem:s31+$0x13400]  }
0x356: {  	s30 =	simm.s32 $0x410;
	v4 =	vld [tilespmem:s31+$0x1400]  }
0x357: {  	v5 =	vld [tilespmem:s30+$0x0]  }
0x358: {  	v6 =	vld [tilespmem:s31+$0x2400]  }
0x359: {  	v7 =	vld [tilespmem:s31+$0x3400]  }
0x35a: {  	v8 =	vld [tilespmem:s31+$0x4400]  }
0x35b: {  	v9 =	vld [tilespmem:s31+$0x5400]  }
0x35c: {  	v10 =	vld [tilespmem:s31+$0x6400]  }
0x35d: {  	v11 =	vld [tilespmem:s31+$0x7400]  }
0x35e: {  	v12 =	vld [tilespmem:s31+$0x8400]  }
0x35f: {  	v13 =	vld [tilespmem:s31+$0x9400]  }
0x360: {  	v14 =	vld [tilespmem:s31+$0xA400]  }
0x361: {  	v15 =	vld [tilespmem:s31+$0xB400]  }
0x362: {  	v16 =	vld [tilespmem:s31+$0xC400]  }
0x363: {  	v17 =	vld [tilespmem:s31+$0xD400]  }
0x364: {  	s2 =	simm.s32 $0x20;
	v18 =	vld [tilespmem:s31+$0xE400]  }
.LBB2_16:
0x365: {  	p0 =	sne.s32 s2, $0xFF0;
	v19 =	vld [tilespmem:s31+$0xF400]  }
0x366: {  	v0 =	vadd.f32 v1, v0;
	v1 =	vadd.f32 v3, v2  }
0x367: {  	v2 =	vadd.f32 v4, v5;
	v3 =	vadd.f32 v7, v6  }
0x368: {  	v4 =	vadd.f32 v9, v8;
	v5 =	vadd.f32 v11, v10  }
0x369: {  	v6 =	vadd.f32 v13, v12;
	v7 =	vadd.f32 v15, v14  }
0x36a: {  	v8 =	vadd.f32 v17, v16;
	v9 =	vadd.f32 v19, v18  }
0x36b: {  	v2 =	vadd.f32 v3, v2;
	v3 =	vadd.f32 v5, v4;
	v10 =	vld [tilespmem:s31+$0x14400]  }
0x36c: {  	v4 =	vadd.f32 v7, v6;
	v5 =	vadd.f32 v9, v8  }
0x36d: {  	v0 =	vadd.f32 v1, v0  }
0x36e: {  	v1 =	vadd.f32 v3, v2;
	v2 =	vadd.f32 v5, v4;
	_ =	sdelay $0x1  }
0x36f: {  	v0 =	vadd.f32 v0, v10;
	v1 =	vadd.f32 v2, v1;
	_ =	sdelay $0x1  }
0x370: {  	v0 =	vadd.f32 v0, v1  }
0x371: {  	s29 =	sadd.s32 $0x10, s29  }
0x372: {  	s31 =	sand.u32 $0xFF0, s2;
	[tilespmem:s29+$0x0] =	vst v0  }
0x373: {  	v0 =	vld [tilespmem:s31+$0x10400]  }
0x374: {  	v1 =	vld [tilespmem:s31+$0x11400]  }
0x375: {  	v2 =	vld [tilespmem:s31+$0x12400]  }
0x376: {  	v3 =	vld [tilespmem:s31+$0x13400]  }
0x377: {  	s30 =	sadd.s32 $0x10, s30;
	v4 =	vld [tilespmem:s31+$0x1400]  }
0x378: {  	v5 =	vld [tilespmem:s30+$0x0]  }
0x379: {  	v6 =	vld [tilespmem:s31+$0x2400]  }
0x37a: {  	v7 =	vld [tilespmem:s31+$0x3400]  }
0x37b: {  	v8 =	vld [tilespmem:s31+$0x4400]  }
0x37c: {  	v9 =	vld [tilespmem:s31+$0x5400]  }
0x37d: {  	v10 =	vld [tilespmem:s31+$0x6400]  }
0x37e: {  	v11 =	vld [tilespmem:s31+$0x7400]  }
0x37f: {  	v12 =	vld [tilespmem:s31+$0x8400]  }
0x380: {  	v13 =	vld [tilespmem:s31+$0x9400]  }
.Ltmp7:
0x381: {  	v14 =	vld [tilespmem:s31+$0xA400];
	(pc) =	sbr.rel @p0 .LBB2_16-.Ltmp7, $4  }
0x382: {  	v15 =	vld [tilespmem:s31+$0xB400]  }
0x383: {  	v16 =	vld [tilespmem:s31+$0xC400]  }
0x384: {  	v17 =	vld [tilespmem:s31+$0xD400]  }
0x385: {  	s2 =	sadd.s32 $0x10, s2;
	v18 =	vld [tilespmem:s31+$0xE400]  }
0x386: {  	v19 =	vld [tilespmem:s31+$0xF400]  }
0x387: {  	v0 =	vadd.f32 v1, v0;
	v49 =	vadd.f32 v3, v2  }
0x388: {  	v50 =	vadd.f32 v4, v5;
	v51 =	vadd.f32 v7, v6  }
0x389: {  	v52 =	vadd.f32 v9, v8;
	v53 =	vadd.f32 v11, v10  }
0x38a: {  	v54 =	vadd.f32 v13, v12;
	v55 =	vadd.f32 v15, v14  }
0x38b: {  	v56 =	vadd.f32 v17, v16;
	v57 =	vadd.f32 v19, v18  }
0x38c: {  	v58 =	vld [tilespmem:s31+$0x14400];
	v2 =	vadd.f32 v51, v50;
	v59 =	vadd.f32 v53, v52  }
0x38d: {  	v60 =	vadd.f32 v55, v54;
	v61 =	vadd.f32 v57, v56  }
0x38e: {  	v0 =	vadd.f32 v49, v0  }
0x38f: {  	v62 =	vadd.f32 v59, v2;
	v63 =	vadd.f32 v61, v60;
	_ =	sdelay $0x1  }
0x390: {  	v0 =	vadd.f32 v0, v58;
	v1 =	vadd.f32 v63, v62;
	_ =	sdelay $0x1  }
0x391: {  	v0 =	vadd.f32 v0, v1  }
0x392: {  	s2 =	sadd.s32 $0x10, s29  }
0x393: {  	s28 =	sadd.s32 $0x1, s28;
	[tilespmem:s2+$0x0] =	vst v0  }
0x394: {  	[hbm4b:s20+s3] =	stream.linear.scatter [tilespmem:s26], [sflag:$0x2], $0x1000, $0x38;
	[tilespmem:$0x16400] =	vst v63  }
0x395: {  	p0 =	sne.s32 s28, s21;
	_ =	swait.ge [sflag:s25], $0x15000  }
.Ltmp8:
0x396: {  	[sflag:s25] =	ssyncset.done $0x0;
	(pc) =	sbr.rel @p0 .LBB2_1-.Ltmp8, $4  }
0x397: {  	[sflag:s25] =	ssyncadd.s32 $0xFFFEB000  }
0x398: {  	_ =	swait.ge [sflag:s25], $0x1000  }
0x399: {  	[sflag:s25] =	ssyncset.done $0x0  }
0x39a: {  	[sflag:s25] =	ssyncadd.s32 $0xFFFFF000  }
0x39b: {  	_ =	sfence.sel $0x180000  }
0x39c: {  	[bflag:$0x0] =	sbarrier.arrive $0xFFFF  }
0x39d: {  	_ =	strace $0x90000047  }
0x39e: {  	s0 =	stileid.u32;
	[bflag:$0x2] =	sbarrier.arrive $0xFFFF  }
0x39f: {  	p0 =	sne.s32 s0, $0x0;
	s0 =	rddreg [dreg:$0x3]  }
0x3a0: {  	s0 =	sadd.s32 @!p0 $0x100000, s0  }
0x3a1: {  	[sflag:s0] =	ssyncadd.tile.s32 @!p0 $0x1;
	_ =	shalt  }
.Lfunc_end2:
_tile_overlayer_lowered:
.L_overlay_start_2:
0x3a2: {  	(tag) =	ssettag $0x2  }
0x3a3: {  	s0 =	rddreg [dreg:$0x0];
	s2 =	stileid.u32  }
0x3a4: {  	s1 =	rddreg [dreg:$0x1];
	p0 =	sne.s32 s2, $0x0  }
0x3a5: {  	s3 =	rddreg [dreg:$0x2];
	[bflag:$0x3] =	sbarrier.arrive $0xFFFF;
	s2 =	simm.s32 @!p0 $0x1C03  }
0x3a6: {  	[timem:s3], [sflag:s2] =	dma.local @!p0 [hbm:s0], s1  }
0x3a7: {  	s0 =	simm.s32 @!p0 $0x3  }
0x3a8: {  	_ =	swait.ge @!p0 [sflag:s0], s1  }
0x3a9: {  	s1 =	ssub.s32 @!p0 $0x0, s1;
	[sflag:s0] =	ssyncset.done @!p0 $0x0  }
0x3aa: {  	[sflag:s0] =	ssyncadd.s32 @!p0 s1  }
0x3ab: {  	[bflag:$0x3] =	sbarrier.arrive $0xFFFF  }
0x3ac: {  	_ =	shalt  }

</sc_bundles>
